<compile_context>
chip_gen: v7x
topology: tpu7x:2x2x1
jax: 0.10.2.dev20260603
libtpu: 0.0.44.dev20260713+nightly
codegen_flags: <defaults>
</compile_context>

<pallas_src>
import functools

import jax
import jax.numpy as jnp
from jax import lax
from jax.experimental import pallas as pl
from jax.experimental.pallas import tpu as pltpu
from jax.experimental.pallas import tpu_sc as plsc

_N = 16384
_C = 10000
_NC = 1
_NS = 16
_NW = _NC * _NS
_PW = _N // _NW
_CHUNK = 128
_NCH = _PW // _CHUNK
_L = 16


def _body(prob_hbm, tgt_hbm, rew_hbm, out_hbm,
          tgt_v, idx_v, val_v, rew_v, acc_v, zero_v, izero_v, idx1_v,
          iz_sh, red_sh, lt_v, lt2_v,
          t0sem, t1sem, rsem, i0sem, i1sem,
          g0sem, g1sem, g2sem, g3sem, g4sem, g5sem, g6sem, g7sem):
    cid = lax.axis_index("c")
    sid = lax.axis_index("s")
    wid = sid * _NC + cid
    base = wid * _PW

    tcopy0 = pltpu.async_copy(tgt_hbm.at[pl.ds(base, _CHUNK)],
                              tgt_v.at[pl.ds(0, _CHUNK)], t0sem)
    tcopy1 = pltpu.async_copy(tgt_hbm.at[pl.ds(base + _CHUNK, _PW - _CHUNK)],
                              tgt_v.at[pl.ds(_CHUNK, _PW - _CHUNK)], t1sem)
    rcopy = pltpu.async_copy(rew_hbm.at[pl.ds(base, _PW)], rew_v, rsem)

    izero_v[...] = jnp.zeros((_L,), jnp.int32)
    izcopy = pltpu.async_copy(izero_v, iz_sh.at[sid], i0sem)

    @pl.when(sid == 0)
    def _():
        zero_v[...] = jnp.zeros((_L,), jnp.float32)
        pltpu.sync_copy(zero_v, red_sh.at[0])

    lane = lax.iota(jnp.int32, _L)
    gsems = [g0sem, g1sem, g2sem, g3sem, g4sem, g5sem, g6sem, g7sem]
    gathers = []
    widr = lax.shift_left(wid, 13)
    _acc = [jnp.zeros((_L,), jnp.float32), jnp.zeros((_L,), jnp.float32)]

    def _fma(j):
        gathers[j].wait()
        for g in range(0, _CHUNK // _L, 2):
            t = j * (_CHUNK // _L) + g
            _acc[0] = _acc[0] + val_v[pl.ds(t * _L, _L)] * rew_v[pl.ds(t * _L, _L)]
            _acc[1] = _acc[1] + val_v[pl.ds((t + 1) * _L, _L)] * rew_v[pl.ds((t + 1) * _L, _L)]

    tcopy0.wait()
    icopy = None
    for j in range(_NCH):
        if j == 1:
            tcopy1.wait()
            izcopy.wait()
            icopy = pltpu.async_copy(iz_sh.at[sid].at[pl.ds(0, 1)],
                                     idx1_v, i1sem)
        for g in range(_CHUNK // _L):
            off = j * _CHUNK + g * _L
            rconst = ((off >> 7) << 10) + (off & 127)
            c = tgt_v[pl.ds(off, _L)]
            k = (
                lax.shift_left(lax.bitwise_and(c, jnp.int32(-8)), 14)
                + lax.shift_left(lax.bitwise_and(c, 7), 7)
                + (widr + (rconst + lane))
            )
            idx_v[j, pl.ds(g * _L, _L)] = k
        gathers.append(
            pltpu.async_copy(
                prob_hbm.at[idx_v.at[j]],
                val_v.at[pl.ds(j * _CHUNK, _CHUNK)],
                gsems[j],
            )
        )

    rcopy.wait()
    for j in range(_NCH):
        _fma(j)
    acc_v[0, :] = _acc[0] + _acc[1]

    icopy.wait()
    plsc.subcore_barrier()
    pltpu.sync_copy(acc_v, red_sh.at[idx1_v], add=True)
    plsc.subcore_barrier()

    @pl.when(sid == 0)
    def _():
        pltpu.sync_copy(red_sh.at[0], lt_v)
        tot = lt_v[...]
        lt2_v[pl.ds(_L, _L)] = tot
        for s in (8, 4, 2, 1):
            lt2_v[pl.ds(0, _L)] = tot
            tot = tot + lt2_v[pl.ds(s, _L)]
        zero_v[...] = tot * (-1.0 / _N)
        pltpu.sync_copy(zero_v.at[pl.ds(0, 1)], out_hbm)


_gather_loss = functools.partial(
    pl.kernel,
    out_type=jax.ShapeDtypeStruct((1,), jnp.float32),
    mesh=plsc.VectorSubcoreMesh(core_axis_name="c", subcore_axis_name="s",
                                num_cores=1),
    scratch_types=[
        pltpu.VMEM((_PW,), jnp.int32),
        pltpu.VMEM((_NCH, _CHUNK), jnp.int32),
        pltpu.VMEM((_PW,), jnp.float32),
        pltpu.VMEM((_PW,), jnp.float32),
        pltpu.VMEM((1, _L), jnp.float32),
        pltpu.VMEM((_L,), jnp.float32),
        pltpu.VMEM((_L,), jnp.int32),
        pltpu.VMEM((1,), jnp.int32),
        pltpu.VMEM_SHARED((_NS, _L), jnp.int32),
        pltpu.VMEM_SHARED((1, _L), jnp.float32),
        pltpu.VMEM((_L,), jnp.float32),
        pltpu.VMEM((2 * _L,), jnp.float32),
        pltpu.SemaphoreType.DMA,
        pltpu.SemaphoreType.DMA,
        pltpu.SemaphoreType.DMA,
        pltpu.SemaphoreType.DMA,
        pltpu.SemaphoreType.DMA,
        pltpu.SemaphoreType.DMA,
        pltpu.SemaphoreType.DMA,
        pltpu.SemaphoreType.DMA,
        pltpu.SemaphoreType.DMA,
        pltpu.SemaphoreType.DMA,
        pltpu.SemaphoreType.DMA,
        pltpu.SemaphoreType.DMA,
        pltpu.SemaphoreType.DMA,
    ],
)(_body)


def kernel(prob, targets, reward):
    pflat = prob.reshape(128, 128, 1250, 8).transpose(2, 0, 3, 1).reshape(-1)
    return jnp.reshape(_gather_loss(pflat, targets, reward), ())

# --- scband reference (transcript-rebuilt; emitter-appended) ---
"""Pipeline reference for scband-ganloss-52321291600268 (READ-ONLY COPY).

The authoritative reference and input builder live on the scoring server;
editing this copy changes nothing except your own understanding.
"""

import jax, jax.numpy as jnp
import numpy as np

N = 16384
C = 10000

def setup_inputs(seed: int = 0) -> dict:
    key = jax.random.key(seed)
    k1, k2, k3 = jax.random.split(key, 3)
    prob = jax.random.normal(k1, (N, C), dtype=jnp.float32)
    targets = jax.random.randint(k2, (N,), 0, C, dtype=jnp.int32)
    reward = jax.random.uniform(k3, (N,), dtype=jnp.float32)
    return {"prob": prob, "targets": targets, "reward": reward}

def reference(prob, targets, reward):
    # torch: one_hot scatter + masked_select == per-row gather of prob at targets
    # (masked_select iterates row-major, selecting exactly one element per row,
    #  so the result order matches a per-row gather)
    selected = jnp.take_along_axis(prob, targets[:, None].astype(jnp.int32), axis=1)[:, 0]
    loss = selected * reward
    loss = -jnp.mean(loss)
    return loss

if __name__ == "__main__":
    import jax
    _d = setup_inputs()
    print(jax.jit(kernel)(*tuple(_d.values())))

</pallas_src>

<mosaic_0001>
#map = affine_map<(d0, d1) -> (0)>
module attributes {stable_mosaic.version = 14 : i64} {
  func.func @_body(%arg0: i32, %arg1: i32, %arg2: memref<163840000xf32, #tpu.memory_space<hbm>>, %arg3: memref<16384xi32, #tpu.memory_space<hbm>>, %arg4: memref<16384xf32, #tpu.memory_space<hbm>>, %arg5: memref<1xf32, #tpu.memory_space<hbm>>, %arg6: memref<1024xi32, #tpu.memory_space<vmem>>, %arg7: memref<8x128xi32, #tpu.memory_space<vmem>>, %arg8: memref<1024xf32, #tpu.memory_space<vmem>>, %arg9: memref<1024xf32, #tpu.memory_space<vmem>>, %arg10: memref<1x16xf32, #tpu.memory_space<vmem>>, %arg11: memref<16xf32, #tpu.memory_space<vmem>>, %arg12: memref<16xi32, #tpu.memory_space<vmem>>, %arg13: memref<1xi32, #tpu.memory_space<vmem>>, %arg14: memref<16x16xi32, #tpu.memory_space<vmem_shared>>, %arg15: memref<1x16xf32, #tpu.memory_space<vmem_shared>>, %arg16: memref<16xf32, #tpu.memory_space<vmem>>, %arg17: memref<32xf32, #tpu.memory_space<vmem>>, %arg18: memref<!tpu.dma_semaphore, #tpu.memory_space<semaphore_mem>>, %arg19: memref<!tpu.dma_semaphore, #tpu.memory_space<semaphore_mem>>, %arg20: memref<!tpu.dma_semaphore, #tpu.memory_space<semaphore_mem>>, %arg21: memref<!tpu.dma_semaphore, #tpu.memory_space<semaphore_mem>>, %arg22: memref<!tpu.dma_semaphore, #tpu.memory_space<semaphore_mem>>, %arg23: memref<!tpu.dma_semaphore, #tpu.memory_space<semaphore_mem>>, %arg24: memref<!tpu.dma_semaphore, #tpu.memory_space<semaphore_mem>>, %arg25: memref<!tpu.dma_semaphore, #tpu.memory_space<semaphore_mem>>, %arg26: memref<!tpu.dma_semaphore, #tpu.memory_space<semaphore_mem>>, %arg27: memref<!tpu.dma_semaphore, #tpu.memory_space<semaphore_mem>>, %arg28: memref<!tpu.dma_semaphore, #tpu.memory_space<semaphore_mem>>, %arg29: memref<!tpu.dma_semaphore, #tpu.memory_space<semaphore_mem>>, %arg30: memref<!tpu.dma_semaphore, #tpu.memory_space<semaphore_mem>>) attributes {dimension_semantics = [#tpu.dimension_semantics<core_parallel>, #tpu.dimension_semantics<subcore_parallel>], iteration_bounds = array<i64: 1, 16>, scalar_prefetch = 0 : i64, scratch_operands = 25 : i64, tpu.core_type = #tpu.core_type<sc_vector_subcore>, window_params = [{transform_indices = #map}, {transform_indices = #map}, {transform_indices = #map}, {transform_indices = #map}]} {
    %mul3A = arith.constant 1 : i32
    %mul3A_0 = arith.muli %arg1, %mul3A : i32
    %add3A = arith.addi %mul3A_0, %arg0 : i32
    %mul3A_1 = arith.constant 1024 : i32
    %mul3A_2 = arith.muli %add3A, %mul3A_1 : i32
    %dma_start3A = arith.constant 0 : i32
    %dma_start3A_3 = tpu.memref_slice %arg6[%dma_start3A] : memref<1024xi32, #tpu.memory_space<vmem>> -> memref<128xi32, #tpu.memory_space<vmem>>
    %dma_start3A_4 = tpu.memref_slice %arg3[%mul3A_2] : memref<16384xi32, #tpu.memory_space<hbm>> -> memref<128xi32, #tpu.memory_space<hbm>>
    %dma_start3A_5 = arith.constant 0 : i32
    %dma_start3A_6 = tpu.memref_slice %arg6[%dma_start3A_5] : memref<1024xi32, #tpu.memory_space<vmem>> -> memref<128xi32, #tpu.memory_space<vmem>>
    %dma_start3A_7 = tpu.memref_slice %arg3[%mul3A_2] : memref<16384xi32, #tpu.memory_space<hbm>> -> memref<128xi32, #tpu.memory_space<hbm>>
    tpu.enqueue_dma source(%dma_start3A_7 : memref<128xi32, #tpu.memory_space<hbm>>) target(%dma_start3A_6 : memref<128xi32, #tpu.memory_space<vmem>>) target_semaphore(%arg18 : memref<!tpu.dma_semaphore, #tpu.memory_space<semaphore_mem>>)
    %add3A_8 = arith.constant 128 : i32
    %add3A_9 = arith.addi %mul3A_2, %add3A_8 : i32
    %dma_start3A_10 = arith.constant 128 : i32
    %dma_start3A_11 = tpu.memref_slice %arg6[%dma_start3A_10] : memref<1024xi32, #tpu.memory_space<vmem>> -> memref<896xi32, #tpu.memory_space<vmem>>
    %dma_start3A_12 = tpu.memref_slice %arg3[%add3A_9] : memref<16384xi32, #tpu.memory_space<hbm>> -> memref<896xi32, #tpu.memory_space<hbm>>
    %dma_start3A_13 = arith.constant 128 : i32
    %dma_start3A_14 = tpu.memref_slice %arg6[%dma_start3A_13] : memref<1024xi32, #tpu.memory_space<vmem>> -> memref<896xi32, #tpu.memory_space<vmem>>
    %dma_start3A_15 = tpu.memref_slice %arg3[%add3A_9] : memref<16384xi32, #tpu.memory_space<hbm>> -> memref<896xi32, #tpu.memory_space<hbm>>
    tpu.enqueue_dma source(%dma_start3A_15 : memref<896xi32, #tpu.memory_space<hbm>>) target(%dma_start3A_14 : memref<896xi32, #tpu.memory_space<vmem>>) target_semaphore(%arg19 : memref<!tpu.dma_semaphore, #tpu.memory_space<semaphore_mem>>)
    %dma_start3A_16 = tpu.memref_slice %arg4[%mul3A_2] : memref<16384xf32, #tpu.memory_space<hbm>> -> memref<1024xf32, #tpu.memory_space<hbm>>
    %dma_start3A_17 = tpu.memref_slice %arg4[%mul3A_2] : memref<16384xf32, #tpu.memory_space<hbm>> -> memref<1024xf32, #tpu.memory_space<hbm>>
    tpu.enqueue_dma source(%dma_start3A_17 : memref<1024xf32, #tpu.memory_space<hbm>>) target(%arg9 : memref<1024xf32, #tpu.memory_space<vmem>>) target_semaphore(%arg20 : memref<!tpu.dma_semaphore, #tpu.memory_space<semaphore_mem>>)
    %broadcast_in_dim3A = arith.constant 0 : i32
    %broadcast_in_dim3A_18 = vector.broadcast %broadcast_in_dim3A : i32 to vector<16xi32>
    %swap3A = arith.constant 0 : index
    %swap3A_19 = tpu.vector_load %arg12[%swap3A] {strides = array<i32>} : memref<16xi32, #tpu.memory_space<vmem>>, vector<16xi32>,
    %swap3A_20 = vector.shape_cast %swap3A_19 : vector<16xi32> to vector<16xi32>
    %swap3A_21 = vector.shape_cast %broadcast_in_dim3A_18 : vector<16xi32> to vector<16xi32>
    tpu.vector_store %arg12[%swap3A], %swap3A_21 {strides = array<i32>} : memref<16xi32, #tpu.memory_space<vmem>>, vector<16xi32>,
    %dma_start3A_22 = arith.constant 0 : i32
    %dma_start3A_23 = tpu.memref_slice %arg14[%arg1, %dma_start3A_22] : memref<16x16xi32, #tpu.memory_space<vmem_shared>> -> memref<1x16xi32, #tpu.memory_space<vmem_shared>>
    %dma_start3A_24 = tpu.memref_squeeze %dma_start3A_23 : memref<1x16xi32, #tpu.memory_space<vmem_shared>> -> memref<16xi32, #tpu.memory_space<vmem_shared>>
    %dma_start3A_25 = arith.constant 0 : i32
    %dma_start3A_26 = tpu.memref_slice %arg14[%arg1, %dma_start3A_25] : memref<16x16xi32, #tpu.memory_space<vmem_shared>> -> memref<1x16xi32, #tpu.memory_space<vmem_shared>>
    %dma_start3A_27 = tpu.memref_squeeze %dma_start3A_26 : memref<1x16xi32, #tpu.memory_space<vmem_shared>> -> memref<16xi32, #tpu.memory_space<vmem_shared>>
    tpu.enqueue_dma source(%arg12 : memref<16xi32, #tpu.memory_space<vmem>>) target(%dma_start3A_27 : memref<16xi32, #tpu.memory_space<vmem_shared>>) target_semaphore(%arg21 : memref<!tpu.dma_semaphore, #tpu.memory_space<semaphore_mem>>)
    %eq3A = arith.constant 0 : i32
    %eq3A_28 = arith.cmpi eq, %arg1, %eq3A : i32
    %convert_element_type3A = arith.extui %eq3A_28 : i1 to i32
    %cond3A = arith.constant 0 : i32
    %cond3A_29 = arith.cmpi ne, %convert_element_type3A, %cond3A : i32
    scf.if %cond3A_29 {
      %broadcast_in_dim3A_2517 = arith.constant 0.000000e+00 : f32
      %broadcast_in_dim3A_2518 = vector.broadcast %broadcast_in_dim3A_2517 : f32 to vector<16xf32>
      %swap3A_2519 = arith.constant 0 : index
      %swap3A_2520 = tpu.vector_load %arg11[%swap3A_2519] {strides = array<i32>} : memref<16xf32, #tpu.memory_space<vmem>>, vector<16xf32>,
      %swap3A_2521 = vector.shape_cast %swap3A_2520 : vector<16xf32> to vector<16xf32>
      %swap3A_2522 = vector.shape_cast %broadcast_in_dim3A_2518 : vector<16xf32> to vector<16xf32>
      tpu.vector_store %arg11[%swap3A_2519], %swap3A_2522 {strides = array<i32>} : memref<16xf32, #tpu.memory_space<vmem>>, vector<16xf32>,
      %run_scoped3A = arith.constant 0 : i32
      "tpu.region"() ({
        %run_scoped3A_2523 = tpu.sem_alloc : memref<!tpu.dma_semaphore, #tpu.memory_space<semaphore_mem>>
        %dma_start3A_2524 = arith.constant 0 : i32
        %dma_start3A_2525 = tpu.memref_slice %arg15[%run_scoped3A, %dma_start3A_2524] : memref<1x16xf32, #tpu.memory_space<vmem_shared>> -> memref<1x16xf32, #tpu.memory_space<vmem_shared>>
        %dma_start3A_2526 = tpu.memref_squeeze %dma_start3A_2525 : memref<1x16xf32, #tpu.memory_space<vmem_shared>> -> memref<16xf32, #tpu.memory_space<vmem_shared>>
        %dma_start3A_2527 = arith.constant 0 : i32
        %dma_start3A_2528 = tpu.memref_slice %arg15[%run_scoped3A, %dma_start3A_2527] : memref<1x16xf32, #tpu.memory_space<vmem_shared>> -> memref<1x16xf32, #tpu.memory_space<vmem_shared>>
        %dma_start3A_2529 = tpu.memref_squeeze %dma_start3A_2528 : memref<1x16xf32, #tpu.memory_space<vmem_shared>> -> memref<16xf32, #tpu.memory_space<vmem_shared>>
        tpu.enqueue_dma source(%arg11 : memref<16xf32, #tpu.memory_space<vmem>>) target(%dma_start3A_2529 : memref<16xf32, #tpu.memory_space<vmem_shared>>) target_semaphore(%run_scoped3A_2523 : memref<!tpu.dma_semaphore, #tpu.memory_space<semaphore_mem>>)
        %dma_wait3A_2530 = arith.constant 0 : i32
        %dma_wait3A_2531 = tpu.memref_slice %arg15[%run_scoped3A, %dma_wait3A_2530] : memref<1x16xf32, #tpu.memory_space<vmem_shared>> -> memref<1x16xf32, #tpu.memory_space<vmem_shared>>
        %dma_wait3A_2532 = tpu.memref_squeeze %dma_wait3A_2531 : memref<1x16xf32, #tpu.memory_space<vmem_shared>> -> memref<16xf32, #tpu.memory_space<vmem_shared>>
        %dma_wait3A_2533 = arith.constant 0 : i32
        %dma_wait3A_2534 = tpu.memref_slice %arg15[%run_scoped3A, %dma_wait3A_2533] : memref<1x16xf32, #tpu.memory_space<vmem_shared>> -> memref<1x16xf32, #tpu.memory_space<vmem_shared>>
        %dma_wait3A_2535 = tpu.memref_squeeze %dma_wait3A_2534 : memref<1x16xf32, #tpu.memory_space<vmem_shared>> -> memref<16xf32, #tpu.memory_space<vmem_shared>>
        tpu.wait_dma2 semaphore(%run_scoped3A_2523 : memref<!tpu.dma_semaphore, #tpu.memory_space<semaphore_mem>>) src(%arg11 : memref<16xf32, #tpu.memory_space<vmem>>) dst(%dma_wait3A_2535 : memref<16xf32, #tpu.memory_space<vmem_shared>>)
        tpu.yield
      }) : () -> ()
    } else {
    }
    %iota3A = tpu.iota {dimensions = array<i32: 0>} : vector<16xi32>
    %shift_left3A = arith.constant 13 : i32
    %shift_left3A_30 = arith.shli %add3A, %shift_left3A : i32
    %broadcast_in_dim3A_31 = arith.constant 0.000000e+00 : f32
    %broadcast_in_dim3A_32 = vector.broadcast %broadcast_in_dim3A_31 : f32 to vector<16xf32>
    %broadcast_in_dim3A_33 = arith.constant 0.000000e+00 : f32
    %broadcast_in_dim3A_34 = vector.broadcast %broadcast_in_dim3A_33 : f32 to vector<16xf32>
    %dma_wait3A = arith.constant 0 : i32
    %dma_wait3A_35 = tpu.memref_slice %arg6[%dma_wait3A] : memref<1024xi32, #tpu.memory_space<vmem>> -> memref<128xi32, #tpu.memory_space<vmem>>
    %dma_wait3A_36 = tpu.memref_slice %arg3[%mul3A_2] : memref<16384xi32, #tpu.memory_space<hbm>> -> memref<128xi32, #tpu.memory_space<hbm>>
    %dma_wait3A_37 = arith.constant 0 : i32
    %dma_wait3A_38 = tpu.memref_slice %arg6[%dma_wait3A_37] : memref<1024xi32, #tpu.memory_space<vmem>> -> memref<128xi32, #tpu.memory_space<vmem>>
    %dma_wait3A_39 = tpu.memref_slice %arg3[%mul3A_2] : memref<16384xi32, #tpu.memory_space<hbm>> -> memref<128xi32, #tpu.memory_space<hbm>>
    tpu.wait_dma2 semaphore(%arg18 : memref<!tpu.dma_semaphore, #tpu.memory_space<semaphore_mem>>) src(%dma_wait3A_39 : memref<128xi32, #tpu.memory_space<hbm>>) dst(%dma_wait3A_38 : memref<128xi32, #tpu.memory_space<vmem>>)
    %get3A = arith.constant 0 : index
    %get3A_40 = tpu.vector_load %arg6[%get3A] {strides = array<i32>} : memref<1024xi32, #tpu.memory_space<vmem>>, vector<16xi32>,
    %get3A_41 = vector.shape_cast %get3A_40 : vector<16xi32> to vector<16xi32>
    %and3A = arith.constant -8 : i32
    %and3A_42 = vector.broadcast %and3A : i32 to vector<16xi32>
    %and3A_43 = arith.andi %get3A_41, %and3A_42 : vector<16xi32>
    %shift_left3A_44 = arith.constant 14 : i32
    %shift_left3A_45 = vector.broadcast %shift_left3A_44 : i32 to vector<16xi32>
    %shift_left3A_46 = arith.shli %and3A_43, %shift_left3A_45 : vector<16xi32>
    %and3A_47 = arith.constant 7 : i32
    %and3A_48 = vector.broadcast %and3A_47 : i32 to vector<16xi32>
    %and3A_49 = arith.andi %get3A_41, %and3A_48 : vector<16xi32>
    %shift_left3A_50 = arith.constant 7 : i32
    %shift_left3A_51 = vector.broadcast %shift_left3A_50 : i32 to vector<16xi32>
    %shift_left3A_52 = arith.shli %and3A_49, %shift_left3A_51 : vector<16xi32>
    %add3A_53 = arith.addi %shift_left3A_46, %shift_left3A_52 : vector<16xi32>
    %add3A_54 = arith.constant 0 : i32
    %add3A_55 = vector.broadcast %add3A_54 : i32 to vector<16xi32>
    %add3A_56 = arith.addi %add3A_55, %iota3A : vector<16xi32>
    %add3A_57 = vector.broadcast %shift_left3A_30 : i32 to vector<16xi32>
    %add3A_58 = arith.addi %add3A_57, %add3A_56 : vector<16xi32>
    %add3A_59 = arith.addi %add3A_53, %add3A_58 : vector<16xi32>
    %swap3A_60 = arith.constant 0 : i32
    %swap3A_61 = arith.index_cast %swap3A_60 : i32 to index
    %swap3A_62 = arith.constant 0 : index
    %swap3A_63 = tpu.vector_load %arg7[%swap3A_61, %swap3A_62] {strides = array<i32>} : memref<8x128xi32, #tpu.memory_space<vmem>>, vector<1x16xi32>,
    %swap3A_64 = vector.shape_cast %swap3A_63 : vector<1x16xi32> to vector<16xi32>
    %swap3A_65 = vector.shape_cast %add3A_59 : vector<16xi32> to vector<1x16xi32>
    tpu.vector_store %arg7[%swap3A_61, %swap3A_62], %swap3A_65 {strides = array<i32>} : memref<8x128xi32, #tpu.memory_space<vmem>>, vector<1x16xi32>,
    %get3A_66 = arith.constant 16 : index
    %get3A_67 = tpu.vector_load %arg6[%get3A_66] {strides = array<i32>} : memref<1024xi32, #tpu.memory_space<vmem>>, vector<16xi32>,
    %get3A_68 = vector.shape_cast %get3A_67 : vector<16xi32> to vector<16xi32>
    %and3A_69 = arith.constant -8 : i32
    %and3A_70 = vector.broadcast %and3A_69 : i32 to vector<16xi32>
    %and3A_71 = arith.andi %get3A_68, %and3A_70 : vector<16xi32>
    %shift_left3A_72 = arith.constant 14 : i32
    %shift_left3A_73 = vector.broadcast %shift_left3A_72 : i32 to vector<16xi32>
    %shift_left3A_74 = arith.shli %and3A_71, %shift_left3A_73 : vector<16xi32>
    %and3A_75 = arith.constant 7 : i32
    %and3A_76 = vector.broadcast %and3A_75 : i32 to vector<16xi32>
    %and3A_77 = arith.andi %get3A_68, %and3A_76 : vector<16xi32>
    %shift_left3A_78 = arith.constant 7 : i32
    %shift_left3A_79 = vector.broadcast %shift_left3A_78 : i32 to vector<16xi32>
    %shift_left3A_80 = arith.shli %and3A_77, %shift_left3A_79 : vector<16xi32>
    %add3A_81 = arith.addi %shift_left3A_74, %shift_left3A_80 : vector<16xi32>
    %add3A_82 = arith.constant 16 : i32
    %add3A_83 = vector.broadcast %add3A_82 : i32 to vector<16xi32>
    %add3A_84 = arith.addi %add3A_83, %iota3A : vector<16xi32>
    %add3A_85 = vector.broadcast %shift_left3A_30 : i32 to vector<16xi32>
    %add3A_86 = arith.addi %add3A_85, %add3A_84 : vector<16xi32>
    %add3A_87 = arith.addi %add3A_81, %add3A_86 : vector<16xi32>
    %swap3A_88 = arith.constant 0 : i32
    %swap3A_89 = arith.index_cast %swap3A_88 : i32 to index
    %swap3A_90 = arith.constant 16 : index
    %swap3A_91 = tpu.vector_load %arg7[%swap3A_89, %swap3A_90] {strides = array<i32>} : memref<8x128xi32, #tpu.memory_space<vmem>>, vector<1x16xi32>,
    %swap3A_92 = vector.shape_cast %swap3A_91 : vector<1x16xi32> to vector<16xi32>
    %swap3A_93 = vector.shape_cast %add3A_87 : vector<16xi32> to vector<1x16xi32>
    tpu.vector_store %arg7[%swap3A_89, %swap3A_90], %swap3A_93 {strides = array<i32>} : memref<8x128xi32, #tpu.memory_space<vmem>>, vector<1x16xi32>,
    %get3A_94 = arith.constant 32 : index
    %get3A_95 = tpu.vector_load %arg6[%get3A_94] {strides = array<i32>} : memref<1024xi32, #tpu.memory_space<vmem>>, vector<16xi32>,
    %get3A_96 = vector.shape_cast %get3A_95 : vector<16xi32> to vector<16xi32>
    %and3A_97 = arith.constant -8 : i32
    %and3A_98 = vector.broadcast %and3A_97 : i32 to vector<16xi32>
    %and3A_99 = arith.andi %get3A_96, %and3A_98 : vector<16xi32>
    %shift_left3A_100 = arith.constant 14 : i32
    %shift_left3A_101 = vector.broadcast %shift_left3A_100 : i32 to vector<16xi32>
    %shift_left3A_102 = arith.shli %and3A_99, %shift_left3A_101 : vector<16xi32>
    %and3A_103 = arith.constant 7 : i32
    %and3A_104 = vector.broadcast %and3A_103 : i32 to vector<16xi32>
    %and3A_105 = arith.andi %get3A_96, %and3A_104 : vector<16xi32>
    %shift_left3A_106 = arith.constant 7 : i32
    %shift_left3A_107 = vector.broadcast %shift_left3A_106 : i32 to vector<16xi32>
    %shift_left3A_108 = arith.shli %and3A_105, %shift_left3A_107 : vector<16xi32>
    %add3A_109 = arith.addi %shift_left3A_102, %shift_left3A_108 : vector<16xi32>
    %add3A_110 = arith.constant 32 : i32
    %add3A_111 = vector.broadcast %add3A_110 : i32 to vector<16xi32>
    %add3A_112 = arith.addi %add3A_111, %iota3A : vector<16xi32>
    %add3A_113 = vector.broadcast %shift_left3A_30 : i32 to vector<16xi32>
    %add3A_114 = arith.addi %add3A_113, %add3A_112 : vector<16xi32>
    %add3A_115 = arith.addi %add3A_109, %add3A_114 : vector<16xi32>
    %swap3A_116 = arith.constant 0 : i32
    %swap3A_117 = arith.index_cast %swap3A_116 : i32 to index
    %swap3A_118 = arith.constant 32 : index
    %swap3A_119 = tpu.vector_load %arg7[%swap3A_117, %swap3A_118] {strides = array<i32>} : memref<8x128xi32, #tpu.memory_space<vmem>>, vector<1x16xi32>,
    %swap3A_120 = vector.shape_cast %swap3A_119 : vector<1x16xi32> to vector<16xi32>
    %swap3A_121 = vector.shape_cast %add3A_115 : vector<16xi32> to vector<1x16xi32>
    tpu.vector_store %arg7[%swap3A_117, %swap3A_118], %swap3A_121 {strides = array<i32>} : memref<8x128xi32, #tpu.memory_space<vmem>>, vector<1x16xi32>,
    %get3A_122 = arith.constant 48 : index
    %get3A_123 = tpu.vector_load %arg6[%get3A_122] {strides = array<i32>} : memref<1024xi32, #tpu.memory_space<vmem>>, vector<16xi32>,
    %get3A_124 = vector.shape_cast %get3A_123 : vector<16xi32> to vector<16xi32>
    %and3A_125 = arith.constant -8 : i32
    %and3A_126 = vector.broadcast %and3A_125 : i32 to vector<16xi32>
    %and3A_127 = arith.andi %get3A_124, %and3A_126 : vector<16xi32>
    %shift_left3A_128 = arith.constant 14 : i32
    %shift_left3A_129 = vector.broadcast %shift_left3A_128 : i32 to vector<16xi32>
    %shift_left3A_130 = arith.shli %and3A_127, %shift_left3A_129 : vector<16xi32>
    %and3A_131 = arith.constant 7 : i32
    %and3A_132 = vector.broadcast %and3A_131 : i32 to vector<16xi32>
    %and3A_133 = arith.andi %get3A_124, %and3A_132 : vector<16xi32>
    %shift_left3A_134 = arith.constant 7 : i32
    %shift_left3A_135 = vector.broadcast %shift_left3A_134 : i32 to vector<16xi32>
    %shift_left3A_136 = arith.shli %and3A_133, %shift_left3A_135 : vector<16xi32>
    %add3A_137 = arith.addi %shift_left3A_130, %shift_left3A_136 : vector<16xi32>
    %add3A_138 = arith.constant 48 : i32
    %add3A_139 = vector.broadcast %add3A_138 : i32 to vector<16xi32>
    %add3A_140 = arith.addi %add3A_139, %iota3A : vector<16xi32>
    %add3A_141 = vector.broadcast %shift_left3A_30 : i32 to vector<16xi32>
    %add3A_142 = arith.addi %add3A_141, %add3A_140 : vector<16xi32>
    %add3A_143 = arith.addi %add3A_137, %add3A_142 : vector<16xi32>
    %swap3A_144 = arith.constant 0 : i32
    %swap3A_145 = arith.index_cast %swap3A_144 : i32 to index
    %swap3A_146 = arith.constant 48 : index
    %swap3A_147 = tpu.vector_load %arg7[%swap3A_145, %swap3A_146] {strides = array<i32>} : memref<8x128xi32, #tpu.memory_space<vmem>>, vector<1x16xi32>,
    %swap3A_148 = vector.shape_cast %swap3A_147 : vector<1x16xi32> to vector<16xi32>
    %swap3A_149 = vector.shape_cast %add3A_143 : vector<16xi32> to vector<1x16xi32>
    tpu.vector_store %arg7[%swap3A_145, %swap3A_146], %swap3A_149 {strides = array<i32>} : memref<8x128xi32, #tpu.memory_space<vmem>>, vector<1x16xi32>,
    %get3A_150 = arith.constant 64 : index
    %get3A_151 = tpu.vector_load %arg6[%get3A_150] {strides = array<i32>} : memref<1024xi32, #tpu.memory_space<vmem>>, vector<16xi32>,
    %get3A_152 = vector.shape_cast %get3A_151 : vector<16xi32> to vector<16xi32>
    %and3A_153 = arith.constant -8 : i32
    %and3A_154 = vector.broadcast %and3A_153 : i32 to vector<16xi32>
    %and3A_155 = arith.andi %get3A_152, %and3A_154 : vector<16xi32>
    %shift_left3A_156 = arith.constant 14 : i32
    %shift_left3A_157 = vector.broadcast %shift_left3A_156 : i32 to vector<16xi32>
    %shift_left3A_158 = arith.shli %and3A_155, %shift_left3A_157 : vector<16xi32>
    %and3A_159 = arith.constant 7 : i32
    %and3A_160 = vector.broadcast %and3A_159 : i32 to vector<16xi32>
    %and3A_161 = arith.andi %get3A_152, %and3A_160 : vector<16xi32>
    %shift_left3A_162 = arith.constant 7 : i32
    %shift_left3A_163 = vector.broadcast %shift_left3A_162 : i32 to vector<16xi32>
    %shift_left3A_164 = arith.shli %and3A_161, %shift_left3A_163 : vector<16xi32>
    %add3A_165 = arith.addi %shift_left3A_158, %shift_left3A_164 : vector<16xi32>
    %add3A_166 = arith.constant 64 : i32
    %add3A_167 = vector.broadcast %add3A_166 : i32 to vector<16xi32>
    %add3A_168 = arith.addi %add3A_167, %iota3A : vector<16xi32>
    %add3A_169 = vector.broadcast %shift_left3A_30 : i32 to vector<16xi32>
    %add3A_170 = arith.addi %add3A_169, %add3A_168 : vector<16xi32>
    %add3A_171 = arith.addi %add3A_165, %add3A_170 : vector<16xi32>
    %swap3A_172 = arith.constant 0 : i32
    %swap3A_173 = arith.index_cast %swap3A_172 : i32 to index
    %swap3A_174 = arith.constant 64 : index
    %swap3A_175 = tpu.vector_load %arg7[%swap3A_173, %swap3A_174] {strides = array<i32>} : memref<8x128xi32, #tpu.memory_space<vmem>>, vector<1x16xi32>,
    %swap3A_176 = vector.shape_cast %swap3A_175 : vector<1x16xi32> to vector<16xi32>
    %swap3A_177 = vector.shape_cast %add3A_171 : vector<16xi32> to vector<1x16xi32>
    tpu.vector_store %arg7[%swap3A_173, %swap3A_174], %swap3A_177 {strides = array<i32>} : memref<8x128xi32, #tpu.memory_space<vmem>>, vector<1x16xi32>,
    %get3A_178 = arith.constant 80 : index
    %get3A_179 = tpu.vector_load %arg6[%get3A_178] {strides = array<i32>} : memref<1024xi32, #tpu.memory_space<vmem>>, vector<16xi32>,
    %get3A_180 = vector.shape_cast %get3A_179 : vector<16xi32> to vector<16xi32>
    %and3A_181 = arith.constant -8 : i32
    %and3A_182 = vector.broadcast %and3A_181 : i32 to vector<16xi32>
    %and3A_183 = arith.andi %get3A_180, %and3A_182 : vector<16xi32>
    %shift_left3A_184 = arith.constant 14 : i32
    %shift_left3A_185 = vector.broadcast %shift_left3A_184 : i32 to vector<16xi32>
    %shift_left3A_186 = arith.shli %and3A_183, %shift_left3A_185 : vector<16xi32>
    %and3A_187 = arith.constant 7 : i32
    %and3A_188 = vector.broadcast %and3A_187 : i32 to vector<16xi32>
    %and3A_189 = arith.andi %get3A_180, %and3A_188 : vector<16xi32>
    %shift_left3A_190 = arith.constant 7 : i32
    %shift_left3A_191 = vector.broadcast %shift_left3A_190 : i32 to vector<16xi32>
    %shift_left3A_192 = arith.shli %and3A_189, %shift_left3A_191 : vector<16xi32>
    %add3A_193 = arith.addi %shift_left3A_186, %shift_left3A_192 : vector<16xi32>
    %add3A_194 = arith.constant 80 : i32
    %add3A_195 = vector.broadcast %add3A_194 : i32 to vector<16xi32>
    %add3A_196 = arith.addi %add3A_195, %iota3A : vector<16xi32>
    %add3A_197 = vector.broadcast %shift_left3A_30 : i32 to vector<16xi32>
    %add3A_198 = arith.addi %add3A_197, %add3A_196 : vector<16xi32>
    %add3A_199 = arith.addi %add3A_193, %add3A_198 : vector<16xi32>
    %swap3A_200 = arith.constant 0 : i32
    %swap3A_201 = arith.index_cast %swap3A_200 : i32 to index
    %swap3A_202 = arith.constant 80 : index
    %swap3A_203 = tpu.vector_load %arg7[%swap3A_201, %swap3A_202] {strides = array<i32>} : memref<8x128xi32, #tpu.memory_space<vmem>>, vector<1x16xi32>,
    %swap3A_204 = vector.shape_cast %swap3A_203 : vector<1x16xi32> to vector<16xi32>
    %swap3A_205 = vector.shape_cast %add3A_199 : vector<16xi32> to vector<1x16xi32>
    tpu.vector_store %arg7[%swap3A_201, %swap3A_202], %swap3A_205 {strides = array<i32>} : memref<8x128xi32, #tpu.memory_space<vmem>>, vector<1x16xi32>,
    %get3A_206 = arith.constant 96 : index
    %get3A_207 = tpu.vector_load %arg6[%get3A_206] {strides = array<i32>} : memref<1024xi32, #tpu.memory_space<vmem>>, vector<16xi32>,
    %get3A_208 = vector.shape_cast %get3A_207 : vector<16xi32> to vector<16xi32>
    %and3A_209 = arith.constant -8 : i32
    %and3A_210 = vector.broadcast %and3A_209 : i32 to vector<16xi32>
    %and3A_211 = arith.andi %get3A_208, %and3A_210 : vector<16xi32>
    %shift_left3A_212 = arith.constant 14 : i32
    %shift_left3A_213 = vector.broadcast %shift_left3A_212 : i32 to vector<16xi32>
    %shift_left3A_214 = arith.shli %and3A_211, %shift_left3A_213 : vector<16xi32>
    %and3A_215 = arith.constant 7 : i32
    %and3A_216 = vector.broadcast %and3A_215 : i32 to vector<16xi32>
    %and3A_217 = arith.andi %get3A_208, %and3A_216 : vector<16xi32>
    %shift_left3A_218 = arith.constant 7 : i32
    %shift_left3A_219 = vector.broadcast %shift_left3A_218 : i32 to vector<16xi32>
    %shift_left3A_220 = arith.shli %and3A_217, %shift_left3A_219 : vector<16xi32>
    %add3A_221 = arith.addi %shift_left3A_214, %shift_left3A_220 : vector<16xi32>
    %add3A_222 = arith.constant 96 : i32
    %add3A_223 = vector.broadcast %add3A_222 : i32 to vector<16xi32>
    %add3A_224 = arith.addi %add3A_223, %iota3A : vector<16xi32>
    %add3A_225 = vector.broadcast %shift_left3A_30 : i32 to vector<16xi32>
    %add3A_226 = arith.addi %add3A_225, %add3A_224 : vector<16xi32>
    %add3A_227 = arith.addi %add3A_221, %add3A_226 : vector<16xi32>
    %swap3A_228 = arith.constant 0 : i32
    %swap3A_229 = arith.index_cast %swap3A_228 : i32 to index
    %swap3A_230 = arith.constant 96 : index
    %swap3A_231 = tpu.vector_load %arg7[%swap3A_229, %swap3A_230] {strides = array<i32>} : memref<8x128xi32, #tpu.memory_space<vmem>>, vector<1x16xi32>,
    %swap3A_232 = vector.shape_cast %swap3A_231 : vector<1x16xi32> to vector<16xi32>
    %swap3A_233 = vector.shape_cast %add3A_227 : vector<16xi32> to vector<1x16xi32>
    tpu.vector_store %arg7[%swap3A_229, %swap3A_230], %swap3A_233 {strides = array<i32>} : memref<8x128xi32, #tpu.memory_space<vmem>>, vector<1x16xi32>,
    %get3A_234 = arith.constant 112 : index
    %get3A_235 = tpu.vector_load %arg6[%get3A_234] {strides = array<i32>} : memref<1024xi32, #tpu.memory_space<vmem>>, vector<16xi32>,
    %get3A_236 = vector.shape_cast %get3A_235 : vector<16xi32> to vector<16xi32>
    %and3A_237 = arith.constant -8 : i32
    %and3A_238 = vector.broadcast %and3A_237 : i32 to vector<16xi32>
    %and3A_239 = arith.andi %get3A_236, %and3A_238 : vector<16xi32>
    %shift_left3A_240 = arith.constant 14 : i32
    %shift_left3A_241 = vector.broadcast %shift_left3A_240 : i32 to vector<16xi32>
    %shift_left3A_242 = arith.shli %and3A_239, %shift_left3A_241 : vector<16xi32>
    %and3A_243 = arith.constant 7 : i32
    %and3A_244 = vector.broadcast %and3A_243 : i32 to vector<16xi32>
    %and3A_245 = arith.andi %get3A_236, %and3A_244 : vector<16xi32>
    %shift_left3A_246 = arith.constant 7 : i32
    %shift_left3A_247 = vector.broadcast %shift_left3A_246 : i32 to vector<16xi32>
    %shift_left3A_248 = arith.shli %and3A_245, %shift_left3A_247 : vector<16xi32>
    %add3A_249 = arith.addi %shift_left3A_242, %shift_left3A_248 : vector<16xi32>
    %add3A_250 = arith.constant 112 : i32
    %add3A_251 = vector.broadcast %add3A_250 : i32 to vector<16xi32>
    %add3A_252 = arith.addi %add3A_251, %iota3A : vector<16xi32>
    %add3A_253 = vector.broadcast %shift_left3A_30 : i32 to vector<16xi32>
    %add3A_254 = arith.addi %add3A_253, %add3A_252 : vector<16xi32>
    %add3A_255 = arith.addi %add3A_249, %add3A_254 : vector<16xi32>
    %swap3A_256 = arith.constant 0 : i32
    %swap3A_257 = arith.index_cast %swap3A_256 : i32 to index
    %swap3A_258 = arith.constant 112 : index
    %swap3A_259 = tpu.vector_load %arg7[%swap3A_257, %swap3A_258] {strides = array<i32>} : memref<8x128xi32, #tpu.memory_space<vmem>>, vector<1x16xi32>,
    %swap3A_260 = vector.shape_cast %swap3A_259 : vector<1x16xi32> to vector<16xi32>
    %swap3A_261 = vector.shape_cast %add3A_255 : vector<16xi32> to vector<1x16xi32>
    tpu.vector_store %arg7[%swap3A_257, %swap3A_258], %swap3A_261 {strides = array<i32>} : memref<8x128xi32, #tpu.memory_space<vmem>>, vector<1x16xi32>,
    %dma_start3A_262 = arith.constant 0 : i32
    %dma_start3A_263 = arith.constant 0 : i32
    %dma_start3A_264 = tpu.memref_slice %arg8[%dma_start3A_263] : memref<1024xf32, #tpu.memory_space<vmem>> -> memref<128xf32, #tpu.memory_space<vmem>>
    %dma_start3A_265 = arith.constant 0 : i32
    %dma_start3A_266 = tpu.memref_slice %arg7[%dma_start3A_262, %dma_start3A_265] : memref<8x128xi32, #tpu.memory_space<vmem>> -> memref<1x128xi32, #tpu.memory_space<vmem>>
    %dma_start3A_267 = tpu.memref_squeeze %dma_start3A_266 : memref<1x128xi32, #tpu.memory_space<vmem>> -> memref<128xi32, #tpu.memory_space<vmem>>
    %dma_start3A_268 = arith.constant 0 : i32
    %dma_start3A_269 = tpu.memref_slice %arg2[%dma_start3A_268] : memref<163840000xf32, #tpu.memory_space<hbm>> -> memref<163840000xf32, #tpu.memory_space<hbm>>
    tpu.enqueue_indirect_dma source(%dma_start3A_269 : memref<163840000xf32, #tpu.memory_space<hbm>>) target(%dma_start3A_264 : memref<128xf32, #tpu.memory_space<vmem>>) offsets(%dma_start3A_267 : memref<128xi32, #tpu.memory_space<vmem>>) semaphore(%arg23 : memref<!tpu.dma_semaphore, #tpu.memory_space<semaphore_mem>>)
    %dma_wait3A_270 = arith.constant 128 : i32
    %dma_wait3A_271 = tpu.memref_slice %arg6[%dma_wait3A_270] : memref<1024xi32, #tpu.memory_space<vmem>> -> memref<896xi32, #tpu.memory_space<vmem>>
    %dma_wait3A_272 = tpu.memref_slice %arg3[%add3A_9] : memref<16384xi32, #tpu.memory_space<hbm>> -> memref<896xi32, #tpu.memory_space<hbm>>
    %dma_wait3A_273 = arith.constant 128 : i32
    %dma_wait3A_274 = tpu.memref_slice %arg6[%dma_wait3A_273] : memref<1024xi32, #tpu.memory_space<vmem>> -> memref<896xi32, #tpu.memory_space<vmem>>
    %dma_wait3A_275 = tpu.memref_slice %arg3[%add3A_9] : memref<16384xi32, #tpu.memory_space<hbm>> -> memref<896xi32, #tpu.memory_space<hbm>>
    tpu.wait_dma2 semaphore(%arg19 : memref<!tpu.dma_semaphore, #tpu.memory_space<semaphore_mem>>) src(%dma_wait3A_275 : memref<896xi32, #tpu.memory_space<hbm>>) dst(%dma_wait3A_274 : memref<896xi32, #tpu.memory_space<vmem>>)
    %dma_wait3A_276 = arith.constant 0 : i32
    %dma_wait3A_277 = tpu.memref_slice %arg14[%arg1, %dma_wait3A_276] : memref<16x16xi32, #tpu.memory_space<vmem_shared>> -> memref<1x16xi32, #tpu.memory_space<vmem_shared>>
    %dma_wait3A_278 = tpu.memref_squeeze %dma_wait3A_277 : memref<1x16xi32, #tpu.memory_space<vmem_shared>> -> memref<16xi32, #tpu.memory_space<vmem_shared>>
    %dma_wait3A_279 = arith.constant 0 : i32
    %dma_wait3A_280 = tpu.memref_slice %arg14[%arg1, %dma_wait3A_279] : memref<16x16xi32, #tpu.memory_space<vmem_shared>> -> memref<1x16xi32, #tpu.memory_space<vmem_shared>>
    %dma_wait3A_281 = tpu.memref_squeeze %dma_wait3A_280 : memref<1x16xi32, #tpu.memory_space<vmem_shared>> -> memref<16xi32, #tpu.memory_space<vmem_shared>>
    tpu.wait_dma2 semaphore(%arg21 : memref<!tpu.dma_semaphore, #tpu.memory_space<semaphore_mem>>) src(%arg12 : memref<16xi32, #tpu.memory_space<vmem>>) dst(%dma_wait3A_281 : memref<16xi32, #tpu.memory_space<vmem_shared>>)
    %dma_start3A_282 = arith.constant 0 : i32
    %dma_start3A_283 = tpu.memref_slice %arg14[%arg1, %dma_start3A_282] : memref<16x16xi32, #tpu.memory_space<vmem_shared>> -> memref<1x16xi32, #tpu.memory_space<vmem_shared>>
    %dma_start3A_284 = tpu.memref_squeeze %dma_start3A_283 : memref<1x16xi32, #tpu.memory_space<vmem_shared>> -> memref<16xi32, #tpu.memory_space<vmem_shared>>
    %dma_start3A_285 = arith.constant 0 : i32
    %dma_start3A_286 = tpu.memref_slice %dma_start3A_284[%dma_start3A_285] : memref<16xi32, #tpu.memory_space<vmem_shared>> -> memref<1xi32, #tpu.memory_space<vmem_shared>>
    %dma_start3A_287 = arith.constant 0 : i32
    %dma_start3A_288 = tpu.memref_slice %arg14[%arg1, %dma_start3A_287] : memref<16x16xi32, #tpu.memory_space<vmem_shared>> -> memref<1x16xi32, #tpu.memory_space<vmem_shared>>
    %dma_start3A_289 = tpu.memref_squeeze %dma_start3A_288 : memref<1x16xi32, #tpu.memory_space<vmem_shared>> -> memref<16xi32, #tpu.memory_space<vmem_shared>>
    %dma_start3A_290 = arith.constant 0 : i32
    %dma_start3A_291 = tpu.memref_slice %dma_start3A_289[%dma_start3A_290] : memref<16xi32, #tpu.memory_space<vmem_shared>> -> memref<1xi32, #tpu.memory_space<vmem_shared>>
    tpu.enqueue_dma source(%dma_start3A_291 : memref<1xi32, #tpu.memory_space<vmem_shared>>) target(%arg13 : memref<1xi32, #tpu.memory_space<vmem>>) target_semaphore(%arg22 : memref<!tpu.dma_semaphore, #tpu.memory_space<semaphore_mem>>)
    %get3A_292 = arith.constant 128 : index
    %get3A_293 = tpu.vector_load %arg6[%get3A_292] {strides = array<i32>} : memref<1024xi32, #tpu.memory_space<vmem>>, vector<16xi32>,
    %get3A_294 = vector.shape_cast %get3A_293 : vector<16xi32> to vector<16xi32>
    %and3A_295 = arith.constant -8 : i32
    %and3A_296 = vector.broadcast %and3A_295 : i32 to vector<16xi32>
    %and3A_297 = arith.andi %get3A_294, %and3A_296 : vector<16xi32>
    %shift_left3A_298 = arith.constant 14 : i32
    %shift_left3A_299 = vector.broadcast %shift_left3A_298 : i32 to vector<16xi32>
    %shift_left3A_300 = arith.shli %and3A_297, %shift_left3A_299 : vector<16xi32>
    %and3A_301 = arith.constant 7 : i32
    %and3A_302 = vector.broadcast %and3A_301 : i32 to vector<16xi32>
    %and3A_303 = arith.andi %get3A_294, %and3A_302 : vector<16xi32>
    %shift_left3A_304 = arith.constant 7 : i32
    %shift_left3A_305 = vector.broadcast %shift_left3A_304 : i32 to vector<16xi32>
    %shift_left3A_306 = arith.shli %and3A_303, %shift_left3A_305 : vector<16xi32>
    %add3A_307 = arith.addi %shift_left3A_300, %shift_left3A_306 : vector<16xi32>
    %add3A_308 = arith.constant 1024 : i32
    %add3A_309 = vector.broadcast %add3A_308 : i32 to vector<16xi32>
    %add3A_310 = arith.addi %add3A_309, %iota3A : vector<16xi32>
    %add3A_311 = vector.broadcast %shift_left3A_30 : i32 to vector<16xi32>
    %add3A_312 = arith.addi %add3A_311, %add3A_310 : vector<16xi32>
    %add3A_313 = arith.addi %add3A_307, %add3A_312 : vector<16xi32>
    %swap3A_314 = arith.constant 1 : i32
    %swap3A_315 = arith.index_cast %swap3A_314 : i32 to index
    %swap3A_316 = arith.constant 0 : index
    %swap3A_317 = tpu.vector_load %arg7[%swap3A_315, %swap3A_316] {strides = array<i32>} : memref<8x128xi32, #tpu.memory_space<vmem>>, vector<1x16xi32>,
    %swap3A_318 = vector.shape_cast %swap3A_317 : vector<1x16xi32> to vector<16xi32>
    %swap3A_319 = vector.shape_cast %add3A_313 : vector<16xi32> to vector<1x16xi32>
    tpu.vector_store %arg7[%swap3A_315, %swap3A_316], %swap3A_319 {strides = array<i32>} : memref<8x128xi32, #tpu.memory_space<vmem>>, vector<1x16xi32>,
    %get3A_320 = arith.constant 144 : index
    %get3A_321 = tpu.vector_load %arg6[%get3A_320] {strides = array<i32>} : memref<1024xi32, #tpu.memory_space<vmem>>, vector<16xi32>,
    %get3A_322 = vector.shape_cast %get3A_321 : vector<16xi32> to vector<16xi32>
    %and3A_323 = arith.constant -8 : i32
    %and3A_324 = vector.broadcast %and3A_323 : i32 to vector<16xi32>
    %and3A_325 = arith.andi %get3A_322, %and3A_324 : vector<16xi32>
    %shift_left3A_326 = arith.constant 14 : i32
    %shift_left3A_327 = vector.broadcast %shift_left3A_326 : i32 to vector<16xi32>
    %shift_left3A_328 = arith.shli %and3A_325, %shift_left3A_327 : vector<16xi32>
    %and3A_329 = arith.constant 7 : i32
    %and3A_330 = vector.broadcast %and3A_329 : i32 to vector<16xi32>
    %and3A_331 = arith.andi %get3A_322, %and3A_330 : vector<16xi32>
    %shift_left3A_332 = arith.constant 7 : i32
    %shift_left3A_333 = vector.broadcast %shift_left3A_332 : i32 to vector<16xi32>
    %shift_left3A_334 = arith.shli %and3A_331, %shift_left3A_333 : vector<16xi32>
    %add3A_335 = arith.addi %shift_left3A_328, %shift_left3A_334 : vector<16xi32>
    %add3A_336 = arith.constant 1040 : i32
    %add3A_337 = vector.broadcast %add3A_336 : i32 to vector<16xi32>
    %add3A_338 = arith.addi %add3A_337, %iota3A : vector<16xi32>
    %add3A_339 = vector.broadcast %shift_left3A_30 : i32 to vector<16xi32>
    %add3A_340 = arith.addi %add3A_339, %add3A_338 : vector<16xi32>
    %add3A_341 = arith.addi %add3A_335, %add3A_340 : vector<16xi32>
    %swap3A_342 = arith.constant 1 : i32
    %swap3A_343 = arith.index_cast %swap3A_342 : i32 to index
    %swap3A_344 = arith.constant 16 : index
    %swap3A_345 = tpu.vector_load %arg7[%swap3A_343, %swap3A_344] {strides = array<i32>} : memref<8x128xi32, #tpu.memory_space<vmem>>, vector<1x16xi32>,
    %swap3A_346 = vector.shape_cast %swap3A_345 : vector<1x16xi32> to vector<16xi32>
    %swap3A_347 = vector.shape_cast %add3A_341 : vector<16xi32> to vector<1x16xi32>
    tpu.vector_store %arg7[%swap3A_343, %swap3A_344], %swap3A_347 {strides = array<i32>} : memref<8x128xi32, #tpu.memory_space<vmem>>, vector<1x16xi32>,
    %get3A_348 = arith.constant 160 : index
    %get3A_349 = tpu.vector_load %arg6[%get3A_348] {strides = array<i32>} : memref<1024xi32, #tpu.memory_space<vmem>>, vector<16xi32>,
    %get3A_350 = vector.shape_cast %get3A_349 : vector<16xi32> to vector<16xi32>
    %and3A_351 = arith.constant -8 : i32
    %and3A_352 = vector.broadcast %and3A_351 : i32 to vector<16xi32>
    %and3A_353 = arith.andi %get3A_350, %and3A_352 : vector<16xi32>
    %shift_left3A_354 = arith.constant 14 : i32
    %shift_left3A_355 = vector.broadcast %shift_left3A_354 : i32 to vector<16xi32>
    %shift_left3A_356 = arith.shli %and3A_353, %shift_left3A_355 : vector<16xi32>
    %and3A_357 = arith.constant 7 : i32
    %and3A_358 = vector.broadcast %and3A_357 : i32 to vector<16xi32>
    %and3A_359 = arith.andi %get3A_350, %and3A_358 : vector<16xi32>
    %shift_left3A_360 = arith.constant 7 : i32
    %shift_left3A_361 = vector.broadcast %shift_left3A_360 : i32 to vector<16xi32>
    %shift_left3A_362 = arith.shli %and3A_359, %shift_left3A_361 : vector<16xi32>
    %add3A_363 = arith.addi %shift_left3A_356, %shift_left3A_362 : vector<16xi32>
    %add3A_364 = arith.constant 1056 : i32
    %add3A_365 = vector.broadcast %add3A_364 : i32 to vector<16xi32>
    %add3A_366 = arith.addi %add3A_365, %iota3A : vector<16xi32>
    %add3A_367 = vector.broadcast %shift_left3A_30 : i32 to vector<16xi32>
    %add3A_368 = arith.addi %add3A_367, %add3A_366 : vector<16xi32>
    %add3A_369 = arith.addi %add3A_363, %add3A_368 : vector<16xi32>
    %swap3A_370 = arith.constant 1 : i32
    %swap3A_371 = arith.index_cast %swap3A_370 : i32 to index
    %swap3A_372 = arith.constant 32 : index
    %swap3A_373 = tpu.vector_load %arg7[%swap3A_371, %swap3A_372] {strides = array<i32>} : memref<8x128xi32, #tpu.memory_space<vmem>>, vector<1x16xi32>,
    %swap3A_374 = vector.shape_cast %swap3A_373 : vector<1x16xi32> to vector<16xi32>
    %swap3A_375 = vector.shape_cast %add3A_369 : vector<16xi32> to vector<1x16xi32>
    tpu.vector_store %arg7[%swap3A_371, %swap3A_372], %swap3A_375 {strides = array<i32>} : memref<8x128xi32, #tpu.memory_space<vmem>>, vector<1x16xi32>,
    %get3A_376 = arith.constant 176 : index
    %get3A_377 = tpu.vector_load %arg6[%get3A_376] {strides = array<i32>} : memref<1024xi32, #tpu.memory_space<vmem>>, vector<16xi32>,
    %get3A_378 = vector.shape_cast %get3A_377 : vector<16xi32> to vector<16xi32>
    %and3A_379 = arith.constant -8 : i32
    %and3A_380 = vector.broadcast %and3A_379 : i32 to vector<16xi32>
    %and3A_381 = arith.andi %get3A_378, %and3A_380 : vector<16xi32>
    %shift_left3A_382 = arith.constant 14 : i32
    %shift_left3A_383 = vector.broadcast %shift_left3A_382 : i32 to vector<16xi32>
    %shift_left3A_384 = arith.shli %and3A_381, %shift_left3A_383 : vector<16xi32>
    %and3A_385 = arith.constant 7 : i32
    %and3A_386 = vector.broadcast %and3A_385 : i32 to vector<16xi32>
    %and3A_387 = arith.andi %get3A_378, %and3A_386 : vector<16xi32>
    %shift_left3A_388 = arith.constant 7 : i32
    %shift_left3A_389 = vector.broadcast %shift_left3A_388 : i32 to vector<16xi32>
    %shift_left3A_390 = arith.shli %and3A_387, %shift_left3A_389 : vector<16xi32>
    %add3A_391 = arith.addi %shift_left3A_384, %shift_left3A_390 : vector<16xi32>
    %add3A_392 = arith.constant 1072 : i32
    %add3A_393 = vector.broadcast %add3A_392 : i32 to vector<16xi32>
    %add3A_394 = arith.addi %add3A_393, %iota3A : vector<16xi32>
    %add3A_395 = vector.broadcast %shift_left3A_30 : i32 to vector<16xi32>
    %add3A_396 = arith.addi %add3A_395, %add3A_394 : vector<16xi32>
    %add3A_397 = arith.addi %add3A_391, %add3A_396 : vector<16xi32>
    %swap3A_398 = arith.constant 1 : i32
    %swap3A_399 = arith.index_cast %swap3A_398 : i32 to index
    %swap3A_400 = arith.constant 48 : index
    %swap3A_401 = tpu.vector_load %arg7[%swap3A_399, %swap3A_400] {strides = array<i32>} : memref<8x128xi32, #tpu.memory_space<vmem>>, vector<1x16xi32>,
    %swap3A_402 = vector.shape_cast %swap3A_401 : vector<1x16xi32> to vector<16xi32>
    %swap3A_403 = vector.shape_cast %add3A_397 : vector<16xi32> to vector<1x16xi32>
    tpu.vector_store %arg7[%swap3A_399, %swap3A_400], %swap3A_403 {strides = array<i32>} : memref<8x128xi32, #tpu.memory_space<vmem>>, vector<1x16xi32>,
    %get3A_404 = arith.constant 192 : index
    %get3A_405 = tpu.vector_load %arg6[%get3A_404] {strides = array<i32>} : memref<1024xi32, #tpu.memory_space<vmem>>, vector<16xi32>,
    %get3A_406 = vector.shape_cast %get3A_405 : vector<16xi32> to vector<16xi32>
    %and3A_407 = arith.constant -8 : i32
    %and3A_408 = vector.broadcast %and3A_407 : i32 to vector<16xi32>
    %and3A_409 = arith.andi %get3A_406, %and3A_408 : vector<16xi32>
    %shift_left3A_410 = arith.constant 14 : i32
    %shift_left3A_411 = vector.broadcast %shift_left3A_410 : i32 to vector<16xi32>
    %shift_left3A_412 = arith.shli %and3A_409, %shift_left3A_411 : vector<16xi32>
    %and3A_413 = arith.constant 7 : i32
    %and3A_414 = vector.broadcast %and3A_413 : i32 to vector<16xi32>
    %and3A_415 = arith.andi %get3A_406, %and3A_414 : vector<16xi32>
    %shift_left3A_416 = arith.constant 7 : i32
    %shift_left3A_417 = vector.broadcast %shift_left3A_416 : i32 to vector<16xi32>
    %shift_left3A_418 = arith.shli %and3A_415, %shift_left3A_417 : vector<16xi32>
    %add3A_419 = arith.addi %shift_left3A_412, %shift_left3A_418 : vector<16xi32>
    %add3A_420 = arith.constant 1088 : i32
    %add3A_421 = vector.broadcast %add3A_420 : i32 to vector<16xi32>
    %add3A_422 = arith.addi %add3A_421, %iota3A : vector<16xi32>
    %add3A_423 = vector.broadcast %shift_left3A_30 : i32 to vector<16xi32>
    %add3A_424 = arith.addi %add3A_423, %add3A_422 : vector<16xi32>
    %add3A_425 = arith.addi %add3A_419, %add3A_424 : vector<16xi32>
    %swap3A_426 = arith.constant 1 : i32
    %swap3A_427 = arith.index_cast %swap3A_426 : i32 to index
    %swap3A_428 = arith.constant 64 : index
    %swap3A_429 = tpu.vector_load %arg7[%swap3A_427, %swap3A_428] {strides = array<i32>} : memref<8x128xi32, #tpu.memory_space<vmem>>, vector<1x16xi32>,
    %swap3A_430 = vector.shape_cast %swap3A_429 : vector<1x16xi32> to vector<16xi32>
    %swap3A_431 = vector.shape_cast %add3A_425 : vector<16xi32> to vector<1x16xi32>
    tpu.vector_store %arg7[%swap3A_427, %swap3A_428], %swap3A_431 {strides = array<i32>} : memref<8x128xi32, #tpu.memory_space<vmem>>, vector<1x16xi32>,
    %get3A_432 = arith.constant 208 : index
    %get3A_433 = tpu.vector_load %arg6[%get3A_432] {strides = array<i32>} : memref<1024xi32, #tpu.memory_space<vmem>>, vector<16xi32>,
    %get3A_434 = vector.shape_cast %get3A_433 : vector<16xi32> to vector<16xi32>
    %and3A_435 = arith.constant -8 : i32
    %and3A_436 = vector.broadcast %and3A_435 : i32 to vector<16xi32>
    %and3A_437 = arith.andi %get3A_434, %and3A_436 : vector<16xi32>
    %shift_left3A_438 = arith.constant 14 : i32
    %shift_left3A_439 = vector.broadcast %shift_left3A_438 : i32 to vector<16xi32>
    %shift_left3A_440 = arith.shli %and3A_437, %shift_left3A_439 : vector<16xi32>
    %and3A_441 = arith.constant 7 : i32
    %and3A_442 = vector.broadcast %and3A_441 : i32 to vector<16xi32>
    %and3A_443 = arith.andi %get3A_434, %and3A_442 : vector<16xi32>
    %shift_left3A_444 = arith.constant 7 : i32
    %shift_left3A_445 = vector.broadcast %shift_left3A_444 : i32 to vector<16xi32>
    %shift_left3A_446 = arith.shli %and3A_443, %shift_left3A_445 : vector<16xi32>
    %add3A_447 = arith.addi %shift_left3A_440, %shift_left3A_446 : vector<16xi32>
    %add3A_448 = arith.constant 1104 : i32
    %add3A_449 = vector.broadcast %add3A_448 : i32 to vector<16xi32>
    %add3A_450 = arith.addi %add3A_449, %iota3A : vector<16xi32>
    %add3A_451 = vector.broadcast %shift_left3A_30 : i32 to vector<16xi32>
    %add3A_452 = arith.addi %add3A_451, %add3A_450 : vector<16xi32>
    %add3A_453 = arith.addi %add3A_447, %add3A_452 : vector<16xi32>
    %swap3A_454 = arith.constant 1 : i32
    %swap3A_455 = arith.index_cast %swap3A_454 : i32 to index
    %swap3A_456 = arith.constant 80 : index
    %swap3A_457 = tpu.vector_load %arg7[%swap3A_455, %swap3A_456] {strides = array<i32>} : memref<8x128xi32, #tpu.memory_space<vmem>>, vector<1x16xi32>,
    %swap3A_458 = vector.shape_cast %swap3A_457 : vector<1x16xi32> to vector<16xi32>
    %swap3A_459 = vector.shape_cast %add3A_453 : vector<16xi32> to vector<1x16xi32>
    tpu.vector_store %arg7[%swap3A_455, %swap3A_456], %swap3A_459 {strides = array<i32>} : memref<8x128xi32, #tpu.memory_space<vmem>>, vector<1x16xi32>,
    %get3A_460 = arith.constant 224 : index
    %get3A_461 = tpu.vector_load %arg6[%get3A_460] {strides = array<i32>} : memref<1024xi32, #tpu.memory_space<vmem>>, vector<16xi32>,
    %get3A_462 = vector.shape_cast %get3A_461 : vector<16xi32> to vector<16xi32>
    %and3A_463 = arith.constant -8 : i32
    %and3A_464 = vector.broadcast %and3A_463 : i32 to vector<16xi32>
    %and3A_465 = arith.andi %get3A_462, %and3A_464 : vector<16xi32>
    %shift_left3A_466 = arith.constant 14 : i32
    %shift_left3A_467 = vector.broadcast %shift_left3A_466 : i32 to vector<16xi32>
    %shift_left3A_468 = arith.shli %and3A_465, %shift_left3A_467 : vector<16xi32>
    %and3A_469 = arith.constant 7 : i32
    %and3A_470 = vector.broadcast %and3A_469 : i32 to vector<16xi32>
    %and3A_471 = arith.andi %get3A_462, %and3A_470 : vector<16xi32>
    %shift_left3A_472 = arith.constant 7 : i32
    %shift_left3A_473 = vector.broadcast %shift_left3A_472 : i32 to vector<16xi32>
    %shift_left3A_474 = arith.shli %and3A_471, %shift_left3A_473 : vector<16xi32>
    %add3A_475 = arith.addi %shift_left3A_468, %shift_left3A_474 : vector<16xi32>
    %add3A_476 = arith.constant 1120 : i32
    %add3A_477 = vector.broadcast %add3A_476 : i32 to vector<16xi32>
    %add3A_478 = arith.addi %add3A_477, %iota3A : vector<16xi32>
    %add3A_479 = vector.broadcast %shift_left3A_30 : i32 to vector<16xi32>
    %add3A_480 = arith.addi %add3A_479, %add3A_478 : vector<16xi32>
    %add3A_481 = arith.addi %add3A_475, %add3A_480 : vector<16xi32>
    %swap3A_482 = arith.constant 1 : i32
    %swap3A_483 = arith.index_cast %swap3A_482 : i32 to index
    %swap3A_484 = arith.constant 96 : index
    %swap3A_485 = tpu.vector_load %arg7[%swap3A_483, %swap3A_484] {strides = array<i32>} : memref<8x128xi32, #tpu.memory_space<vmem>>, vector<1x16xi32>,
    %swap3A_486 = vector.shape_cast %swap3A_485 : vector<1x16xi32> to vector<16xi32>
    %swap3A_487 = vector.shape_cast %add3A_481 : vector<16xi32> to vector<1x16xi32>
    tpu.vector_store %arg7[%swap3A_483, %swap3A_484], %swap3A_487 {strides = array<i32>} : memref<8x128xi32, #tpu.memory_space<vmem>>, vector<1x16xi32>,
    %get3A_488 = arith.constant 240 : index
    %get3A_489 = tpu.vector_load %arg6[%get3A_488] {strides = array<i32>} : memref<1024xi32, #tpu.memory_space<vmem>>, vector<16xi32>,
    %get3A_490 = vector.shape_cast %get3A_489 : vector<16xi32> to vector<16xi32>
    %and3A_491 = arith.constant -8 : i32
    %and3A_492 = vector.broadcast %and3A_491 : i32 to vector<16xi32>
    %and3A_493 = arith.andi %get3A_490, %and3A_492 : vector<16xi32>
    %shift_left3A_494 = arith.constant 14 : i32
    %shift_left3A_495 = vector.broadcast %shift_left3A_494 : i32 to vector<16xi32>
    %shift_left3A_496 = arith.shli %and3A_493, %shift_left3A_495 : vector<16xi32>
    %and3A_497 = arith.constant 7 : i32
    %and3A_498 = vector.broadcast %and3A_497 : i32 to vector<16xi32>
    %and3A_499 = arith.andi %get3A_490, %and3A_498 : vector<16xi32>
    %shift_left3A_500 = arith.constant 7 : i32
    %shift_left3A_501 = vector.broadcast %shift_left3A_500 : i32 to vector<16xi32>
    %shift_left3A_502 = arith.shli %and3A_499, %shift_left3A_501 : vector<16xi32>
    %add3A_503 = arith.addi %shift_left3A_496, %shift_left3A_502 : vector<16xi32>
    %add3A_504 = arith.constant 1136 : i32
    %add3A_505 = vector.broadcast %add3A_504 : i32 to vector<16xi32>
    %add3A_506 = arith.addi %add3A_505, %iota3A : vector<16xi32>
    %add3A_507 = vector.broadcast %shift_left3A_30 : i32 to vector<16xi32>
    %add3A_508 = arith.addi %add3A_507, %add3A_506 : vector<16xi32>
    %add3A_509 = arith.addi %add3A_503, %add3A_508 : vector<16xi32>
    %swap3A_510 = arith.constant 1 : i32
    %swap3A_511 = arith.index_cast %swap3A_510 : i32 to index
    %swap3A_512 = arith.constant 112 : index
    %swap3A_513 = tpu.vector_load %arg7[%swap3A_511, %swap3A_512] {strides = array<i32>} : memref<8x128xi32, #tpu.memory_space<vmem>>, vector<1x16xi32>,
    %swap3A_514 = vector.shape_cast %swap3A_513 : vector<1x16xi32> to vector<16xi32>
    %swap3A_515 = vector.shape_cast %add3A_509 : vector<16xi32> to vector<1x16xi32>
    tpu.vector_store %arg7[%swap3A_511, %swap3A_512], %swap3A_515 {strides = array<i32>} : memref<8x128xi32, #tpu.memory_space<vmem>>, vector<1x16xi32>,
    %dma_start3A_516 = arith.constant 1 : i32
    %dma_start3A_517 = arith.constant 128 : i32
    %dma_start3A_518 = tpu.memref_slice %arg8[%dma_start3A_517] : memref<1024xf32, #tpu.memory_space<vmem>> -> memref<128xf32, #tpu.memory_space<vmem>>
    %dma_start3A_519 = arith.constant 0 : i32
    %dma_start3A_520 = tpu.memref_slice %arg7[%dma_start3A_516, %dma_start3A_519] : memref<8x128xi32, #tpu.memory_space<vmem>> -> memref<1x128xi32, #tpu.memory_space<vmem>>
    %dma_start3A_521 = tpu.memref_squeeze %dma_start3A_520 : memref<1x128xi32, #tpu.memory_space<vmem>> -> memref<128xi32, #tpu.memory_space<vmem>>
    %dma_start3A_522 = arith.constant 0 : i32
    %dma_start3A_523 = tpu.memref_slice %arg2[%dma_start3A_522] : memref<163840000xf32, #tpu.memory_space<hbm>> -> memref<163840000xf32, #tpu.memory_space<hbm>>
    tpu.enqueue_indirect_dma source(%dma_start3A_523 : memref<163840000xf32, #tpu.memory_space<hbm>>) target(%dma_start3A_518 : memref<128xf32, #tpu.memory_space<vmem>>) offsets(%dma_start3A_521 : memref<128xi32, #tpu.memory_space<vmem>>) semaphore(%arg24 : memref<!tpu.dma_semaphore, #tpu.memory_space<semaphore_mem>>)
    %get3A_524 = arith.constant 256 : index
    %get3A_525 = tpu.vector_load %arg6[%get3A_524] {strides = array<i32>} : memref<1024xi32, #tpu.memory_space<vmem>>, vector<16xi32>,
    %get3A_526 = vector.shape_cast %get3A_525 : vector<16xi32> to vector<16xi32>
    %and3A_527 = arith.constant -8 : i32
    %and3A_528 = vector.broadcast %and3A_527 : i32 to vector<16xi32>
    %and3A_529 = arith.andi %get3A_526, %and3A_528 : vector<16xi32>
    %shift_left3A_530 = arith.constant 14 : i32
    %shift_left3A_531 = vector.broadcast %shift_left3A_530 : i32 to vector<16xi32>
    %shift_left3A_532 = arith.shli %and3A_529, %shift_left3A_531 : vector<16xi32>
    %and3A_533 = arith.constant 7 : i32
    %and3A_534 = vector.broadcast %and3A_533 : i32 to vector<16xi32>
    %and3A_535 = arith.andi %get3A_526, %and3A_534 : vector<16xi32>
    %shift_left3A_536 = arith.constant 7 : i32
    %shift_left3A_537 = vector.broadcast %shift_left3A_536 : i32 to vector<16xi32>
    %shift_left3A_538 = arith.shli %and3A_535, %shift_left3A_537 : vector<16xi32>
    %add3A_539 = arith.addi %shift_left3A_532, %shift_left3A_538 : vector<16xi32>
    %add3A_540 = arith.constant 2048 : i32
    %add3A_541 = vector.broadcast %add3A_540 : i32 to vector<16xi32>
    %add3A_542 = arith.addi %add3A_541, %iota3A : vector<16xi32>
    %add3A_543 = vector.broadcast %shift_left3A_30 : i32 to vector<16xi32>
    %add3A_544 = arith.addi %add3A_543, %add3A_542 : vector<16xi32>
    %add3A_545 = arith.addi %add3A_539, %add3A_544 : vector<16xi32>
    %swap3A_546 = arith.constant 2 : i32
    %swap3A_547 = arith.index_cast %swap3A_546 : i32 to index
    %swap3A_548 = arith.constant 0 : index
    %swap3A_549 = tpu.vector_load %arg7[%swap3A_547, %swap3A_548] {strides = array<i32>} : memref<8x128xi32, #tpu.memory_space<vmem>>, vector<1x16xi32>,
    %swap3A_550 = vector.shape_cast %swap3A_549 : vector<1x16xi32> to vector<16xi32>
    %swap3A_551 = vector.shape_cast %add3A_545 : vector<16xi32> to vector<1x16xi32>
    tpu.vector_store %arg7[%swap3A_547, %swap3A_548], %swap3A_551 {strides = array<i32>} : memref<8x128xi32, #tpu.memory_space<vmem>>, vector<1x16xi32>,
    %get3A_552 = arith.constant 272 : index
    %get3A_553 = tpu.vector_load %arg6[%get3A_552] {strides = array<i32>} : memref<1024xi32, #tpu.memory_space<vmem>>, vector<16xi32>,
    %get3A_554 = vector.shape_cast %get3A_553 : vector<16xi32> to vector<16xi32>
    %and3A_555 = arith.constant -8 : i32
    %and3A_556 = vector.broadcast %and3A_555 : i32 to vector<16xi32>
    %and3A_557 = arith.andi %get3A_554, %and3A_556 : vector<16xi32>
    %shift_left3A_558 = arith.constant 14 : i32
    %shift_left3A_559 = vector.broadcast %shift_left3A_558 : i32 to vector<16xi32>
    %shift_left3A_560 = arith.shli %and3A_557, %shift_left3A_559 : vector<16xi32>
    %and3A_561 = arith.constant 7 : i32
    %and3A_562 = vector.broadcast %and3A_561 : i32 to vector<16xi32>
    %and3A_563 = arith.andi %get3A_554, %and3A_562 : vector<16xi32>
    %shift_left3A_564 = arith.constant 7 : i32
    %shift_left3A_565 = vector.broadcast %shift_left3A_564 : i32 to vector<16xi32>
    %shift_left3A_566 = arith.shli %and3A_563, %shift_left3A_565 : vector<16xi32>
    %add3A_567 = arith.addi %shift_left3A_560, %shift_left3A_566 : vector<16xi32>
    %add3A_568 = arith.constant 2064 : i32
    %add3A_569 = vector.broadcast %add3A_568 : i32 to vector<16xi32>
    %add3A_570 = arith.addi %add3A_569, %iota3A : vector<16xi32>
    %add3A_571 = vector.broadcast %shift_left3A_30 : i32 to vector<16xi32>
    %add3A_572 = arith.addi %add3A_571, %add3A_570 : vector<16xi32>
    %add3A_573 = arith.addi %add3A_567, %add3A_572 : vector<16xi32>
    %swap3A_574 = arith.constant 2 : i32
    %swap3A_575 = arith.index_cast %swap3A_574 : i32 to index
    %swap3A_576 = arith.constant 16 : index
    %swap3A_577 = tpu.vector_load %arg7[%swap3A_575, %swap3A_576] {strides = array<i32>} : memref<8x128xi32, #tpu.memory_space<vmem>>, vector<1x16xi32>,
    %swap3A_578 = vector.shape_cast %swap3A_577 : vector<1x16xi32> to vector<16xi32>
    %swap3A_579 = vector.shape_cast %add3A_573 : vector<16xi32> to vector<1x16xi32>
    tpu.vector_store %arg7[%swap3A_575, %swap3A_576], %swap3A_579 {strides = array<i32>} : memref<8x128xi32, #tpu.memory_space<vmem>>, vector<1x16xi32>,
    %get3A_580 = arith.constant 288 : index
    %get3A_581 = tpu.vector_load %arg6[%get3A_580] {strides = array<i32>} : memref<1024xi32, #tpu.memory_space<vmem>>, vector<16xi32>,
    %get3A_582 = vector.shape_cast %get3A_581 : vector<16xi32> to vector<16xi32>
    %and3A_583 = arith.constant -8 : i32
    %and3A_584 = vector.broadcast %and3A_583 : i32 to vector<16xi32>
    %and3A_585 = arith.andi %get3A_582, %and3A_584 : vector<16xi32>
    %shift_left3A_586 = arith.constant 14 : i32
    %shift_left3A_587 = vector.broadcast %shift_left3A_586 : i32 to vector<16xi32>
    %shift_left3A_588 = arith.shli %and3A_585, %shift_left3A_587 : vector<16xi32>
    %and3A_589 = arith.constant 7 : i32
    %and3A_590 = vector.broadcast %and3A_589 : i32 to vector<16xi32>
    %and3A_591 = arith.andi %get3A_582, %and3A_590 : vector<16xi32>
    %shift_left3A_592 = arith.constant 7 : i32
    %shift_left3A_593 = vector.broadcast %shift_left3A_592 : i32 to vector<16xi32>
    %shift_left3A_594 = arith.shli %and3A_591, %shift_left3A_593 : vector<16xi32>
    %add3A_595 = arith.addi %shift_left3A_588, %shift_left3A_594 : vector<16xi32>
    %add3A_596 = arith.constant 2080 : i32
    %add3A_597 = vector.broadcast %add3A_596 : i32 to vector<16xi32>
    %add3A_598 = arith.addi %add3A_597, %iota3A : vector<16xi32>
    %add3A_599 = vector.broadcast %shift_left3A_30 : i32 to vector<16xi32>
    %add3A_600 = arith.addi %add3A_599, %add3A_598 : vector<16xi32>
    %add3A_601 = arith.addi %add3A_595, %add3A_600 : vector<16xi32>
    %swap3A_602 = arith.constant 2 : i32
    %swap3A_603 = arith.index_cast %swap3A_602 : i32 to index
    %swap3A_604 = arith.constant 32 : index
    %swap3A_605 = tpu.vector_load %arg7[%swap3A_603, %swap3A_604] {strides = array<i32>} : memref<8x128xi32, #tpu.memory_space<vmem>>, vector<1x16xi32>,
    %swap3A_606 = vector.shape_cast %swap3A_605 : vector<1x16xi32> to vector<16xi32>
    %swap3A_607 = vector.shape_cast %add3A_601 : vector<16xi32> to vector<1x16xi32>
    tpu.vector_store %arg7[%swap3A_603, %swap3A_604], %swap3A_607 {strides = array<i32>} : memref<8x128xi32, #tpu.memory_space<vmem>>, vector<1x16xi32>,
    %get3A_608 = arith.constant 304 : index
    %get3A_609 = tpu.vector_load %arg6[%get3A_608] {strides = array<i32>} : memref<1024xi32, #tpu.memory_space<vmem>>, vector<16xi32>,
    %get3A_610 = vector.shape_cast %get3A_609 : vector<16xi32> to vector<16xi32>
    %and3A_611 = arith.constant -8 : i32
    %and3A_612 = vector.broadcast %and3A_611 : i32 to vector<16xi32>
    %and3A_613 = arith.andi %get3A_610, %and3A_612 : vector<16xi32>
    %shift_left3A_614 = arith.constant 14 : i32
    %shift_left3A_615 = vector.broadcast %shift_left3A_614 : i32 to vector<16xi32>
    %shift_left3A_616 = arith.shli %and3A_613, %shift_left3A_615 : vector<16xi32>
    %and3A_617 = arith.constant 7 : i32
    %and3A_618 = vector.broadcast %and3A_617 : i32 to vector<16xi32>
    %and3A_619 = arith.andi %get3A_610, %and3A_618 : vector<16xi32>
    %shift_left3A_620 = arith.constant 7 : i32
    %shift_left3A_621 = vector.broadcast %shift_left3A_620 : i32 to vector<16xi32>
    %shift_left3A_622 = arith.shli %and3A_619, %shift_left3A_621 : vector<16xi32>
    %add3A_623 = arith.addi %shift_left3A_616, %shift_left3A_622 : vector<16xi32>
    %add3A_624 = arith.constant 2096 : i32
    %add3A_625 = vector.broadcast %add3A_624 : i32 to vector<16xi32>
    %add3A_626 = arith.addi %add3A_625, %iota3A : vector<16xi32>
    %add3A_627 = vector.broadcast %shift_left3A_30 : i32 to vector<16xi32>
    %add3A_628 = arith.addi %add3A_627, %add3A_626 : vector<16xi32>
    %add3A_629 = arith.addi %add3A_623, %add3A_628 : vector<16xi32>
    %swap3A_630 = arith.constant 2 : i32
    %swap3A_631 = arith.index_cast %swap3A_630 : i32 to index
    %swap3A_632 = arith.constant 48 : index
    %swap3A_633 = tpu.vector_load %arg7[%swap3A_631, %swap3A_632] {strides = array<i32>} : memref<8x128xi32, #tpu.memory_space<vmem>>, vector<1x16xi32>,
    %swap3A_634 = vector.shape_cast %swap3A_633 : vector<1x16xi32> to vector<16xi32>
    %swap3A_635 = vector.shape_cast %add3A_629 : vector<16xi32> to vector<1x16xi32>
    tpu.vector_store %arg7[%swap3A_631, %swap3A_632], %swap3A_635 {strides = array<i32>} : memref<8x128xi32, #tpu.memory_space<vmem>>, vector<1x16xi32>,
    %get3A_636 = arith.constant 320 : index
    %get3A_637 = tpu.vector_load %arg6[%get3A_636] {strides = array<i32>} : memref<1024xi32, #tpu.memory_space<vmem>>, vector<16xi32>,
    %get3A_638 = vector.shape_cast %get3A_637 : vector<16xi32> to vector<16xi32>
    %and3A_639 = arith.constant -8 : i32
    %and3A_640 = vector.broadcast %and3A_639 : i32 to vector<16xi32>
    %and3A_641 = arith.andi %get3A_638, %and3A_640 : vector<16xi32>
    %shift_left3A_642 = arith.constant 14 : i32
    %shift_left3A_643 = vector.broadcast %shift_left3A_642 : i32 to vector<16xi32>
    %shift_left3A_644 = arith.shli %and3A_641, %shift_left3A_643 : vector<16xi32>
    %and3A_645 = arith.constant 7 : i32
    %and3A_646 = vector.broadcast %and3A_645 : i32 to vector<16xi32>
    %and3A_647 = arith.andi %get3A_638, %and3A_646 : vector<16xi32>
    %shift_left3A_648 = arith.constant 7 : i32
    %shift_left3A_649 = vector.broadcast %shift_left3A_648 : i32 to vector<16xi32>
    %shift_left3A_650 = arith.shli %and3A_647, %shift_left3A_649 : vector<16xi32>
    %add3A_651 = arith.addi %shift_left3A_644, %shift_left3A_650 : vector<16xi32>
    %add3A_652 = arith.constant 2112 : i32
    %add3A_653 = vector.broadcast %add3A_652 : i32 to vector<16xi32>
    %add3A_654 = arith.addi %add3A_653, %iota3A : vector<16xi32>
    %add3A_655 = vector.broadcast %shift_left3A_30 : i32 to vector<16xi32>
    %add3A_656 = arith.addi %add3A_655, %add3A_654 : vector<16xi32>
    %add3A_657 = arith.addi %add3A_651, %add3A_656 : vector<16xi32>
    %swap3A_658 = arith.constant 2 : i32
    %swap3A_659 = arith.index_cast %swap3A_658 : i32 to index
    %swap3A_660 = arith.constant 64 : index
    %swap3A_661 = tpu.vector_load %arg7[%swap3A_659, %swap3A_660] {strides = array<i32>} : memref<8x128xi32, #tpu.memory_space<vmem>>, vector<1x16xi32>,
    %swap3A_662 = vector.shape_cast %swap3A_661 : vector<1x16xi32> to vector<16xi32>
    %swap3A_663 = vector.shape_cast %add3A_657 : vector<16xi32> to vector<1x16xi32>
    tpu.vector_store %arg7[%swap3A_659, %swap3A_660], %swap3A_663 {strides = array<i32>} : memref<8x128xi32, #tpu.memory_space<vmem>>, vector<1x16xi32>,
    %get3A_664 = arith.constant 336 : index
    %get3A_665 = tpu.vector_load %arg6[%get3A_664] {strides = array<i32>} : memref<1024xi32, #tpu.memory_space<vmem>>, vector<16xi32>,
    %get3A_666 = vector.shape_cast %get3A_665 : vector<16xi32> to vector<16xi32>
    %and3A_667 = arith.constant -8 : i32
    %and3A_668 = vector.broadcast %and3A_667 : i32 to vector<16xi32>
    %and3A_669 = arith.andi %get3A_666, %and3A_668 : vector<16xi32>
    %shift_left3A_670 = arith.constant 14 : i32
    %shift_left3A_671 = vector.broadcast %shift_left3A_670 : i32 to vector<16xi32>
    %shift_left3A_672 = arith.shli %and3A_669, %shift_left3A_671 : vector<16xi32>
    %and3A_673 = arith.constant 7 : i32
    %and3A_674 = vector.broadcast %and3A_673 : i32 to vector<16xi32>
    %and3A_675 = arith.andi %get3A_666, %and3A_674 : vector<16xi32>
    %shift_left3A_676 = arith.constant 7 : i32
    %shift_left3A_677 = vector.broadcast %shift_left3A_676 : i32 to vector<16xi32>
    %shift_left3A_678 = arith.shli %and3A_675, %shift_left3A_677 : vector<16xi32>
    %add3A_679 = arith.addi %shift_left3A_672, %shift_left3A_678 : vector<16xi32>
    %add3A_680 = arith.constant 2128 : i32
    %add3A_681 = vector.broadcast %add3A_680 : i32 to vector<16xi32>
    %add3A_682 = arith.addi %add3A_681, %iota3A : vector<16xi32>
    %add3A_683 = vector.broadcast %shift_left3A_30 : i32 to vector<16xi32>
    %add3A_684 = arith.addi %add3A_683, %add3A_682 : vector<16xi32>
    %add3A_685 = arith.addi %add3A_679, %add3A_684 : vector<16xi32>
    %swap3A_686 = arith.constant 2 : i32
    %swap3A_687 = arith.index_cast %swap3A_686 : i32 to index
    %swap3A_688 = arith.constant 80 : index
    %swap3A_689 = tpu.vector_load %arg7[%swap3A_687, %swap3A_688] {strides = array<i32>} : memref<8x128xi32, #tpu.memory_space<vmem>>, vector<1x16xi32>,
    %swap3A_690 = vector.shape_cast %swap3A_689 : vector<1x16xi32> to vector<16xi32>
    %swap3A_691 = vector.shape_cast %add3A_685 : vector<16xi32> to vector<1x16xi32>
    tpu.vector_store %arg7[%swap3A_687, %swap3A_688], %swap3A_691 {strides = array<i32>} : memref<8x128xi32, #tpu.memory_space<vmem>>, vector<1x16xi32>,
    %get3A_692 = arith.constant 352 : index
    %get3A_693 = tpu.vector_load %arg6[%get3A_692] {strides = array<i32>} : memref<1024xi32, #tpu.memory_space<vmem>>, vector<16xi32>,
    %get3A_694 = vector.shape_cast %get3A_693 : vector<16xi32> to vector<16xi32>
    %and3A_695 = arith.constant -8 : i32
    %and3A_696 = vector.broadcast %and3A_695 : i32 to vector<16xi32>
    %and3A_697 = arith.andi %get3A_694, %and3A_696 : vector<16xi32>
    %shift_left3A_698 = arith.constant 14 : i32
    %shift_left3A_699 = vector.broadcast %shift_left3A_698 : i32 to vector<16xi32>
    %shift_left3A_700 = arith.shli %and3A_697, %shift_left3A_699 : vector<16xi32>
    %and3A_701 = arith.constant 7 : i32
    %and3A_702 = vector.broadcast %and3A_701 : i32 to vector<16xi32>
    %and3A_703 = arith.andi %get3A_694, %and3A_702 : vector<16xi32>
    %shift_left3A_704 = arith.constant 7 : i32
    %shift_left3A_705 = vector.broadcast %shift_left3A_704 : i32 to vector<16xi32>
    %shift_left3A_706 = arith.shli %and3A_703, %shift_left3A_705 : vector<16xi32>
    %add3A_707 = arith.addi %shift_left3A_700, %shift_left3A_706 : vector<16xi32>
    %add3A_708 = arith.constant 2144 : i32
    %add3A_709 = vector.broadcast %add3A_708 : i32 to vector<16xi32>
    %add3A_710 = arith.addi %add3A_709, %iota3A : vector<16xi32>
    %add3A_711 = vector.broadcast %shift_left3A_30 : i32 to vector<16xi32>
    %add3A_712 = arith.addi %add3A_711, %add3A_710 : vector<16xi32>
    %add3A_713 = arith.addi %add3A_707, %add3A_712 : vector<16xi32>
    %swap3A_714 = arith.constant 2 : i32
    %swap3A_715 = arith.index_cast %swap3A_714 : i32 to index
    %swap3A_716 = arith.constant 96 : index
    %swap3A_717 = tpu.vector_load %arg7[%swap3A_715, %swap3A_716] {strides = array<i32>} : memref<8x128xi32, #tpu.memory_space<vmem>>, vector<1x16xi32>,
    %swap3A_718 = vector.shape_cast %swap3A_717 : vector<1x16xi32> to vector<16xi32>
    %swap3A_719 = vector.shape_cast %add3A_713 : vector<16xi32> to vector<1x16xi32>
    tpu.vector_store %arg7[%swap3A_715, %swap3A_716], %swap3A_719 {strides = array<i32>} : memref<8x128xi32, #tpu.memory_space<vmem>>, vector<1x16xi32>,
    %get3A_720 = arith.constant 368 : index
    %get3A_721 = tpu.vector_load %arg6[%get3A_720] {strides = array<i32>} : memref<1024xi32, #tpu.memory_space<vmem>>, vector<16xi32>,
    %get3A_722 = vector.shape_cast %get3A_721 : vector<16xi32> to vector<16xi32>
    %and3A_723 = arith.constant -8 : i32
    %and3A_724 = vector.broadcast %and3A_723 : i32 to vector<16xi32>
    %and3A_725 = arith.andi %get3A_722, %and3A_724 : vector<16xi32>
    %shift_left3A_726 = arith.constant 14 : i32
    %shift_left3A_727 = vector.broadcast %shift_left3A_726 : i32 to vector<16xi32>
    %shift_left3A_728 = arith.shli %and3A_725, %shift_left3A_727 : vector<16xi32>
    %and3A_729 = arith.constant 7 : i32
    %and3A_730 = vector.broadcast %and3A_729 : i32 to vector<16xi32>
    %and3A_731 = arith.andi %get3A_722, %and3A_730 : vector<16xi32>
    %shift_left3A_732 = arith.constant 7 : i32
    %shift_left3A_733 = vector.broadcast %shift_left3A_732 : i32 to vector<16xi32>
    %shift_left3A_734 = arith.shli %and3A_731, %shift_left3A_733 : vector<16xi32>
    %add3A_735 = arith.addi %shift_left3A_728, %shift_left3A_734 : vector<16xi32>
    %add3A_736 = arith.constant 2160 : i32
    %add3A_737 = vector.broadcast %add3A_736 : i32 to vector<16xi32>
    %add3A_738 = arith.addi %add3A_737, %iota3A : vector<16xi32>
    %add3A_739 = vector.broadcast %shift_left3A_30 : i32 to vector<16xi32>
    %add3A_740 = arith.addi %add3A_739, %add3A_738 : vector<16xi32>
    %add3A_741 = arith.addi %add3A_735, %add3A_740 : vector<16xi32>
    %swap3A_742 = arith.constant 2 : i32
    %swap3A_743 = arith.index_cast %swap3A_742 : i32 to index
    %swap3A_744 = arith.constant 112 : index
    %swap3A_745 = tpu.vector_load %arg7[%swap3A_743, %swap3A_744] {strides = array<i32>} : memref<8x128xi32, #tpu.memory_space<vmem>>, vector<1x16xi32>,
    %swap3A_746 = vector.shape_cast %swap3A_745 : vector<1x16xi32> to vector<16xi32>
    %swap3A_747 = vector.shape_cast %add3A_741 : vector<16xi32> to vector<1x16xi32>
    tpu.vector_store %arg7[%swap3A_743, %swap3A_744], %swap3A_747 {strides = array<i32>} : memref<8x128xi32, #tpu.memory_space<vmem>>, vector<1x16xi32>,
    %dma_start3A_748 = arith.constant 2 : i32
    %dma_start3A_749 = arith.constant 256 : i32
    %dma_start3A_750 = tpu.memref_slice %arg8[%dma_start3A_749] : memref<1024xf32, #tpu.memory_space<vmem>> -> memref<128xf32, #tpu.memory_space<vmem>>
    %dma_start3A_751 = arith.constant 0 : i32
    %dma_start3A_752 = tpu.memref_slice %arg7[%dma_start3A_748, %dma_start3A_751] : memref<8x128xi32, #tpu.memory_space<vmem>> -> memref<1x128xi32, #tpu.memory_space<vmem>>
    %dma_start3A_753 = tpu.memref_squeeze %dma_start3A_752 : memref<1x128xi32, #tpu.memory_space<vmem>> -> memref<128xi32, #tpu.memory_space<vmem>>
    %dma_start3A_754 = arith.constant 0 : i32
    %dma_start3A_755 = tpu.memref_slice %arg2[%dma_start3A_754] : memref<163840000xf32, #tpu.memory_space<hbm>> -> memref<163840000xf32, #tpu.memory_space<hbm>>
    tpu.enqueue_indirect_dma source(%dma_start3A_755 : memref<163840000xf32, #tpu.memory_space<hbm>>) target(%dma_start3A_750 : memref<128xf32, #tpu.memory_space<vmem>>) offsets(%dma_start3A_753 : memref<128xi32, #tpu.memory_space<vmem>>) semaphore(%arg25 : memref<!tpu.dma_semaphore, #tpu.memory_space<semaphore_mem>>)
    %get3A_756 = arith.constant 384 : index
    %get3A_757 = tpu.vector_load %arg6[%get3A_756] {strides = array<i32>} : memref<1024xi32, #tpu.memory_space<vmem>>, vector<16xi32>,
    %get3A_758 = vector.shape_cast %get3A_757 : vector<16xi32> to vector<16xi32>
    %and3A_759 = arith.constant -8 : i32
    %and3A_760 = vector.broadcast %and3A_759 : i32 to vector<16xi32>
    %and3A_761 = arith.andi %get3A_758, %and3A_760 : vector<16xi32>
    %shift_left3A_762 = arith.constant 14 : i32
    %shift_left3A_763 = vector.broadcast %shift_left3A_762 : i32 to vector<16xi32>
    %shift_left3A_764 = arith.shli %and3A_761, %shift_left3A_763 : vector<16xi32>
    %and3A_765 = arith.constant 7 : i32
    %and3A_766 = vector.broadcast %and3A_765 : i32 to vector<16xi32>
    %and3A_767 = arith.andi %get3A_758, %and3A_766 : vector<16xi32>
    %shift_left3A_768 = arith.constant 7 : i32
    %shift_left3A_769 = vector.broadcast %shift_left3A_768 : i32 to vector<16xi32>
    %shift_left3A_770 = arith.shli %and3A_767, %shift_left3A_769 : vector<16xi32>
    %add3A_771 = arith.addi %shift_left3A_764, %shift_left3A_770 : vector<16xi32>
    %add3A_772 = arith.constant 3072 : i32
    %add3A_773 = vector.broadcast %add3A_772 : i32 to vector<16xi32>
    %add3A_774 = arith.addi %add3A_773, %iota3A : vector<16xi32>
    %add3A_775 = vector.broadcast %shift_left3A_30 : i32 to vector<16xi32>
    %add3A_776 = arith.addi %add3A_775, %add3A_774 : vector<16xi32>
    %add3A_777 = arith.addi %add3A_771, %add3A_776 : vector<16xi32>
    %swap3A_778 = arith.constant 3 : i32
    %swap3A_779 = arith.index_cast %swap3A_778 : i32 to index
    %swap3A_780 = arith.constant 0 : index
    %swap3A_781 = tpu.vector_load %arg7[%swap3A_779, %swap3A_780] {strides = array<i32>} : memref<8x128xi32, #tpu.memory_space<vmem>>, vector<1x16xi32>,
    %swap3A_782 = vector.shape_cast %swap3A_781 : vector<1x16xi32> to vector<16xi32>
    %swap3A_783 = vector.shape_cast %add3A_777 : vector<16xi32> to vector<1x16xi32>
    tpu.vector_store %arg7[%swap3A_779, %swap3A_780], %swap3A_783 {strides = array<i32>} : memref<8x128xi32, #tpu.memory_space<vmem>>, vector<1x16xi32>,
    %get3A_784 = arith.constant 400 : index
    %get3A_785 = tpu.vector_load %arg6[%get3A_784] {strides = array<i32>} : memref<1024xi32, #tpu.memory_space<vmem>>, vector<16xi32>,
    %get3A_786 = vector.shape_cast %get3A_785 : vector<16xi32> to vector<16xi32>
    %and3A_787 = arith.constant -8 : i32
    %and3A_788 = vector.broadcast %and3A_787 : i32 to vector<16xi32>
    %and3A_789 = arith.andi %get3A_786, %and3A_788 : vector<16xi32>
    %shift_left3A_790 = arith.constant 14 : i32
    %shift_left3A_791 = vector.broadcast %shift_left3A_790 : i32 to vector<16xi32>
    %shift_left3A_792 = arith.shli %and3A_789, %shift_left3A_791 : vector<16xi32>
    %and3A_793 = arith.constant 7 : i32
    %and3A_794 = vector.broadcast %and3A_793 : i32 to vector<16xi32>
    %and3A_795 = arith.andi %get3A_786, %and3A_794 : vector<16xi32>
    %shift_left3A_796 = arith.constant 7 : i32
    %shift_left3A_797 = vector.broadcast %shift_left3A_796 : i32 to vector<16xi32>
    %shift_left3A_798 = arith.shli %and3A_795, %shift_left3A_797 : vector<16xi32>
    %add3A_799 = arith.addi %shift_left3A_792, %shift_left3A_798 : vector<16xi32>
    %add3A_800 = arith.constant 3088 : i32
    %add3A_801 = vector.broadcast %add3A_800 : i32 to vector<16xi32>
    %add3A_802 = arith.addi %add3A_801, %iota3A : vector<16xi32>
    %add3A_803 = vector.broadcast %shift_left3A_30 : i32 to vector<16xi32>
    %add3A_804 = arith.addi %add3A_803, %add3A_802 : vector<16xi32>
    %add3A_805 = arith.addi %add3A_799, %add3A_804 : vector<16xi32>
    %swap3A_806 = arith.constant 3 : i32
    %swap3A_807 = arith.index_cast %swap3A_806 : i32 to index
    %swap3A_808 = arith.constant 16 : index
    %swap3A_809 = tpu.vector_load %arg7[%swap3A_807, %swap3A_808] {strides = array<i32>} : memref<8x128xi32, #tpu.memory_space<vmem>>, vector<1x16xi32>,
    %swap3A_810 = vector.shape_cast %swap3A_809 : vector<1x16xi32> to vector<16xi32>
    %swap3A_811 = vector.shape_cast %add3A_805 : vector<16xi32> to vector<1x16xi32>
    tpu.vector_store %arg7[%swap3A_807, %swap3A_808], %swap3A_811 {strides = array<i32>} : memref<8x128xi32, #tpu.memory_space<vmem>>, vector<1x16xi32>,
    %get3A_812 = arith.constant 416 : index
    %get3A_813 = tpu.vector_load %arg6[%get3A_812] {strides = array<i32>} : memref<1024xi32, #tpu.memory_space<vmem>>, vector<16xi32>,
    %get3A_814 = vector.shape_cast %get3A_813 : vector<16xi32> to vector<16xi32>
    %and3A_815 = arith.constant -8 : i32
    %and3A_816 = vector.broadcast %and3A_815 : i32 to vector<16xi32>
    %and3A_817 = arith.andi %get3A_814, %and3A_816 : vector<16xi32>
    %shift_left3A_818 = arith.constant 14 : i32
    %shift_left3A_819 = vector.broadcast %shift_left3A_818 : i32 to vector<16xi32>
    %shift_left3A_820 = arith.shli %and3A_817, %shift_left3A_819 : vector<16xi32>
    %and3A_821 = arith.constant 7 : i32
    %and3A_822 = vector.broadcast %and3A_821 : i32 to vector<16xi32>
    %and3A_823 = arith.andi %get3A_814, %and3A_822 : vector<16xi32>
    %shift_left3A_824 = arith.constant 7 : i32
    %shift_left3A_825 = vector.broadcast %shift_left3A_824 : i32 to vector<16xi32>
    %shift_left3A_826 = arith.shli %and3A_823, %shift_left3A_825 : vector<16xi32>
    %add3A_827 = arith.addi %shift_left3A_820, %shift_left3A_826 : vector<16xi32>
    %add3A_828 = arith.constant 3104 : i32
    %add3A_829 = vector.broadcast %add3A_828 : i32 to vector<16xi32>
    %add3A_830 = arith.addi %add3A_829, %iota3A : vector<16xi32>
    %add3A_831 = vector.broadcast %shift_left3A_30 : i32 to vector<16xi32>
    %add3A_832 = arith.addi %add3A_831, %add3A_830 : vector<16xi32>
    %add3A_833 = arith.addi %add3A_827, %add3A_832 : vector<16xi32>
    %swap3A_834 = arith.constant 3 : i32
    %swap3A_835 = arith.index_cast %swap3A_834 : i32 to index
    %swap3A_836 = arith.constant 32 : index
    %swap3A_837 = tpu.vector_load %arg7[%swap3A_835, %swap3A_836] {strides = array<i32>} : memref<8x128xi32, #tpu.memory_space<vmem>>, vector<1x16xi32>,
    %swap3A_838 = vector.shape_cast %swap3A_837 : vector<1x16xi32> to vector<16xi32>
    %swap3A_839 = vector.shape_cast %add3A_833 : vector<16xi32> to vector<1x16xi32>
    tpu.vector_store %arg7[%swap3A_835, %swap3A_836], %swap3A_839 {strides = array<i32>} : memref<8x128xi32, #tpu.memory_space<vmem>>, vector<1x16xi32>,
    %get3A_840 = arith.constant 432 : index
    %get3A_841 = tpu.vector_load %arg6[%get3A_840] {strides = array<i32>} : memref<1024xi32, #tpu.memory_space<vmem>>, vector<16xi32>,
    %get3A_842 = vector.shape_cast %get3A_841 : vector<16xi32> to vector<16xi32>
    %and3A_843 = arith.constant -8 : i32
    %and3A_844 = vector.broadcast %and3A_843 : i32 to vector<16xi32>
    %and3A_845 = arith.andi %get3A_842, %and3A_844 : vector<16xi32>
    %shift_left3A_846 = arith.constant 14 : i32
    %shift_left3A_847 = vector.broadcast %shift_left3A_846 : i32 to vector<16xi32>
    %shift_left3A_848 = arith.shli %and3A_845, %shift_left3A_847 : vector<16xi32>
    %and3A_849 = arith.constant 7 : i32
    %and3A_850 = vector.broadcast %and3A_849 : i32 to vector<16xi32>
    %and3A_851 = arith.andi %get3A_842, %and3A_850 : vector<16xi32>
    %shift_left3A_852 = arith.constant 7 : i32
    %shift_left3A_853 = vector.broadcast %shift_left3A_852 : i32 to vector<16xi32>
    %shift_left3A_854 = arith.shli %and3A_851, %shift_left3A_853 : vector<16xi32>
    %add3A_855 = arith.addi %shift_left3A_848, %shift_left3A_854 : vector<16xi32>
    %add3A_856 = arith.constant 3120 : i32
    %add3A_857 = vector.broadcast %add3A_856 : i32 to vector<16xi32>
    %add3A_858 = arith.addi %add3A_857, %iota3A : vector<16xi32>
    %add3A_859 = vector.broadcast %shift_left3A_30 : i32 to vector<16xi32>
    %add3A_860 = arith.addi %add3A_859, %add3A_858 : vector<16xi32>
    %add3A_861 = arith.addi %add3A_855, %add3A_860 : vector<16xi32>
    %swap3A_862 = arith.constant 3 : i32
    %swap3A_863 = arith.index_cast %swap3A_862 : i32 to index
    %swap3A_864 = arith.constant 48 : index
    %swap3A_865 = tpu.vector_load %arg7[%swap3A_863, %swap3A_864] {strides = array<i32>} : memref<8x128xi32, #tpu.memory_space<vmem>>, vector<1x16xi32>,
    %swap3A_866 = vector.shape_cast %swap3A_865 : vector<1x16xi32> to vector<16xi32>
    %swap3A_867 = vector.shape_cast %add3A_861 : vector<16xi32> to vector<1x16xi32>
    tpu.vector_store %arg7[%swap3A_863, %swap3A_864], %swap3A_867 {strides = array<i32>} : memref<8x128xi32, #tpu.memory_space<vmem>>, vector<1x16xi32>,
    %get3A_868 = arith.constant 448 : index
    %get3A_869 = tpu.vector_load %arg6[%get3A_868] {strides = array<i32>} : memref<1024xi32, #tpu.memory_space<vmem>>, vector<16xi32>,
    %get3A_870 = vector.shape_cast %get3A_869 : vector<16xi32> to vector<16xi32>
    %and3A_871 = arith.constant -8 : i32
    %and3A_872 = vector.broadcast %and3A_871 : i32 to vector<16xi32>
    %and3A_873 = arith.andi %get3A_870, %and3A_872 : vector<16xi32>
    %shift_left3A_874 = arith.constant 14 : i32
    %shift_left3A_875 = vector.broadcast %shift_left3A_874 : i32 to vector<16xi32>
    %shift_left3A_876 = arith.shli %and3A_873, %shift_left3A_875 : vector<16xi32>
    %and3A_877 = arith.constant 7 : i32
    %and3A_878 = vector.broadcast %and3A_877 : i32 to vector<16xi32>
    %and3A_879 = arith.andi %get3A_870, %and3A_878 : vector<16xi32>
    %shift_left3A_880 = arith.constant 7 : i32
    %shift_left3A_881 = vector.broadcast %shift_left3A_880 : i32 to vector<16xi32>
    %shift_left3A_882 = arith.shli %and3A_879, %shift_left3A_881 : vector<16xi32>
    %add3A_883 = arith.addi %shift_left3A_876, %shift_left3A_882 : vector<16xi32>
    %add3A_884 = arith.constant 3136 : i32
    %add3A_885 = vector.broadcast %add3A_884 : i32 to vector<16xi32>
    %add3A_886 = arith.addi %add3A_885, %iota3A : vector<16xi32>
    %add3A_887 = vector.broadcast %shift_left3A_30 : i32 to vector<16xi32>
    %add3A_888 = arith.addi %add3A_887, %add3A_886 : vector<16xi32>
    %add3A_889 = arith.addi %add3A_883, %add3A_888 : vector<16xi32>
    %swap3A_890 = arith.constant 3 : i32
    %swap3A_891 = arith.index_cast %swap3A_890 : i32 to index
    %swap3A_892 = arith.constant 64 : index
    %swap3A_893 = tpu.vector_load %arg7[%swap3A_891, %swap3A_892] {strides = array<i32>} : memref<8x128xi32, #tpu.memory_space<vmem>>, vector<1x16xi32>,
    %swap3A_894 = vector.shape_cast %swap3A_893 : vector<1x16xi32> to vector<16xi32>
    %swap3A_895 = vector.shape_cast %add3A_889 : vector<16xi32> to vector<1x16xi32>
    tpu.vector_store %arg7[%swap3A_891, %swap3A_892], %swap3A_895 {strides = array<i32>} : memref<8x128xi32, #tpu.memory_space<vmem>>, vector<1x16xi32>,
    %get3A_896 = arith.constant 464 : index
    %get3A_897 = tpu.vector_load %arg6[%get3A_896] {strides = array<i32>} : memref<1024xi32, #tpu.memory_space<vmem>>, vector<16xi32>,
    %get3A_898 = vector.shape_cast %get3A_897 : vector<16xi32> to vector<16xi32>
    %and3A_899 = arith.constant -8 : i32
    %and3A_900 = vector.broadcast %and3A_899 : i32 to vector<16xi32>
    %and3A_901 = arith.andi %get3A_898, %and3A_900 : vector<16xi32>
    %shift_left3A_902 = arith.constant 14 : i32
    %shift_left3A_903 = vector.broadcast %shift_left3A_902 : i32 to vector<16xi32>
    %shift_left3A_904 = arith.shli %and3A_901, %shift_left3A_903 : vector<16xi32>
    %and3A_905 = arith.constant 7 : i32
    %and3A_906 = vector.broadcast %and3A_905 : i32 to vector<16xi32>
    %and3A_907 = arith.andi %get3A_898, %and3A_906 : vector<16xi32>
    %shift_left3A_908 = arith.constant 7 : i32
    %shift_left3A_909 = vector.broadcast %shift_left3A_908 : i32 to vector<16xi32>
    %shift_left3A_910 = arith.shli %and3A_907, %shift_left3A_909 : vector<16xi32>
    %add3A_911 = arith.addi %shift_left3A_904, %shift_left3A_910 : vector<16xi32>
    %add3A_912 = arith.constant 3152 : i32
    %add3A_913 = vector.broadcast %add3A_912 : i32 to vector<16xi32>
    %add3A_914 = arith.addi %add3A_913, %iota3A : vector<16xi32>
    %add3A_915 = vector.broadcast %shift_left3A_30 : i32 to vector<16xi32>
    %add3A_916 = arith.addi %add3A_915, %add3A_914 : vector<16xi32>
    %add3A_917 = arith.addi %add3A_911, %add3A_916 : vector<16xi32>
    %swap3A_918 = arith.constant 3 : i32
    %swap3A_919 = arith.index_cast %swap3A_918 : i32 to index
    %swap3A_920 = arith.constant 80 : index
    %swap3A_921 = tpu.vector_load %arg7[%swap3A_919, %swap3A_920] {strides = array<i32>} : memref<8x128xi32, #tpu.memory_space<vmem>>, vector<1x16xi32>,
    %swap3A_922 = vector.shape_cast %swap3A_921 : vector<1x16xi32> to vector<16xi32>
    %swap3A_923 = vector.shape_cast %add3A_917 : vector<16xi32> to vector<1x16xi32>
    tpu.vector_store %arg7[%swap3A_919, %swap3A_920], %swap3A_923 {strides = array<i32>} : memref<8x128xi32, #tpu.memory_space<vmem>>, vector<1x16xi32>,
    %get3A_924 = arith.constant 480 : index
    %get3A_925 = tpu.vector_load %arg6[%get3A_924] {strides = array<i32>} : memref<1024xi32, #tpu.memory_space<vmem>>, vector<16xi32>,
    %get3A_926 = vector.shape_cast %get3A_925 : vector<16xi32> to vector<16xi32>
    %and3A_927 = arith.constant -8 : i32
    %and3A_928 = vector.broadcast %and3A_927 : i32 to vector<16xi32>
    %and3A_929 = arith.andi %get3A_926, %and3A_928 : vector<16xi32>
    %shift_left3A_930 = arith.constant 14 : i32
    %shift_left3A_931 = vector.broadcast %shift_left3A_930 : i32 to vector<16xi32>
    %shift_left3A_932 = arith.shli %and3A_929, %shift_left3A_931 : vector<16xi32>
    %and3A_933 = arith.constant 7 : i32
    %and3A_934 = vector.broadcast %and3A_933 : i32 to vector<16xi32>
    %and3A_935 = arith.andi %get3A_926, %and3A_934 : vector<16xi32>
    %shift_left3A_936 = arith.constant 7 : i32
    %shift_left3A_937 = vector.broadcast %shift_left3A_936 : i32 to vector<16xi32>
    %shift_left3A_938 = arith.shli %and3A_935, %shift_left3A_937 : vector<16xi32>
    %add3A_939 = arith.addi %shift_left3A_932, %shift_left3A_938 : vector<16xi32>
    %add3A_940 = arith.constant 3168 : i32
    %add3A_941 = vector.broadcast %add3A_940 : i32 to vector<16xi32>
    %add3A_942 = arith.addi %add3A_941, %iota3A : vector<16xi32>
    %add3A_943 = vector.broadcast %shift_left3A_30 : i32 to vector<16xi32>
    %add3A_944 = arith.addi %add3A_943, %add3A_942 : vector<16xi32>
    %add3A_945 = arith.addi %add3A_939, %add3A_944 : vector<16xi32>
    %swap3A_946 = arith.constant 3 : i32
    %swap3A_947 = arith.index_cast %swap3A_946 : i32 to index
    %swap3A_948 = arith.constant 96 : index
    %swap3A_949 = tpu.vector_load %arg7[%swap3A_947, %swap3A_948] {strides = array<i32>} : memref<8x128xi32, #tpu.memory_space<vmem>>, vector<1x16xi32>,
    %swap3A_950 = vector.shape_cast %swap3A_949 : vector<1x16xi32> to vector<16xi32>
    %swap3A_951 = vector.shape_cast %add3A_945 : vector<16xi32> to vector<1x16xi32>
    tpu.vector_store %arg7[%swap3A_947, %swap3A_948], %swap3A_951 {strides = array<i32>} : memref<8x128xi32, #tpu.memory_space<vmem>>, vector<1x16xi32>,
    %get3A_952 = arith.constant 496 : index
    %get3A_953 = tpu.vector_load %arg6[%get3A_952] {strides = array<i32>} : memref<1024xi32, #tpu.memory_space<vmem>>, vector<16xi32>,
    %get3A_954 = vector.shape_cast %get3A_953 : vector<16xi32> to vector<16xi32>
    %and3A_955 = arith.constant -8 : i32
    %and3A_956 = vector.broadcast %and3A_955 : i32 to vector<16xi32>
    %and3A_957 = arith.andi %get3A_954, %and3A_956 : vector<16xi32>
    %shift_left3A_958 = arith.constant 14 : i32
    %shift_left3A_959 = vector.broadcast %shift_left3A_958 : i32 to vector<16xi32>
    %shift_left3A_960 = arith.shli %and3A_957, %shift_left3A_959 : vector<16xi32>
    %and3A_961 = arith.constant 7 : i32
    %and3A_962 = vector.broadcast %and3A_961 : i32 to vector<16xi32>
    %and3A_963 = arith.andi %get3A_954, %and3A_962 : vector<16xi32>
    %shift_left3A_964 = arith.constant 7 : i32
    %shift_left3A_965 = vector.broadcast %shift_left3A_964 : i32 to vector<16xi32>
    %shift_left3A_966 = arith.shli %and3A_963, %shift_left3A_965 : vector<16xi32>
    %add3A_967 = arith.addi %shift_left3A_960, %shift_left3A_966 : vector<16xi32>
    %add3A_968 = arith.constant 3184 : i32
    %add3A_969 = vector.broadcast %add3A_968 : i32 to vector<16xi32>
    %add3A_970 = arith.addi %add3A_969, %iota3A : vector<16xi32>
    %add3A_971 = vector.broadcast %shift_left3A_30 : i32 to vector<16xi32>
    %add3A_972 = arith.addi %add3A_971, %add3A_970 : vector<16xi32>
    %add3A_973 = arith.addi %add3A_967, %add3A_972 : vector<16xi32>
    %swap3A_974 = arith.constant 3 : i32
    %swap3A_975 = arith.index_cast %swap3A_974 : i32 to index
    %swap3A_976 = arith.constant 112 : index
    %swap3A_977 = tpu.vector_load %arg7[%swap3A_975, %swap3A_976] {strides = array<i32>} : memref<8x128xi32, #tpu.memory_space<vmem>>, vector<1x16xi32>,
    %swap3A_978 = vector.shape_cast %swap3A_977 : vector<1x16xi32> to vector<16xi32>
    %swap3A_979 = vector.shape_cast %add3A_973 : vector<16xi32> to vector<1x16xi32>
    tpu.vector_store %arg7[%swap3A_975, %swap3A_976], %swap3A_979 {strides = array<i32>} : memref<8x128xi32, #tpu.memory_space<vmem>>, vector<1x16xi32>,
    %dma_start3A_980 = arith.constant 3 : i32
    %dma_start3A_981 = arith.constant 384 : i32
    %dma_start3A_982 = tpu.memref_slice %arg8[%dma_start3A_981] : memref<1024xf32, #tpu.memory_space<vmem>> -> memref<128xf32, #tpu.memory_space<vmem>>
    %dma_start3A_983 = arith.constant 0 : i32
    %dma_start3A_984 = tpu.memref_slice %arg7[%dma_start3A_980, %dma_start3A_983] : memref<8x128xi32, #tpu.memory_space<vmem>> -> memref<1x128xi32, #tpu.memory_space<vmem>>
    %dma_start3A_985 = tpu.memref_squeeze %dma_start3A_984 : memref<1x128xi32, #tpu.memory_space<vmem>> -> memref<128xi32, #tpu.memory_space<vmem>>
    %dma_start3A_986 = arith.constant 0 : i32
    %dma_start3A_987 = tpu.memref_slice %arg2[%dma_start3A_986] : memref<163840000xf32, #tpu.memory_space<hbm>> -> memref<163840000xf32, #tpu.memory_space<hbm>>
    tpu.enqueue_indirect_dma source(%dma_start3A_987 : memref<163840000xf32, #tpu.memory_space<hbm>>) target(%dma_start3A_982 : memref<128xf32, #tpu.memory_space<vmem>>) offsets(%dma_start3A_985 : memref<128xi32, #tpu.memory_space<vmem>>) semaphore(%arg26 : memref<!tpu.dma_semaphore, #tpu.memory_space<semaphore_mem>>)
    %get3A_988 = arith.constant 512 : index
    %get3A_989 = tpu.vector_load %arg6[%get3A_988] {strides = array<i32>} : memref<1024xi32, #tpu.memory_space<vmem>>, vector<16xi32>,
    %get3A_990 = vector.shape_cast %get3A_989 : vector<16xi32> to vector<16xi32>
    %and3A_991 = arith.constant -8 : i32
    %and3A_992 = vector.broadcast %and3A_991 : i32 to vector<16xi32>
    %and3A_993 = arith.andi %get3A_990, %and3A_992 : vector<16xi32>
    %shift_left3A_994 = arith.constant 14 : i32
    %shift_left3A_995 = vector.broadcast %shift_left3A_994 : i32 to vector<16xi32>
    %shift_left3A_996 = arith.shli %and3A_993, %shift_left3A_995 : vector<16xi32>
    %and3A_997 = arith.constant 7 : i32
    %and3A_998 = vector.broadcast %and3A_997 : i32 to vector<16xi32>
    %and3A_999 = arith.andi %get3A_990, %and3A_998 : vector<16xi32>
    %shift_left3A_1000 = arith.constant 7 : i32
    %shift_left3A_1001 = vector.broadcast %shift_left3A_1000 : i32 to vector<16xi32>
    %shift_left3A_1002 = arith.shli %and3A_999, %shift_left3A_1001 : vector<16xi32>
    %add3A_1003 = arith.addi %shift_left3A_996, %shift_left3A_1002 : vector<16xi32>
    %add3A_1004 = arith.constant 4096 : i32
    %add3A_1005 = vector.broadcast %add3A_1004 : i32 to vector<16xi32>
    %add3A_1006 = arith.addi %add3A_1005, %iota3A : vector<16xi32>
    %add3A_1007 = vector.broadcast %shift_left3A_30 : i32 to vector<16xi32>
    %add3A_1008 = arith.addi %add3A_1007, %add3A_1006 : vector<16xi32>
    %add3A_1009 = arith.addi %add3A_1003, %add3A_1008 : vector<16xi32>
    %swap3A_1010 = arith.constant 4 : i32
    %swap3A_1011 = arith.index_cast %swap3A_1010 : i32 to index
    %swap3A_1012 = arith.constant 0 : index
    %swap3A_1013 = tpu.vector_load %arg7[%swap3A_1011, %swap3A_1012] {strides = array<i32>} : memref<8x128xi32, #tpu.memory_space<vmem>>, vector<1x16xi32>,
    %swap3A_1014 = vector.shape_cast %swap3A_1013 : vector<1x16xi32> to vector<16xi32>
    %swap3A_1015 = vector.shape_cast %add3A_1009 : vector<16xi32> to vector<1x16xi32>
    tpu.vector_store %arg7[%swap3A_1011, %swap3A_1012], %swap3A_1015 {strides = array<i32>} : memref<8x128xi32, #tpu.memory_space<vmem>>, vector<1x16xi32>,
    %get3A_1016 = arith.constant 528 : index
    %get3A_1017 = tpu.vector_load %arg6[%get3A_1016] {strides = array<i32>} : memref<1024xi32, #tpu.memory_space<vmem>>, vector<16xi32>,
    %get3A_1018 = vector.shape_cast %get3A_1017 : vector<16xi32> to vector<16xi32>
    %and3A_1019 = arith.constant -8 : i32
    %and3A_1020 = vector.broadcast %and3A_1019 : i32 to vector<16xi32>
    %and3A_1021 = arith.andi %get3A_1018, %and3A_1020 : vector<16xi32>
    %shift_left3A_1022 = arith.constant 14 : i32
    %shift_left3A_1023 = vector.broadcast %shift_left3A_1022 : i32 to vector<16xi32>
    %shift_left3A_1024 = arith.shli %and3A_1021, %shift_left3A_1023 : vector<16xi32>
    %and3A_1025 = arith.constant 7 : i32
    %and3A_1026 = vector.broadcast %and3A_1025 : i32 to vector<16xi32>
    %and3A_1027 = arith.andi %get3A_1018, %and3A_1026 : vector<16xi32>
    %shift_left3A_1028 = arith.constant 7 : i32
    %shift_left3A_1029 = vector.broadcast %shift_left3A_1028 : i32 to vector<16xi32>
    %shift_left3A_1030 = arith.shli %and3A_1027, %shift_left3A_1029 : vector<16xi32>
    %add3A_1031 = arith.addi %shift_left3A_1024, %shift_left3A_1030 : vector<16xi32>
    %add3A_1032 = arith.constant 4112 : i32
    %add3A_1033 = vector.broadcast %add3A_1032 : i32 to vector<16xi32>
    %add3A_1034 = arith.addi %add3A_1033, %iota3A : vector<16xi32>
    %add3A_1035 = vector.broadcast %shift_left3A_30 : i32 to vector<16xi32>
    %add3A_1036 = arith.addi %add3A_1035, %add3A_1034 : vector<16xi32>
    %add3A_1037 = arith.addi %add3A_1031, %add3A_1036 : vector<16xi32>
    %swap3A_1038 = arith.constant 4 : i32
    %swap3A_1039 = arith.index_cast %swap3A_1038 : i32 to index
    %swap3A_1040 = arith.constant 16 : index
    %swap3A_1041 = tpu.vector_load %arg7[%swap3A_1039, %swap3A_1040] {strides = array<i32>} : memref<8x128xi32, #tpu.memory_space<vmem>>, vector<1x16xi32>,
    %swap3A_1042 = vector.shape_cast %swap3A_1041 : vector<1x16xi32> to vector<16xi32>
    %swap3A_1043 = vector.shape_cast %add3A_1037 : vector<16xi32> to vector<1x16xi32>
    tpu.vector_store %arg7[%swap3A_1039, %swap3A_1040], %swap3A_1043 {strides = array<i32>} : memref<8x128xi32, #tpu.memory_space<vmem>>, vector<1x16xi32>,
    %get3A_1044 = arith.constant 544 : index
    %get3A_1045 = tpu.vector_load %arg6[%get3A_1044] {strides = array<i32>} : memref<1024xi32, #tpu.memory_space<vmem>>, vector<16xi32>,
    %get3A_1046 = vector.shape_cast %get3A_1045 : vector<16xi32> to vector<16xi32>
    %and3A_1047 = arith.constant -8 : i32
    %and3A_1048 = vector.broadcast %and3A_1047 : i32 to vector<16xi32>
    %and3A_1049 = arith.andi %get3A_1046, %and3A_1048 : vector<16xi32>
    %shift_left3A_1050 = arith.constant 14 : i32
    %shift_left3A_1051 = vector.broadcast %shift_left3A_1050 : i32 to vector<16xi32>
    %shift_left3A_1052 = arith.shli %and3A_1049, %shift_left3A_1051 : vector<16xi32>
    %and3A_1053 = arith.constant 7 : i32
    %and3A_1054 = vector.broadcast %and3A_1053 : i32 to vector<16xi32>
    %and3A_1055 = arith.andi %get3A_1046, %and3A_1054 : vector<16xi32>
    %shift_left3A_1056 = arith.constant 7 : i32
    %shift_left3A_1057 = vector.broadcast %shift_left3A_1056 : i32 to vector<16xi32>
    %shift_left3A_1058 = arith.shli %and3A_1055, %shift_left3A_1057 : vector<16xi32>
    %add3A_1059 = arith.addi %shift_left3A_1052, %shift_left3A_1058 : vector<16xi32>
    %add3A_1060 = arith.constant 4128 : i32
    %add3A_1061 = vector.broadcast %add3A_1060 : i32 to vector<16xi32>
    %add3A_1062 = arith.addi %add3A_1061, %iota3A : vector<16xi32>
    %add3A_1063 = vector.broadcast %shift_left3A_30 : i32 to vector<16xi32>
    %add3A_1064 = arith.addi %add3A_1063, %add3A_1062 : vector<16xi32>
    %add3A_1065 = arith.addi %add3A_1059, %add3A_1064 : vector<16xi32>
    %swap3A_1066 = arith.constant 4 : i32
    %swap3A_1067 = arith.index_cast %swap3A_1066 : i32 to index
    %swap3A_1068 = arith.constant 32 : index
    %swap3A_1069 = tpu.vector_load %arg7[%swap3A_1067, %swap3A_1068] {strides = array<i32>} : memref<8x128xi32, #tpu.memory_space<vmem>>, vector<1x16xi32>,
    %swap3A_1070 = vector.shape_cast %swap3A_1069 : vector<1x16xi32> to vector<16xi32>
    %swap3A_1071 = vector.shape_cast %add3A_1065 : vector<16xi32> to vector<1x16xi32>
    tpu.vector_store %arg7[%swap3A_1067, %swap3A_1068], %swap3A_1071 {strides = array<i32>} : memref<8x128xi32, #tpu.memory_space<vmem>>, vector<1x16xi32>,
    %get3A_1072 = arith.constant 560 : index
    %get3A_1073 = tpu.vector_load %arg6[%get3A_1072] {strides = array<i32>} : memref<1024xi32, #tpu.memory_space<vmem>>, vector<16xi32>,
    %get3A_1074 = vector.shape_cast %get3A_1073 : vector<16xi32> to vector<16xi32>
    %and3A_1075 = arith.constant -8 : i32
    %and3A_1076 = vector.broadcast %and3A_1075 : i32 to vector<16xi32>
    %and3A_1077 = arith.andi %get3A_1074, %and3A_1076 : vector<16xi32>
    %shift_left3A_1078 = arith.constant 14 : i32
    %shift_left3A_1079 = vector.broadcast %shift_left3A_1078 : i32 to vector<16xi32>
    %shift_left3A_1080 = arith.shli %and3A_1077, %shift_left3A_1079 : vector<16xi32>
    %and3A_1081 = arith.constant 7 : i32
    %and3A_1082 = vector.broadcast %and3A_1081 : i32 to vector<16xi32>
    %and3A_1083 = arith.andi %get3A_1074, %and3A_1082 : vector<16xi32>
    %shift_left3A_1084 = arith.constant 7 : i32
    %shift_left3A_1085 = vector.broadcast %shift_left3A_1084 : i32 to vector<16xi32>
    %shift_left3A_1086 = arith.shli %and3A_1083, %shift_left3A_1085 : vector<16xi32>
    %add3A_1087 = arith.addi %shift_left3A_1080, %shift_left3A_1086 : vector<16xi32>
    %add3A_1088 = arith.constant 4144 : i32
    %add3A_1089 = vector.broadcast %add3A_1088 : i32 to vector<16xi32>
    %add3A_1090 = arith.addi %add3A_1089, %iota3A : vector<16xi32>
    %add3A_1091 = vector.broadcast %shift_left3A_30 : i32 to vector<16xi32>
    %add3A_1092 = arith.addi %add3A_1091, %add3A_1090 : vector<16xi32>
    %add3A_1093 = arith.addi %add3A_1087, %add3A_1092 : vector<16xi32>
    %swap3A_1094 = arith.constant 4 : i32
    %swap3A_1095 = arith.index_cast %swap3A_1094 : i32 to index
    %swap3A_1096 = arith.constant 48 : index
    %swap3A_1097 = tpu.vector_load %arg7[%swap3A_1095, %swap3A_1096] {strides = array<i32>} : memref<8x128xi32, #tpu.memory_space<vmem>>, vector<1x16xi32>,
    %swap3A_1098 = vector.shape_cast %swap3A_1097 : vector<1x16xi32> to vector<16xi32>
    %swap3A_1099 = vector.shape_cast %add3A_1093 : vector<16xi32> to vector<1x16xi32>
    tpu.vector_store %arg7[%swap3A_1095, %swap3A_1096], %swap3A_1099 {strides = array<i32>} : memref<8x128xi32, #tpu.memory_space<vmem>>, vector<1x16xi32>,
    %get3A_1100 = arith.constant 576 : index
    %get3A_1101 = tpu.vector_load %arg6[%get3A_1100] {strides = array<i32>} : memref<1024xi32, #tpu.memory_space<vmem>>, vector<16xi32>,
    %get3A_1102 = vector.shape_cast %get3A_1101 : vector<16xi32> to vector<16xi32>
    %and3A_1103 = arith.constant -8 : i32
    %and3A_1104 = vector.broadcast %and3A_1103 : i32 to vector<16xi32>
    %and3A_1105 = arith.andi %get3A_1102, %and3A_1104 : vector<16xi32>
    %shift_left3A_1106 = arith.constant 14 : i32
    %shift_left3A_1107 = vector.broadcast %shift_left3A_1106 : i32 to vector<16xi32>
    %shift_left3A_1108 = arith.shli %and3A_1105, %shift_left3A_1107 : vector<16xi32>
    %and3A_1109 = arith.constant 7 : i32
    %and3A_1110 = vector.broadcast %and3A_1109 : i32 to vector<16xi32>
    %and3A_1111 = arith.andi %get3A_1102, %and3A_1110 : vector<16xi32>
    %shift_left3A_1112 = arith.constant 7 : i32
    %shift_left3A_1113 = vector.broadcast %shift_left3A_1112 : i32 to vector<16xi32>
    %shift_left3A_1114 = arith.shli %and3A_1111, %shift_left3A_1113 : vector<16xi32>
    %add3A_1115 = arith.addi %shift_left3A_1108, %shift_left3A_1114 : vector<16xi32>
    %add3A_1116 = arith.constant 4160 : i32
    %add3A_1117 = vector.broadcast %add3A_1116 : i32 to vector<16xi32>
    %add3A_1118 = arith.addi %add3A_1117, %iota3A : vector<16xi32>
    %add3A_1119 = vector.broadcast %shift_left3A_30 : i32 to vector<16xi32>
    %add3A_1120 = arith.addi %add3A_1119, %add3A_1118 : vector<16xi32>
    %add3A_1121 = arith.addi %add3A_1115, %add3A_1120 : vector<16xi32>
    %swap3A_1122 = arith.constant 4 : i32
    %swap3A_1123 = arith.index_cast %swap3A_1122 : i32 to index
    %swap3A_1124 = arith.constant 64 : index
    %swap3A_1125 = tpu.vector_load %arg7[%swap3A_1123, %swap3A_1124] {strides = array<i32>} : memref<8x128xi32, #tpu.memory_space<vmem>>, vector<1x16xi32>,
    %swap3A_1126 = vector.shape_cast %swap3A_1125 : vector<1x16xi32> to vector<16xi32>
    %swap3A_1127 = vector.shape_cast %add3A_1121 : vector<16xi32> to vector<1x16xi32>
    tpu.vector_store %arg7[%swap3A_1123, %swap3A_1124], %swap3A_1127 {strides = array<i32>} : memref<8x128xi32, #tpu.memory_space<vmem>>, vector<1x16xi32>,
    %get3A_1128 = arith.constant 592 : index
    %get3A_1129 = tpu.vector_load %arg6[%get3A_1128] {strides = array<i32>} : memref<1024xi32, #tpu.memory_space<vmem>>, vector<16xi32>,
    %get3A_1130 = vector.shape_cast %get3A_1129 : vector<16xi32> to vector<16xi32>
    %and3A_1131 = arith.constant -8 : i32
    %and3A_1132 = vector.broadcast %and3A_1131 : i32 to vector<16xi32>
    %and3A_1133 = arith.andi %get3A_1130, %and3A_1132 : vector<16xi32>
    %shift_left3A_1134 = arith.constant 14 : i32
    %shift_left3A_1135 = vector.broadcast %shift_left3A_1134 : i32 to vector<16xi32>
    %shift_left3A_1136 = arith.shli %and3A_1133, %shift_left3A_1135 : vector<16xi32>
    %and3A_1137 = arith.constant 7 : i32
    %and3A_1138 = vector.broadcast %and3A_1137 : i32 to vector<16xi32>
    %and3A_1139 = arith.andi %get3A_1130, %and3A_1138 : vector<16xi32>
    %shift_left3A_1140 = arith.constant 7 : i32
    %shift_left3A_1141 = vector.broadcast %shift_left3A_1140 : i32 to vector<16xi32>
    %shift_left3A_1142 = arith.shli %and3A_1139, %shift_left3A_1141 : vector<16xi32>
    %add3A_1143 = arith.addi %shift_left3A_1136, %shift_left3A_1142 : vector<16xi32>
    %add3A_1144 = arith.constant 4176 : i32
    %add3A_1145 = vector.broadcast %add3A_1144 : i32 to vector<16xi32>
    %add3A_1146 = arith.addi %add3A_1145, %iota3A : vector<16xi32>
    %add3A_1147 = vector.broadcast %shift_left3A_30 : i32 to vector<16xi32>
    %add3A_1148 = arith.addi %add3A_1147, %add3A_1146 : vector<16xi32>
    %add3A_1149 = arith.addi %add3A_1143, %add3A_1148 : vector<16xi32>
    %swap3A_1150 = arith.constant 4 : i32
    %swap3A_1151 = arith.index_cast %swap3A_1150 : i32 to index
    %swap3A_1152 = arith.constant 80 : index
    %swap3A_1153 = tpu.vector_load %arg7[%swap3A_1151, %swap3A_1152] {strides = array<i32>} : memref<8x128xi32, #tpu.memory_space<vmem>>, vector<1x16xi32>,
    %swap3A_1154 = vector.shape_cast %swap3A_1153 : vector<1x16xi32> to vector<16xi32>
    %swap3A_1155 = vector.shape_cast %add3A_1149 : vector<16xi32> to vector<1x16xi32>
    tpu.vector_store %arg7[%swap3A_1151, %swap3A_1152], %swap3A_1155 {strides = array<i32>} : memref<8x128xi32, #tpu.memory_space<vmem>>, vector<1x16xi32>,
    %get3A_1156 = arith.constant 608 : index
    %get3A_1157 = tpu.vector_load %arg6[%get3A_1156] {strides = array<i32>} : memref<1024xi32, #tpu.memory_space<vmem>>, vector<16xi32>,
    %get3A_1158 = vector.shape_cast %get3A_1157 : vector<16xi32> to vector<16xi32>
    %and3A_1159 = arith.constant -8 : i32
    %and3A_1160 = vector.broadcast %and3A_1159 : i32 to vector<16xi32>
    %and3A_1161 = arith.andi %get3A_1158, %and3A_1160 : vector<16xi32>
    %shift_left3A_1162 = arith.constant 14 : i32
    %shift_left3A_1163 = vector.broadcast %shift_left3A_1162 : i32 to vector<16xi32>
    %shift_left3A_1164 = arith.shli %and3A_1161, %shift_left3A_1163 : vector<16xi32>
    %and3A_1165 = arith.constant 7 : i32
    %and3A_1166 = vector.broadcast %and3A_1165 : i32 to vector<16xi32>
    %and3A_1167 = arith.andi %get3A_1158, %and3A_1166 : vector<16xi32>
    %shift_left3A_1168 = arith.constant 7 : i32
    %shift_left3A_1169 = vector.broadcast %shift_left3A_1168 : i32 to vector<16xi32>
    %shift_left3A_1170 = arith.shli %and3A_1167, %shift_left3A_1169 : vector<16xi32>
    %add3A_1171 = arith.addi %shift_left3A_1164, %shift_left3A_1170 : vector<16xi32>
    %add3A_1172 = arith.constant 4192 : i32
    %add3A_1173 = vector.broadcast %add3A_1172 : i32 to vector<16xi32>
    %add3A_1174 = arith.addi %add3A_1173, %iota3A : vector<16xi32>
    %add3A_1175 = vector.broadcast %shift_left3A_30 : i32 to vector<16xi32>
    %add3A_1176 = arith.addi %add3A_1175, %add3A_1174 : vector<16xi32>
    %add3A_1177 = arith.addi %add3A_1171, %add3A_1176 : vector<16xi32>
    %swap3A_1178 = arith.constant 4 : i32
    %swap3A_1179 = arith.index_cast %swap3A_1178 : i32 to index
    %swap3A_1180 = arith.constant 96 : index
    %swap3A_1181 = tpu.vector_load %arg7[%swap3A_1179, %swap3A_1180] {strides = array<i32>} : memref<8x128xi32, #tpu.memory_space<vmem>>, vector<1x16xi32>,
    %swap3A_1182 = vector.shape_cast %swap3A_1181 : vector<1x16xi32> to vector<16xi32>
    %swap3A_1183 = vector.shape_cast %add3A_1177 : vector<16xi32> to vector<1x16xi32>
    tpu.vector_store %arg7[%swap3A_1179, %swap3A_1180], %swap3A_1183 {strides = array<i32>} : memref<8x128xi32, #tpu.memory_space<vmem>>, vector<1x16xi32>,
    %get3A_1184 = arith.constant 624 : index
    %get3A_1185 = tpu.vector_load %arg6[%get3A_1184] {strides = array<i32>} : memref<1024xi32, #tpu.memory_space<vmem>>, vector<16xi32>,
    %get3A_1186 = vector.shape_cast %get3A_1185 : vector<16xi32> to vector<16xi32>
    %and3A_1187 = arith.constant -8 : i32
    %and3A_1188 = vector.broadcast %and3A_1187 : i32 to vector<16xi32>
    %and3A_1189 = arith.andi %get3A_1186, %and3A_1188 : vector<16xi32>
    %shift_left3A_1190 = arith.constant 14 : i32
    %shift_left3A_1191 = vector.broadcast %shift_left3A_1190 : i32 to vector<16xi32>
    %shift_left3A_1192 = arith.shli %and3A_1189, %shift_left3A_1191 : vector<16xi32>
    %and3A_1193 = arith.constant 7 : i32
    %and3A_1194 = vector.broadcast %and3A_1193 : i32 to vector<16xi32>
    %and3A_1195 = arith.andi %get3A_1186, %and3A_1194 : vector<16xi32>
    %shift_left3A_1196 = arith.constant 7 : i32
    %shift_left3A_1197 = vector.broadcast %shift_left3A_1196 : i32 to vector<16xi32>
    %shift_left3A_1198 = arith.shli %and3A_1195, %shift_left3A_1197 : vector<16xi32>
    %add3A_1199 = arith.addi %shift_left3A_1192, %shift_left3A_1198 : vector<16xi32>
    %add3A_1200 = arith.constant 4208 : i32
    %add3A_1201 = vector.broadcast %add3A_1200 : i32 to vector<16xi32>
    %add3A_1202 = arith.addi %add3A_1201, %iota3A : vector<16xi32>
    %add3A_1203 = vector.broadcast %shift_left3A_30 : i32 to vector<16xi32>
    %add3A_1204 = arith.addi %add3A_1203, %add3A_1202 : vector<16xi32>
    %add3A_1205 = arith.addi %add3A_1199, %add3A_1204 : vector<16xi32>
    %swap3A_1206 = arith.constant 4 : i32
    %swap3A_1207 = arith.index_cast %swap3A_1206 : i32 to index
    %swap3A_1208 = arith.constant 112 : index
    %swap3A_1209 = tpu.vector_load %arg7[%swap3A_1207, %swap3A_1208] {strides = array<i32>} : memref<8x128xi32, #tpu.memory_space<vmem>>, vector<1x16xi32>,
    %swap3A_1210 = vector.shape_cast %swap3A_1209 : vector<1x16xi32> to vector<16xi32>
    %swap3A_1211 = vector.shape_cast %add3A_1205 : vector<16xi32> to vector<1x16xi32>
    tpu.vector_store %arg7[%swap3A_1207, %swap3A_1208], %swap3A_1211 {strides = array<i32>} : memref<8x128xi32, #tpu.memory_space<vmem>>, vector<1x16xi32>,
    %dma_start3A_1212 = arith.constant 4 : i32
    %dma_start3A_1213 = arith.constant 512 : i32
    %dma_start3A_1214 = tpu.memref_slice %arg8[%dma_start3A_1213] : memref<1024xf32, #tpu.memory_space<vmem>> -> memref<128xf32, #tpu.memory_space<vmem>>
    %dma_start3A_1215 = arith.constant 0 : i32
    %dma_start3A_1216 = tpu.memref_slice %arg7[%dma_start3A_1212, %dma_start3A_1215] : memref<8x128xi32, #tpu.memory_space<vmem>> -> memref<1x128xi32, #tpu.memory_space<vmem>>
    %dma_start3A_1217 = tpu.memref_squeeze %dma_start3A_1216 : memref<1x128xi32, #tpu.memory_space<vmem>> -> memref<128xi32, #tpu.memory_space<vmem>>
    %dma_start3A_1218 = arith.constant 0 : i32
    %dma_start3A_1219 = tpu.memref_slice %arg2[%dma_start3A_1218] : memref<163840000xf32, #tpu.memory_space<hbm>> -> memref<163840000xf32, #tpu.memory_space<hbm>>
    tpu.enqueue_indirect_dma source(%dma_start3A_1219 : memref<163840000xf32, #tpu.memory_space<hbm>>) target(%dma_start3A_1214 : memref<128xf32, #tpu.memory_space<vmem>>) offsets(%dma_start3A_1217 : memref<128xi32, #tpu.memory_space<vmem>>) semaphore(%arg27 : memref<!tpu.dma_semaphore, #tpu.memory_space<semaphore_mem>>)
    %get3A_1220 = arith.constant 640 : index
    %get3A_1221 = tpu.vector_load %arg6[%get3A_1220] {strides = array<i32>} : memref<1024xi32, #tpu.memory_space<vmem>>, vector<16xi32>,
    %get3A_1222 = vector.shape_cast %get3A_1221 : vector<16xi32> to vector<16xi32>
    %and3A_1223 = arith.constant -8 : i32
    %and3A_1224 = vector.broadcast %and3A_1223 : i32 to vector<16xi32>
    %and3A_1225 = arith.andi %get3A_1222, %and3A_1224 : vector<16xi32>
    %shift_left3A_1226 = arith.constant 14 : i32
    %shift_left3A_1227 = vector.broadcast %shift_left3A_1226 : i32 to vector<16xi32>
    %shift_left3A_1228 = arith.shli %and3A_1225, %shift_left3A_1227 : vector<16xi32>
    %and3A_1229 = arith.constant 7 : i32
    %and3A_1230 = vector.broadcast %and3A_1229 : i32 to vector<16xi32>
    %and3A_1231 = arith.andi %get3A_1222, %and3A_1230 : vector<16xi32>
    %shift_left3A_1232 = arith.constant 7 : i32
    %shift_left3A_1233 = vector.broadcast %shift_left3A_1232 : i32 to vector<16xi32>
    %shift_left3A_1234 = arith.shli %and3A_1231, %shift_left3A_1233 : vector<16xi32>
    %add3A_1235 = arith.addi %shift_left3A_1228, %shift_left3A_1234 : vector<16xi32>
    %add3A_1236 = arith.constant 5120 : i32
    %add3A_1237 = vector.broadcast %add3A_1236 : i32 to vector<16xi32>
    %add3A_1238 = arith.addi %add3A_1237, %iota3A : vector<16xi32>
    %add3A_1239 = vector.broadcast %shift_left3A_30 : i32 to vector<16xi32>
    %add3A_1240 = arith.addi %add3A_1239, %add3A_1238 : vector<16xi32>
    %add3A_1241 = arith.addi %add3A_1235, %add3A_1240 : vector<16xi32>
    %swap3A_1242 = arith.constant 5 : i32
    %swap3A_1243 = arith.index_cast %swap3A_1242 : i32 to index
    %swap3A_1244 = arith.constant 0 : index
    %swap3A_1245 = tpu.vector_load %arg7[%swap3A_1243, %swap3A_1244] {strides = array<i32>} : memref<8x128xi32, #tpu.memory_space<vmem>>, vector<1x16xi32>,
    %swap3A_1246 = vector.shape_cast %swap3A_1245 : vector<1x16xi32> to vector<16xi32>
    %swap3A_1247 = vector.shape_cast %add3A_1241 : vector<16xi32> to vector<1x16xi32>
    tpu.vector_store %arg7[%swap3A_1243, %swap3A_1244], %swap3A_1247 {strides = array<i32>} : memref<8x128xi32, #tpu.memory_space<vmem>>, vector<1x16xi32>,
    %get3A_1248 = arith.constant 656 : index
    %get3A_1249 = tpu.vector_load %arg6[%get3A_1248] {strides = array<i32>} : memref<1024xi32, #tpu.memory_space<vmem>>, vector<16xi32>,
    %get3A_1250 = vector.shape_cast %get3A_1249 : vector<16xi32> to vector<16xi32>
    %and3A_1251 = arith.constant -8 : i32
    %and3A_1252 = vector.broadcast %and3A_1251 : i32 to vector<16xi32>
    %and3A_1253 = arith.andi %get3A_1250, %and3A_1252 : vector<16xi32>
    %shift_left3A_1254 = arith.constant 14 : i32
    %shift_left3A_1255 = vector.broadcast %shift_left3A_1254 : i32 to vector<16xi32>
    %shift_left3A_1256 = arith.shli %and3A_1253, %shift_left3A_1255 : vector<16xi32>
    %and3A_1257 = arith.constant 7 : i32
    %and3A_1258 = vector.broadcast %and3A_1257 : i32 to vector<16xi32>
    %and3A_1259 = arith.andi %get3A_1250, %and3A_1258 : vector<16xi32>
    %shift_left3A_1260 = arith.constant 7 : i32
    %shift_left3A_1261 = vector.broadcast %shift_left3A_1260 : i32 to vector<16xi32>
    %shift_left3A_1262 = arith.shli %and3A_1259, %shift_left3A_1261 : vector<16xi32>
    %add3A_1263 = arith.addi %shift_left3A_1256, %shift_left3A_1262 : vector<16xi32>
    %add3A_1264 = arith.constant 5136 : i32
    %add3A_1265 = vector.broadcast %add3A_1264 : i32 to vector<16xi32>
    %add3A_1266 = arith.addi %add3A_1265, %iota3A : vector<16xi32>
    %add3A_1267 = vector.broadcast %shift_left3A_30 : i32 to vector<16xi32>
    %add3A_1268 = arith.addi %add3A_1267, %add3A_1266 : vector<16xi32>
    %add3A_1269 = arith.addi %add3A_1263, %add3A_1268 : vector<16xi32>
    %swap3A_1270 = arith.constant 5 : i32
    %swap3A_1271 = arith.index_cast %swap3A_1270 : i32 to index
    %swap3A_1272 = arith.constant 16 : index
    %swap3A_1273 = tpu.vector_load %arg7[%swap3A_1271, %swap3A_1272] {strides = array<i32>} : memref<8x128xi32, #tpu.memory_space<vmem>>, vector<1x16xi32>,
    %swap3A_1274 = vector.shape_cast %swap3A_1273 : vector<1x16xi32> to vector<16xi32>
    %swap3A_1275 = vector.shape_cast %add3A_1269 : vector<16xi32> to vector<1x16xi32>
    tpu.vector_store %arg7[%swap3A_1271, %swap3A_1272], %swap3A_1275 {strides = array<i32>} : memref<8x128xi32, #tpu.memory_space<vmem>>, vector<1x16xi32>,
    %get3A_1276 = arith.constant 672 : index
    %get3A_1277 = tpu.vector_load %arg6[%get3A_1276] {strides = array<i32>} : memref<1024xi32, #tpu.memory_space<vmem>>, vector<16xi32>,
    %get3A_1278 = vector.shape_cast %get3A_1277 : vector<16xi32> to vector<16xi32>
    %and3A_1279 = arith.constant -8 : i32
    %and3A_1280 = vector.broadcast %and3A_1279 : i32 to vector<16xi32>
    %and3A_1281 = arith.andi %get3A_1278, %and3A_1280 : vector<16xi32>
    %shift_left3A_1282 = arith.constant 14 : i32
    %shift_left3A_1283 = vector.broadcast %shift_left3A_1282 : i32 to vector<16xi32>
    %shift_left3A_1284 = arith.shli %and3A_1281, %shift_left3A_1283 : vector<16xi32>
    %and3A_1285 = arith.constant 7 : i32
    %and3A_1286 = vector.broadcast %and3A_1285 : i32 to vector<16xi32>
    %and3A_1287 = arith.andi %get3A_1278, %and3A_1286 : vector<16xi32>
    %shift_left3A_1288 = arith.constant 7 : i32
    %shift_left3A_1289 = vector.broadcast %shift_left3A_1288 : i32 to vector<16xi32>
    %shift_left3A_1290 = arith.shli %and3A_1287, %shift_left3A_1289 : vector<16xi32>
    %add3A_1291 = arith.addi %shift_left3A_1284, %shift_left3A_1290 : vector<16xi32>
    %add3A_1292 = arith.constant 5152 : i32
    %add3A_1293 = vector.broadcast %add3A_1292 : i32 to vector<16xi32>
    %add3A_1294 = arith.addi %add3A_1293, %iota3A : vector<16xi32>
    %add3A_1295 = vector.broadcast %shift_left3A_30 : i32 to vector<16xi32>
    %add3A_1296 = arith.addi %add3A_1295, %add3A_1294 : vector<16xi32>
    %add3A_1297 = arith.addi %add3A_1291, %add3A_1296 : vector<16xi32>
    %swap3A_1298 = arith.constant 5 : i32
    %swap3A_1299 = arith.index_cast %swap3A_1298 : i32 to index
    %swap3A_1300 = arith.constant 32 : index
    %swap3A_1301 = tpu.vector_load %arg7[%swap3A_1299, %swap3A_1300] {strides = array<i32>} : memref<8x128xi32, #tpu.memory_space<vmem>>, vector<1x16xi32>,
    %swap3A_1302 = vector.shape_cast %swap3A_1301 : vector<1x16xi32> to vector<16xi32>
    %swap3A_1303 = vector.shape_cast %add3A_1297 : vector<16xi32> to vector<1x16xi32>
    tpu.vector_store %arg7[%swap3A_1299, %swap3A_1300], %swap3A_1303 {strides = array<i32>} : memref<8x128xi32, #tpu.memory_space<vmem>>, vector<1x16xi32>,
    %get3A_1304 = arith.constant 688 : index
    %get3A_1305 = tpu.vector_load %arg6[%get3A_1304] {strides = array<i32>} : memref<1024xi32, #tpu.memory_space<vmem>>, vector<16xi32>,
    %get3A_1306 = vector.shape_cast %get3A_1305 : vector<16xi32> to vector<16xi32>
    %and3A_1307 = arith.constant -8 : i32
    %and3A_1308 = vector.broadcast %and3A_1307 : i32 to vector<16xi32>
    %and3A_1309 = arith.andi %get3A_1306, %and3A_1308 : vector<16xi32>
    %shift_left3A_1310 = arith.constant 14 : i32
    %shift_left3A_1311 = vector.broadcast %shift_left3A_1310 : i32 to vector<16xi32>
    %shift_left3A_1312 = arith.shli %and3A_1309, %shift_left3A_1311 : vector<16xi32>
    %and3A_1313 = arith.constant 7 : i32
    %and3A_1314 = vector.broadcast %and3A_1313 : i32 to vector<16xi32>
    %and3A_1315 = arith.andi %get3A_1306, %and3A_1314 : vector<16xi32>
    %shift_left3A_1316 = arith.constant 7 : i32
    %shift_left3A_1317 = vector.broadcast %shift_left3A_1316 : i32 to vector<16xi32>
    %shift_left3A_1318 = arith.shli %and3A_1315, %shift_left3A_1317 : vector<16xi32>
    %add3A_1319 = arith.addi %shift_left3A_1312, %shift_left3A_1318 : vector<16xi32>
    %add3A_1320 = arith.constant 5168 : i32
    %add3A_1321 = vector.broadcast %add3A_1320 : i32 to vector<16xi32>
    %add3A_1322 = arith.addi %add3A_1321, %iota3A : vector<16xi32>
    %add3A_1323 = vector.broadcast %shift_left3A_30 : i32 to vector<16xi32>
    %add3A_1324 = arith.addi %add3A_1323, %add3A_1322 : vector<16xi32>
    %add3A_1325 = arith.addi %add3A_1319, %add3A_1324 : vector<16xi32>
    %swap3A_1326 = arith.constant 5 : i32
    %swap3A_1327 = arith.index_cast %swap3A_1326 : i32 to index
    %swap3A_1328 = arith.constant 48 : index
    %swap3A_1329 = tpu.vector_load %arg7[%swap3A_1327, %swap3A_1328] {strides = array<i32>} : memref<8x128xi32, #tpu.memory_space<vmem>>, vector<1x16xi32>,
    %swap3A_1330 = vector.shape_cast %swap3A_1329 : vector<1x16xi32> to vector<16xi32>
    %swap3A_1331 = vector.shape_cast %add3A_1325 : vector<16xi32> to vector<1x16xi32>
    tpu.vector_store %arg7[%swap3A_1327, %swap3A_1328], %swap3A_1331 {strides = array<i32>} : memref<8x128xi32, #tpu.memory_space<vmem>>, vector<1x16xi32>,
    %get3A_1332 = arith.constant 704 : index
    %get3A_1333 = tpu.vector_load %arg6[%get3A_1332] {strides = array<i32>} : memref<1024xi32, #tpu.memory_space<vmem>>, vector<16xi32>,
    %get3A_1334 = vector.shape_cast %get3A_1333 : vector<16xi32> to vector<16xi32>
    %and3A_1335 = arith.constant -8 : i32
    %and3A_1336 = vector.broadcast %and3A_1335 : i32 to vector<16xi32>
    %and3A_1337 = arith.andi %get3A_1334, %and3A_1336 : vector<16xi32>
    %shift_left3A_1338 = arith.constant 14 : i32
    %shift_left3A_1339 = vector.broadcast %shift_left3A_1338 : i32 to vector<16xi32>
    %shift_left3A_1340 = arith.shli %and3A_1337, %shift_left3A_1339 : vector<16xi32>
    %and3A_1341 = arith.constant 7 : i32
    %and3A_1342 = vector.broadcast %and3A_1341 : i32 to vector<16xi32>
    %and3A_1343 = arith.andi %get3A_1334, %and3A_1342 : vector<16xi32>
    %shift_left3A_1344 = arith.constant 7 : i32
    %shift_left3A_1345 = vector.broadcast %shift_left3A_1344 : i32 to vector<16xi32>
    %shift_left3A_1346 = arith.shli %and3A_1343, %shift_left3A_1345 : vector<16xi32>
    %add3A_1347 = arith.addi %shift_left3A_1340, %shift_left3A_1346 : vector<16xi32>
    %add3A_1348 = arith.constant 5184 : i32
    %add3A_1349 = vector.broadcast %add3A_1348 : i32 to vector<16xi32>
    %add3A_1350 = arith.addi %add3A_1349, %iota3A : vector<16xi32>
    %add3A_1351 = vector.broadcast %shift_left3A_30 : i32 to vector<16xi32>
    %add3A_1352 = arith.addi %add3A_1351, %add3A_1350 : vector<16xi32>
    %add3A_1353 = arith.addi %add3A_1347, %add3A_1352 : vector<16xi32>
    %swap3A_1354 = arith.constant 5 : i32
    %swap3A_1355 = arith.index_cast %swap3A_1354 : i32 to index
    %swap3A_1356 = arith.constant 64 : index
    %swap3A_1357 = tpu.vector_load %arg7[%swap3A_1355, %swap3A_1356] {strides = array<i32>} : memref<8x128xi32, #tpu.memory_space<vmem>>, vector<1x16xi32>,
    %swap3A_1358 = vector.shape_cast %swap3A_1357 : vector<1x16xi32> to vector<16xi32>
    %swap3A_1359 = vector.shape_cast %add3A_1353 : vector<16xi32> to vector<1x16xi32>
    tpu.vector_store %arg7[%swap3A_1355, %swap3A_1356], %swap3A_1359 {strides = array<i32>} : memref<8x128xi32, #tpu.memory_space<vmem>>, vector<1x16xi32>,
    %get3A_1360 = arith.constant 720 : index
    %get3A_1361 = tpu.vector_load %arg6[%get3A_1360] {strides = array<i32>} : memref<1024xi32, #tpu.memory_space<vmem>>, vector<16xi32>,
    %get3A_1362 = vector.shape_cast %get3A_1361 : vector<16xi32> to vector<16xi32>
    %and3A_1363 = arith.constant -8 : i32
    %and3A_1364 = vector.broadcast %and3A_1363 : i32 to vector<16xi32>
    %and3A_1365 = arith.andi %get3A_1362, %and3A_1364 : vector<16xi32>
    %shift_left3A_1366 = arith.constant 14 : i32
    %shift_left3A_1367 = vector.broadcast %shift_left3A_1366 : i32 to vector<16xi32>
    %shift_left3A_1368 = arith.shli %and3A_1365, %shift_left3A_1367 : vector<16xi32>
    %and3A_1369 = arith.constant 7 : i32
    %and3A_1370 = vector.broadcast %and3A_1369 : i32 to vector<16xi32>
    %and3A_1371 = arith.andi %get3A_1362, %and3A_1370 : vector<16xi32>
    %shift_left3A_1372 = arith.constant 7 : i32
    %shift_left3A_1373 = vector.broadcast %shift_left3A_1372 : i32 to vector<16xi32>
    %shift_left3A_1374 = arith.shli %and3A_1371, %shift_left3A_1373 : vector<16xi32>
    %add3A_1375 = arith.addi %shift_left3A_1368, %shift_left3A_1374 : vector<16xi32>
    %add3A_1376 = arith.constant 5200 : i32
    %add3A_1377 = vector.broadcast %add3A_1376 : i32 to vector<16xi32>
    %add3A_1378 = arith.addi %add3A_1377, %iota3A : vector<16xi32>
    %add3A_1379 = vector.broadcast %shift_left3A_30 : i32 to vector<16xi32>
    %add3A_1380 = arith.addi %add3A_1379, %add3A_1378 : vector<16xi32>
    %add3A_1381 = arith.addi %add3A_1375, %add3A_1380 : vector<16xi32>
    %swap3A_1382 = arith.constant 5 : i32
    %swap3A_1383 = arith.index_cast %swap3A_1382 : i32 to index
    %swap3A_1384 = arith.constant 80 : index
    %swap3A_1385 = tpu.vector_load %arg7[%swap3A_1383, %swap3A_1384] {strides = array<i32>} : memref<8x128xi32, #tpu.memory_space<vmem>>, vector<1x16xi32>,
    %swap3A_1386 = vector.shape_cast %swap3A_1385 : vector<1x16xi32> to vector<16xi32>
    %swap3A_1387 = vector.shape_cast %add3A_1381 : vector<16xi32> to vector<1x16xi32>
    tpu.vector_store %arg7[%swap3A_1383, %swap3A_1384], %swap3A_1387 {strides = array<i32>} : memref<8x128xi32, #tpu.memory_space<vmem>>, vector<1x16xi32>,
    %get3A_1388 = arith.constant 736 : index
    %get3A_1389 = tpu.vector_load %arg6[%get3A_1388] {strides = array<i32>} : memref<1024xi32, #tpu.memory_space<vmem>>, vector<16xi32>,
    %get3A_1390 = vector.shape_cast %get3A_1389 : vector<16xi32> to vector<16xi32>
    %and3A_1391 = arith.constant -8 : i32
    %and3A_1392 = vector.broadcast %and3A_1391 : i32 to vector<16xi32>
    %and3A_1393 = arith.andi %get3A_1390, %and3A_1392 : vector<16xi32>
    %shift_left3A_1394 = arith.constant 14 : i32
    %shift_left3A_1395 = vector.broadcast %shift_left3A_1394 : i32 to vector<16xi32>
    %shift_left3A_1396 = arith.shli %and3A_1393, %shift_left3A_1395 : vector<16xi32>
    %and3A_1397 = arith.constant 7 : i32
    %and3A_1398 = vector.broadcast %and3A_1397 : i32 to vector<16xi32>
    %and3A_1399 = arith.andi %get3A_1390, %and3A_1398 : vector<16xi32>
    %shift_left3A_1400 = arith.constant 7 : i32
    %shift_left3A_1401 = vector.broadcast %shift_left3A_1400 : i32 to vector<16xi32>
    %shift_left3A_1402 = arith.shli %and3A_1399, %shift_left3A_1401 : vector<16xi32>
    %add3A_1403 = arith.addi %shift_left3A_1396, %shift_left3A_1402 : vector<16xi32>
    %add3A_1404 = arith.constant 5216 : i32
    %add3A_1405 = vector.broadcast %add3A_1404 : i32 to vector<16xi32>
    %add3A_1406 = arith.addi %add3A_1405, %iota3A : vector<16xi32>
    %add3A_1407 = vector.broadcast %shift_left3A_30 : i32 to vector<16xi32>
    %add3A_1408 = arith.addi %add3A_1407, %add3A_1406 : vector<16xi32>
    %add3A_1409 = arith.addi %add3A_1403, %add3A_1408 : vector<16xi32>
    %swap3A_1410 = arith.constant 5 : i32
    %swap3A_1411 = arith.index_cast %swap3A_1410 : i32 to index
    %swap3A_1412 = arith.constant 96 : index
    %swap3A_1413 = tpu.vector_load %arg7[%swap3A_1411, %swap3A_1412] {strides = array<i32>} : memref<8x128xi32, #tpu.memory_space<vmem>>, vector<1x16xi32>,
    %swap3A_1414 = vector.shape_cast %swap3A_1413 : vector<1x16xi32> to vector<16xi32>
    %swap3A_1415 = vector.shape_cast %add3A_1409 : vector<16xi32> to vector<1x16xi32>
    tpu.vector_store %arg7[%swap3A_1411, %swap3A_1412], %swap3A_1415 {strides = array<i32>} : memref<8x128xi32, #tpu.memory_space<vmem>>, vector<1x16xi32>,
    %get3A_1416 = arith.constant 752 : index
    %get3A_1417 = tpu.vector_load %arg6[%get3A_1416] {strides = array<i32>} : memref<1024xi32, #tpu.memory_space<vmem>>, vector<16xi32>,
    %get3A_1418 = vector.shape_cast %get3A_1417 : vector<16xi32> to vector<16xi32>
    %and3A_1419 = arith.constant -8 : i32
    %and3A_1420 = vector.broadcast %and3A_1419 : i32 to vector<16xi32>
    %and3A_1421 = arith.andi %get3A_1418, %and3A_1420 : vector<16xi32>
    %shift_left3A_1422 = arith.constant 14 : i32
    %shift_left3A_1423 = vector.broadcast %shift_left3A_1422 : i32 to vector<16xi32>
    %shift_left3A_1424 = arith.shli %and3A_1421, %shift_left3A_1423 : vector<16xi32>
    %and3A_1425 = arith.constant 7 : i32
    %and3A_1426 = vector.broadcast %and3A_1425 : i32 to vector<16xi32>
    %and3A_1427 = arith.andi %get3A_1418, %and3A_1426 : vector<16xi32>
    %shift_left3A_1428 = arith.constant 7 : i32
    %shift_left3A_1429 = vector.broadcast %shift_left3A_1428 : i32 to vector<16xi32>
    %shift_left3A_1430 = arith.shli %and3A_1427, %shift_left3A_1429 : vector<16xi32>
    %add3A_1431 = arith.addi %shift_left3A_1424, %shift_left3A_1430 : vector<16xi32>
    %add3A_1432 = arith.constant 5232 : i32
    %add3A_1433 = vector.broadcast %add3A_1432 : i32 to vector<16xi32>
    %add3A_1434 = arith.addi %add3A_1433, %iota3A : vector<16xi32>
    %add3A_1435 = vector.broadcast %shift_left3A_30 : i32 to vector<16xi32>
    %add3A_1436 = arith.addi %add3A_1435, %add3A_1434 : vector<16xi32>
    %add3A_1437 = arith.addi %add3A_1431, %add3A_1436 : vector<16xi32>
    %swap3A_1438 = arith.constant 5 : i32
    %swap3A_1439 = arith.index_cast %swap3A_1438 : i32 to index
    %swap3A_1440 = arith.constant 112 : index
    %swap3A_1441 = tpu.vector_load %arg7[%swap3A_1439, %swap3A_1440] {strides = array<i32>} : memref<8x128xi32, #tpu.memory_space<vmem>>, vector<1x16xi32>,
    %swap3A_1442 = vector.shape_cast %swap3A_1441 : vector<1x16xi32> to vector<16xi32>
    %swap3A_1443 = vector.shape_cast %add3A_1437 : vector<16xi32> to vector<1x16xi32>
    tpu.vector_store %arg7[%swap3A_1439, %swap3A_1440], %swap3A_1443 {strides = array<i32>} : memref<8x128xi32, #tpu.memory_space<vmem>>, vector<1x16xi32>,
    %dma_start3A_1444 = arith.constant 5 : i32
    %dma_start3A_1445 = arith.constant 640 : i32
    %dma_start3A_1446 = tpu.memref_slice %arg8[%dma_start3A_1445] : memref<1024xf32, #tpu.memory_space<vmem>> -> memref<128xf32, #tpu.memory_space<vmem>>
    %dma_start3A_1447 = arith.constant 0 : i32
    %dma_start3A_1448 = tpu.memref_slice %arg7[%dma_start3A_1444, %dma_start3A_1447] : memref<8x128xi32, #tpu.memory_space<vmem>> -> memref<1x128xi32, #tpu.memory_space<vmem>>
    %dma_start3A_1449 = tpu.memref_squeeze %dma_start3A_1448 : memref<1x128xi32, #tpu.memory_space<vmem>> -> memref<128xi32, #tpu.memory_space<vmem>>
    %dma_start3A_1450 = arith.constant 0 : i32
    %dma_start3A_1451 = tpu.memref_slice %arg2[%dma_start3A_1450] : memref<163840000xf32, #tpu.memory_space<hbm>> -> memref<163840000xf32, #tpu.memory_space<hbm>>
    tpu.enqueue_indirect_dma source(%dma_start3A_1451 : memref<163840000xf32, #tpu.memory_space<hbm>>) target(%dma_start3A_1446 : memref<128xf32, #tpu.memory_space<vmem>>) offsets(%dma_start3A_1449 : memref<128xi32, #tpu.memory_space<vmem>>) semaphore(%arg28 : memref<!tpu.dma_semaphore, #tpu.memory_space<semaphore_mem>>)
    %get3A_1452 = arith.constant 768 : index
    %get3A_1453 = tpu.vector_load %arg6[%get3A_1452] {strides = array<i32>} : memref<1024xi32, #tpu.memory_space<vmem>>, vector<16xi32>,
    %get3A_1454 = vector.shape_cast %get3A_1453 : vector<16xi32> to vector<16xi32>
    %and3A_1455 = arith.constant -8 : i32
    %and3A_1456 = vector.broadcast %and3A_1455 : i32 to vector<16xi32>
    %and3A_1457 = arith.andi %get3A_1454, %and3A_1456 : vector<16xi32>
    %shift_left3A_1458 = arith.constant 14 : i32
    %shift_left3A_1459 = vector.broadcast %shift_left3A_1458 : i32 to vector<16xi32>
    %shift_left3A_1460 = arith.shli %and3A_1457, %shift_left3A_1459 : vector<16xi32>
    %and3A_1461 = arith.constant 7 : i32
    %and3A_1462 = vector.broadcast %and3A_1461 : i32 to vector<16xi32>
    %and3A_1463 = arith.andi %get3A_1454, %and3A_1462 : vector<16xi32>
    %shift_left3A_1464 = arith.constant 7 : i32
    %shift_left3A_1465 = vector.broadcast %shift_left3A_1464 : i32 to vector<16xi32>
    %shift_left3A_1466 = arith.shli %and3A_1463, %shift_left3A_1465 : vector<16xi32>
    %add3A_1467 = arith.addi %shift_left3A_1460, %shift_left3A_1466 : vector<16xi32>
    %add3A_1468 = arith.constant 6144 : i32
    %add3A_1469 = vector.broadcast %add3A_1468 : i32 to vector<16xi32>
    %add3A_1470 = arith.addi %add3A_1469, %iota3A : vector<16xi32>
    %add3A_1471 = vector.broadcast %shift_left3A_30 : i32 to vector<16xi32>
    %add3A_1472 = arith.addi %add3A_1471, %add3A_1470 : vector<16xi32>
    %add3A_1473 = arith.addi %add3A_1467, %add3A_1472 : vector<16xi32>
    %swap3A_1474 = arith.constant 6 : i32
    %swap3A_1475 = arith.index_cast %swap3A_1474 : i32 to index
    %swap3A_1476 = arith.constant 0 : index
    %swap3A_1477 = tpu.vector_load %arg7[%swap3A_1475, %swap3A_1476] {strides = array<i32>} : memref<8x128xi32, #tpu.memory_space<vmem>>, vector<1x16xi32>,
    %swap3A_1478 = vector.shape_cast %swap3A_1477 : vector<1x16xi32> to vector<16xi32>
    %swap3A_1479 = vector.shape_cast %add3A_1473 : vector<16xi32> to vector<1x16xi32>
    tpu.vector_store %arg7[%swap3A_1475, %swap3A_1476], %swap3A_1479 {strides = array<i32>} : memref<8x128xi32, #tpu.memory_space<vmem>>, vector<1x16xi32>,
    %get3A_1480 = arith.constant 784 : index
    %get3A_1481 = tpu.vector_load %arg6[%get3A_1480] {strides = array<i32>} : memref<1024xi32, #tpu.memory_space<vmem>>, vector<16xi32>,
    %get3A_1482 = vector.shape_cast %get3A_1481 : vector<16xi32> to vector<16xi32>
    %and3A_1483 = arith.constant -8 : i32
    %and3A_1484 = vector.broadcast %and3A_1483 : i32 to vector<16xi32>
    %and3A_1485 = arith.andi %get3A_1482, %and3A_1484 : vector<16xi32>
    %shift_left3A_1486 = arith.constant 14 : i32
    %shift_left3A_1487 = vector.broadcast %shift_left3A_1486 : i32 to vector<16xi32>
    %shift_left3A_1488 = arith.shli %and3A_1485, %shift_left3A_1487 : vector<16xi32>
    %and3A_1489 = arith.constant 7 : i32
    %and3A_1490 = vector.broadcast %and3A_1489 : i32 to vector<16xi32>
    %and3A_1491 = arith.andi %get3A_1482, %and3A_1490 : vector<16xi32>
    %shift_left3A_1492 = arith.constant 7 : i32
    %shift_left3A_1493 = vector.broadcast %shift_left3A_1492 : i32 to vector<16xi32>
    %shift_left3A_1494 = arith.shli %and3A_1491, %shift_left3A_1493 : vector<16xi32>
    %add3A_1495 = arith.addi %shift_left3A_1488, %shift_left3A_1494 : vector<16xi32>
    %add3A_1496 = arith.constant 6160 : i32
    %add3A_1497 = vector.broadcast %add3A_1496 : i32 to vector<16xi32>
    %add3A_1498 = arith.addi %add3A_1497, %iota3A : vector<16xi32>
    %add3A_1499 = vector.broadcast %shift_left3A_30 : i32 to vector<16xi32>
    %add3A_1500 = arith.addi %add3A_1499, %add3A_1498 : vector<16xi32>
    %add3A_1501 = arith.addi %add3A_1495, %add3A_1500 : vector<16xi32>
    %swap3A_1502 = arith.constant 6 : i32
    %swap3A_1503 = arith.index_cast %swap3A_1502 : i32 to index
    %swap3A_1504 = arith.constant 16 : index
    %swap3A_1505 = tpu.vector_load %arg7[%swap3A_1503, %swap3A_1504] {strides = array<i32>} : memref<8x128xi32, #tpu.memory_space<vmem>>, vector<1x16xi32>,
    %swap3A_1506 = vector.shape_cast %swap3A_1505 : vector<1x16xi32> to vector<16xi32>
    %swap3A_1507 = vector.shape_cast %add3A_1501 : vector<16xi32> to vector<1x16xi32>
    tpu.vector_store %arg7[%swap3A_1503, %swap3A_1504], %swap3A_1507 {strides = array<i32>} : memref<8x128xi32, #tpu.memory_space<vmem>>, vector<1x16xi32>,
    %get3A_1508 = arith.constant 800 : index
    %get3A_1509 = tpu.vector_load %arg6[%get3A_1508] {strides = array<i32>} : memref<1024xi32, #tpu.memory_space<vmem>>, vector<16xi32>,
    %get3A_1510 = vector.shape_cast %get3A_1509 : vector<16xi32> to vector<16xi32>
    %and3A_1511 = arith.constant -8 : i32
    %and3A_1512 = vector.broadcast %and3A_1511 : i32 to vector<16xi32>
    %and3A_1513 = arith.andi %get3A_1510, %and3A_1512 : vector<16xi32>
    %shift_left3A_1514 = arith.constant 14 : i32
    %shift_left3A_1515 = vector.broadcast %shift_left3A_1514 : i32 to vector<16xi32>
    %shift_left3A_1516 = arith.shli %and3A_1513, %shift_left3A_1515 : vector<16xi32>
    %and3A_1517 = arith.constant 7 : i32
    %and3A_1518 = vector.broadcast %and3A_1517 : i32 to vector<16xi32>
    %and3A_1519 = arith.andi %get3A_1510, %and3A_1518 : vector<16xi32>
    %shift_left3A_1520 = arith.constant 7 : i32
    %shift_left3A_1521 = vector.broadcast %shift_left3A_1520 : i32 to vector<16xi32>
    %shift_left3A_1522 = arith.shli %and3A_1519, %shift_left3A_1521 : vector<16xi32>
    %add3A_1523 = arith.addi %shift_left3A_1516, %shift_left3A_1522 : vector<16xi32>
    %add3A_1524 = arith.constant 6176 : i32
    %add3A_1525 = vector.broadcast %add3A_1524 : i32 to vector<16xi32>
    %add3A_1526 = arith.addi %add3A_1525, %iota3A : vector<16xi32>
    %add3A_1527 = vector.broadcast %shift_left3A_30 : i32 to vector<16xi32>
    %add3A_1528 = arith.addi %add3A_1527, %add3A_1526 : vector<16xi32>
    %add3A_1529 = arith.addi %add3A_1523, %add3A_1528 : vector<16xi32>
    %swap3A_1530 = arith.constant 6 : i32
    %swap3A_1531 = arith.index_cast %swap3A_1530 : i32 to index
    %swap3A_1532 = arith.constant 32 : index
    %swap3A_1533 = tpu.vector_load %arg7[%swap3A_1531, %swap3A_1532] {strides = array<i32>} : memref<8x128xi32, #tpu.memory_space<vmem>>, vector<1x16xi32>,
    %swap3A_1534 = vector.shape_cast %swap3A_1533 : vector<1x16xi32> to vector<16xi32>
    %swap3A_1535 = vector.shape_cast %add3A_1529 : vector<16xi32> to vector<1x16xi32>
    tpu.vector_store %arg7[%swap3A_1531, %swap3A_1532], %swap3A_1535 {strides = array<i32>} : memref<8x128xi32, #tpu.memory_space<vmem>>, vector<1x16xi32>,
    %get3A_1536 = arith.constant 816 : index
    %get3A_1537 = tpu.vector_load %arg6[%get3A_1536] {strides = array<i32>} : memref<1024xi32, #tpu.memory_space<vmem>>, vector<16xi32>,
    %get3A_1538 = vector.shape_cast %get3A_1537 : vector<16xi32> to vector<16xi32>
    %and3A_1539 = arith.constant -8 : i32
    %and3A_1540 = vector.broadcast %and3A_1539 : i32 to vector<16xi32>
    %and3A_1541 = arith.andi %get3A_1538, %and3A_1540 : vector<16xi32>
    %shift_left3A_1542 = arith.constant 14 : i32
    %shift_left3A_1543 = vector.broadcast %shift_left3A_1542 : i32 to vector<16xi32>
    %shift_left3A_1544 = arith.shli %and3A_1541, %shift_left3A_1543 : vector<16xi32>
    %and3A_1545 = arith.constant 7 : i32
    %and3A_1546 = vector.broadcast %and3A_1545 : i32 to vector<16xi32>
    %and3A_1547 = arith.andi %get3A_1538, %and3A_1546 : vector<16xi32>
    %shift_left3A_1548 = arith.constant 7 : i32
    %shift_left3A_1549 = vector.broadcast %shift_left3A_1548 : i32 to vector<16xi32>
    %shift_left3A_1550 = arith.shli %and3A_1547, %shift_left3A_1549 : vector<16xi32>
    %add3A_1551 = arith.addi %shift_left3A_1544, %shift_left3A_1550 : vector<16xi32>
    %add3A_1552 = arith.constant 6192 : i32
    %add3A_1553 = vector.broadcast %add3A_1552 : i32 to vector<16xi32>
    %add3A_1554 = arith.addi %add3A_1553, %iota3A : vector<16xi32>
    %add3A_1555 = vector.broadcast %shift_left3A_30 : i32 to vector<16xi32>
    %add3A_1556 = arith.addi %add3A_1555, %add3A_1554 : vector<16xi32>
    %add3A_1557 = arith.addi %add3A_1551, %add3A_1556 : vector<16xi32>
    %swap3A_1558 = arith.constant 6 : i32
    %swap3A_1559 = arith.index_cast %swap3A_1558 : i32 to index
    %swap3A_1560 = arith.constant 48 : index
    %swap3A_1561 = tpu.vector_load %arg7[%swap3A_1559, %swap3A_1560] {strides = array<i32>} : memref<8x128xi32, #tpu.memory_space<vmem>>, vector<1x16xi32>,
    %swap3A_1562 = vector.shape_cast %swap3A_1561 : vector<1x16xi32> to vector<16xi32>
    %swap3A_1563 = vector.shape_cast %add3A_1557 : vector<16xi32> to vector<1x16xi32>
    tpu.vector_store %arg7[%swap3A_1559, %swap3A_1560], %swap3A_1563 {strides = array<i32>} : memref<8x128xi32, #tpu.memory_space<vmem>>, vector<1x16xi32>,
    %get3A_1564 = arith.constant 832 : index
    %get3A_1565 = tpu.vector_load %arg6[%get3A_1564] {strides = array<i32>} : memref<1024xi32, #tpu.memory_space<vmem>>, vector<16xi32>,
    %get3A_1566 = vector.shape_cast %get3A_1565 : vector<16xi32> to vector<16xi32>
    %and3A_1567 = arith.constant -8 : i32
    %and3A_1568 = vector.broadcast %and3A_1567 : i32 to vector<16xi32>
    %and3A_1569 = arith.andi %get3A_1566, %and3A_1568 : vector<16xi32>
    %shift_left3A_1570 = arith.constant 14 : i32
    %shift_left3A_1571 = vector.broadcast %shift_left3A_1570 : i32 to vector<16xi32>
    %shift_left3A_1572 = arith.shli %and3A_1569, %shift_left3A_1571 : vector<16xi32>
    %and3A_1573 = arith.constant 7 : i32
    %and3A_1574 = vector.broadcast %and3A_1573 : i32 to vector<16xi32>
    %and3A_1575 = arith.andi %get3A_1566, %and3A_1574 : vector<16xi32>
    %shift_left3A_1576 = arith.constant 7 : i32
    %shift_left3A_1577 = vector.broadcast %shift_left3A_1576 : i32 to vector<16xi32>
    %shift_left3A_1578 = arith.shli %and3A_1575, %shift_left3A_1577 : vector<16xi32>
    %add3A_1579 = arith.addi %shift_left3A_1572, %shift_left3A_1578 : vector<16xi32>
    %add3A_1580 = arith.constant 6208 : i32
    %add3A_1581 = vector.broadcast %add3A_1580 : i32 to vector<16xi32>
    %add3A_1582 = arith.addi %add3A_1581, %iota3A : vector<16xi32>
    %add3A_1583 = vector.broadcast %shift_left3A_30 : i32 to vector<16xi32>
    %add3A_1584 = arith.addi %add3A_1583, %add3A_1582 : vector<16xi32>
    %add3A_1585 = arith.addi %add3A_1579, %add3A_1584 : vector<16xi32>
    %swap3A_1586 = arith.constant 6 : i32
    %swap3A_1587 = arith.index_cast %swap3A_1586 : i32 to index
    %swap3A_1588 = arith.constant 64 : index
    %swap3A_1589 = tpu.vector_load %arg7[%swap3A_1587, %swap3A_1588] {strides = array<i32>} : memref<8x128xi32, #tpu.memory_space<vmem>>, vector<1x16xi32>,
    %swap3A_1590 = vector.shape_cast %swap3A_1589 : vector<1x16xi32> to vector<16xi32>
    %swap3A_1591 = vector.shape_cast %add3A_1585 : vector<16xi32> to vector<1x16xi32>
    tpu.vector_store %arg7[%swap3A_1587, %swap3A_1588], %swap3A_1591 {strides = array<i32>} : memref<8x128xi32, #tpu.memory_space<vmem>>, vector<1x16xi32>,
    %get3A_1592 = arith.constant 848 : index
    %get3A_1593 = tpu.vector_load %arg6[%get3A_1592] {strides = array<i32>} : memref<1024xi32, #tpu.memory_space<vmem>>, vector<16xi32>,
    %get3A_1594 = vector.shape_cast %get3A_1593 : vector<16xi32> to vector<16xi32>
    %and3A_1595 = arith.constant -8 : i32
    %and3A_1596 = vector.broadcast %and3A_1595 : i32 to vector<16xi32>
    %and3A_1597 = arith.andi %get3A_1594, %and3A_1596 : vector<16xi32>
    %shift_left3A_1598 = arith.constant 14 : i32
    %shift_left3A_1599 = vector.broadcast %shift_left3A_1598 : i32 to vector<16xi32>
    %shift_left3A_1600 = arith.shli %and3A_1597, %shift_left3A_1599 : vector<16xi32>
    %and3A_1601 = arith.constant 7 : i32
    %and3A_1602 = vector.broadcast %and3A_1601 : i32 to vector<16xi32>
    %and3A_1603 = arith.andi %get3A_1594, %and3A_1602 : vector<16xi32>
    %shift_left3A_1604 = arith.constant 7 : i32
    %shift_left3A_1605 = vector.broadcast %shift_left3A_1604 : i32 to vector<16xi32>
    %shift_left3A_1606 = arith.shli %and3A_1603, %shift_left3A_1605 : vector<16xi32>
    %add3A_1607 = arith.addi %shift_left3A_1600, %shift_left3A_1606 : vector<16xi32>
    %add3A_1608 = arith.constant 6224 : i32
    %add3A_1609 = vector.broadcast %add3A_1608 : i32 to vector<16xi32>
    %add3A_1610 = arith.addi %add3A_1609, %iota3A : vector<16xi32>
    %add3A_1611 = vector.broadcast %shift_left3A_30 : i32 to vector<16xi32>
    %add3A_1612 = arith.addi %add3A_1611, %add3A_1610 : vector<16xi32>
    %add3A_1613 = arith.addi %add3A_1607, %add3A_1612 : vector<16xi32>
    %swap3A_1614 = arith.constant 6 : i32
    %swap3A_1615 = arith.index_cast %swap3A_1614 : i32 to index
    %swap3A_1616 = arith.constant 80 : index
    %swap3A_1617 = tpu.vector_load %arg7[%swap3A_1615, %swap3A_1616] {strides = array<i32>} : memref<8x128xi32, #tpu.memory_space<vmem>>, vector<1x16xi32>,
    %swap3A_1618 = vector.shape_cast %swap3A_1617 : vector<1x16xi32> to vector<16xi32>
    %swap3A_1619 = vector.shape_cast %add3A_1613 : vector<16xi32> to vector<1x16xi32>
    tpu.vector_store %arg7[%swap3A_1615, %swap3A_1616], %swap3A_1619 {strides = array<i32>} : memref<8x128xi32, #tpu.memory_space<vmem>>, vector<1x16xi32>,
    %get3A_1620 = arith.constant 864 : index
    %get3A_1621 = tpu.vector_load %arg6[%get3A_1620] {strides = array<i32>} : memref<1024xi32, #tpu.memory_space<vmem>>, vector<16xi32>,
    %get3A_1622 = vector.shape_cast %get3A_1621 : vector<16xi32> to vector<16xi32>
    %and3A_1623 = arith.constant -8 : i32
    %and3A_1624 = vector.broadcast %and3A_1623 : i32 to vector<16xi32>
    %and3A_1625 = arith.andi %get3A_1622, %and3A_1624 : vector<16xi32>
    %shift_left3A_1626 = arith.constant 14 : i32
    %shift_left3A_1627 = vector.broadcast %shift_left3A_1626 : i32 to vector<16xi32>
    %shift_left3A_1628 = arith.shli %and3A_1625, %shift_left3A_1627 : vector<16xi32>
    %and3A_1629 = arith.constant 7 : i32
    %and3A_1630 = vector.broadcast %and3A_1629 : i32 to vector<16xi32>
    %and3A_1631 = arith.andi %get3A_1622, %and3A_1630 : vector<16xi32>
    %shift_left3A_1632 = arith.constant 7 : i32
    %shift_left3A_1633 = vector.broadcast %shift_left3A_1632 : i32 to vector<16xi32>
    %shift_left3A_1634 = arith.shli %and3A_1631, %shift_left3A_1633 : vector<16xi32>
    %add3A_1635 = arith.addi %shift_left3A_1628, %shift_left3A_1634 : vector<16xi32>
    %add3A_1636 = arith.constant 6240 : i32
    %add3A_1637 = vector.broadcast %add3A_1636 : i32 to vector<16xi32>
    %add3A_1638 = arith.addi %add3A_1637, %iota3A : vector<16xi32>
    %add3A_1639 = vector.broadcast %shift_left3A_30 : i32 to vector<16xi32>
    %add3A_1640 = arith.addi %add3A_1639, %add3A_1638 : vector<16xi32>
    %add3A_1641 = arith.addi %add3A_1635, %add3A_1640 : vector<16xi32>
    %swap3A_1642 = arith.constant 6 : i32
    %swap3A_1643 = arith.index_cast %swap3A_1642 : i32 to index
    %swap3A_1644 = arith.constant 96 : index
    %swap3A_1645 = tpu.vector_load %arg7[%swap3A_1643, %swap3A_1644] {strides = array<i32>} : memref<8x128xi32, #tpu.memory_space<vmem>>, vector<1x16xi32>,
    %swap3A_1646 = vector.shape_cast %swap3A_1645 : vector<1x16xi32> to vector<16xi32>
    %swap3A_1647 = vector.shape_cast %add3A_1641 : vector<16xi32> to vector<1x16xi32>
    tpu.vector_store %arg7[%swap3A_1643, %swap3A_1644], %swap3A_1647 {strides = array<i32>} : memref<8x128xi32, #tpu.memory_space<vmem>>, vector<1x16xi32>,
    %get3A_1648 = arith.constant 880 : index
    %get3A_1649 = tpu.vector_load %arg6[%get3A_1648] {strides = array<i32>} : memref<1024xi32, #tpu.memory_space<vmem>>, vector<16xi32>,
    %get3A_1650 = vector.shape_cast %get3A_1649 : vector<16xi32> to vector<16xi32>
    %and3A_1651 = arith.constant -8 : i32
    %and3A_1652 = vector.broadcast %and3A_1651 : i32 to vector<16xi32>
    %and3A_1653 = arith.andi %get3A_1650, %and3A_1652 : vector<16xi32>
    %shift_left3A_1654 = arith.constant 14 : i32
    %shift_left3A_1655 = vector.broadcast %shift_left3A_1654 : i32 to vector<16xi32>
    %shift_left3A_1656 = arith.shli %and3A_1653, %shift_left3A_1655 : vector<16xi32>
    %and3A_1657 = arith.constant 7 : i32
    %and3A_1658 = vector.broadcast %and3A_1657 : i32 to vector<16xi32>
    %and3A_1659 = arith.andi %get3A_1650, %and3A_1658 : vector<16xi32>
    %shift_left3A_1660 = arith.constant 7 : i32
    %shift_left3A_1661 = vector.broadcast %shift_left3A_1660 : i32 to vector<16xi32>
    %shift_left3A_1662 = arith.shli %and3A_1659, %shift_left3A_1661 : vector<16xi32>
    %add3A_1663 = arith.addi %shift_left3A_1656, %shift_left3A_1662 : vector<16xi32>
    %add3A_1664 = arith.constant 6256 : i32
    %add3A_1665 = vector.broadcast %add3A_1664 : i32 to vector<16xi32>
    %add3A_1666 = arith.addi %add3A_1665, %iota3A : vector<16xi32>
    %add3A_1667 = vector.broadcast %shift_left3A_30 : i32 to vector<16xi32>
    %add3A_1668 = arith.addi %add3A_1667, %add3A_1666 : vector<16xi32>
    %add3A_1669 = arith.addi %add3A_1663, %add3A_1668 : vector<16xi32>
    %swap3A_1670 = arith.constant 6 : i32
    %swap3A_1671 = arith.index_cast %swap3A_1670 : i32 to index
    %swap3A_1672 = arith.constant 112 : index
    %swap3A_1673 = tpu.vector_load %arg7[%swap3A_1671, %swap3A_1672] {strides = array<i32>} : memref<8x128xi32, #tpu.memory_space<vmem>>, vector<1x16xi32>,
    %swap3A_1674 = vector.shape_cast %swap3A_1673 : vector<1x16xi32> to vector<16xi32>
    %swap3A_1675 = vector.shape_cast %add3A_1669 : vector<16xi32> to vector<1x16xi32>
    tpu.vector_store %arg7[%swap3A_1671, %swap3A_1672], %swap3A_1675 {strides = array<i32>} : memref<8x128xi32, #tpu.memory_space<vmem>>, vector<1x16xi32>,
    %dma_start3A_1676 = arith.constant 6 : i32
    %dma_start3A_1677 = arith.constant 768 : i32
    %dma_start3A_1678 = tpu.memref_slice %arg8[%dma_start3A_1677] : memref<1024xf32, #tpu.memory_space<vmem>> -> memref<128xf32, #tpu.memory_space<vmem>>
    %dma_start3A_1679 = arith.constant 0 : i32
    %dma_start3A_1680 = tpu.memref_slice %arg7[%dma_start3A_1676, %dma_start3A_1679] : memref<8x128xi32, #tpu.memory_space<vmem>> -> memref<1x128xi32, #tpu.memory_space<vmem>>
    %dma_start3A_1681 = tpu.memref_squeeze %dma_start3A_1680 : memref<1x128xi32, #tpu.memory_space<vmem>> -> memref<128xi32, #tpu.memory_space<vmem>>
    %dma_start3A_1682 = arith.constant 0 : i32
    %dma_start3A_1683 = tpu.memref_slice %arg2[%dma_start3A_1682] : memref<163840000xf32, #tpu.memory_space<hbm>> -> memref<163840000xf32, #tpu.memory_space<hbm>>
    tpu.enqueue_indirect_dma source(%dma_start3A_1683 : memref<163840000xf32, #tpu.memory_space<hbm>>) target(%dma_start3A_1678 : memref<128xf32, #tpu.memory_space<vmem>>) offsets(%dma_start3A_1681 : memref<128xi32, #tpu.memory_space<vmem>>) semaphore(%arg29 : memref<!tpu.dma_semaphore, #tpu.memory_space<semaphore_mem>>)
    %get3A_1684 = arith.constant 896 : index
    %get3A_1685 = tpu.vector_load %arg6[%get3A_1684] {strides = array<i32>} : memref<1024xi32, #tpu.memory_space<vmem>>, vector<16xi32>,
    %get3A_1686 = vector.shape_cast %get3A_1685 : vector<16xi32> to vector<16xi32>
    %and3A_1687 = arith.constant -8 : i32
    %and3A_1688 = vector.broadcast %and3A_1687 : i32 to vector<16xi32>
    %and3A_1689 = arith.andi %get3A_1686, %and3A_1688 : vector<16xi32>
    %shift_left3A_1690 = arith.constant 14 : i32
    %shift_left3A_1691 = vector.broadcast %shift_left3A_1690 : i32 to vector<16xi32>
    %shift_left3A_1692 = arith.shli %and3A_1689, %shift_left3A_1691 : vector<16xi32>
    %and3A_1693 = arith.constant 7 : i32
    %and3A_1694 = vector.broadcast %and3A_1693 : i32 to vector<16xi32>
    %and3A_1695 = arith.andi %get3A_1686, %and3A_1694 : vector<16xi32>
    %shift_left3A_1696 = arith.constant 7 : i32
    %shift_left3A_1697 = vector.broadcast %shift_left3A_1696 : i32 to vector<16xi32>
    %shift_left3A_1698 = arith.shli %and3A_1695, %shift_left3A_1697 : vector<16xi32>
    %add3A_1699 = arith.addi %shift_left3A_1692, %shift_left3A_1698 : vector<16xi32>
    %add3A_1700 = arith.constant 7168 : i32
    %add3A_1701 = vector.broadcast %add3A_1700 : i32 to vector<16xi32>
    %add3A_1702 = arith.addi %add3A_1701, %iota3A : vector<16xi32>
    %add3A_1703 = vector.broadcast %shift_left3A_30 : i32 to vector<16xi32>
    %add3A_1704 = arith.addi %add3A_1703, %add3A_1702 : vector<16xi32>
    %add3A_1705 = arith.addi %add3A_1699, %add3A_1704 : vector<16xi32>
    %swap3A_1706 = arith.constant 7 : i32
    %swap3A_1707 = arith.index_cast %swap3A_1706 : i32 to index
    %swap3A_1708 = arith.constant 0 : index
    %swap3A_1709 = tpu.vector_load %arg7[%swap3A_1707, %swap3A_1708] {strides = array<i32>} : memref<8x128xi32, #tpu.memory_space<vmem>>, vector<1x16xi32>,
    %swap3A_1710 = vector.shape_cast %swap3A_1709 : vector<1x16xi32> to vector<16xi32>
    %swap3A_1711 = vector.shape_cast %add3A_1705 : vector<16xi32> to vector<1x16xi32>
    tpu.vector_store %arg7[%swap3A_1707, %swap3A_1708], %swap3A_1711 {strides = array<i32>} : memref<8x128xi32, #tpu.memory_space<vmem>>, vector<1x16xi32>,
    %get3A_1712 = arith.constant 912 : index
    %get3A_1713 = tpu.vector_load %arg6[%get3A_1712] {strides = array<i32>} : memref<1024xi32, #tpu.memory_space<vmem>>, vector<16xi32>,
    %get3A_1714 = vector.shape_cast %get3A_1713 : vector<16xi32> to vector<16xi32>
    %and3A_1715 = arith.constant -8 : i32
    %and3A_1716 = vector.broadcast %and3A_1715 : i32 to vector<16xi32>
    %and3A_1717 = arith.andi %get3A_1714, %and3A_1716 : vector<16xi32>
    %shift_left3A_1718 = arith.constant 14 : i32
    %shift_left3A_1719 = vector.broadcast %shift_left3A_1718 : i32 to vector<16xi32>
    %shift_left3A_1720 = arith.shli %and3A_1717, %shift_left3A_1719 : vector<16xi32>
    %and3A_1721 = arith.constant 7 : i32
    %and3A_1722 = vector.broadcast %and3A_1721 : i32 to vector<16xi32>
    %and3A_1723 = arith.andi %get3A_1714, %and3A_1722 : vector<16xi32>
    %shift_left3A_1724 = arith.constant 7 : i32
    %shift_left3A_1725 = vector.broadcast %shift_left3A_1724 : i32 to vector<16xi32>
    %shift_left3A_1726 = arith.shli %and3A_1723, %shift_left3A_1725 : vector<16xi32>
    %add3A_1727 = arith.addi %shift_left3A_1720, %shift_left3A_1726 : vector<16xi32>
    %add3A_1728 = arith.constant 7184 : i32
    %add3A_1729 = vector.broadcast %add3A_1728 : i32 to vector<16xi32>
    %add3A_1730 = arith.addi %add3A_1729, %iota3A : vector<16xi32>
    %add3A_1731 = vector.broadcast %shift_left3A_30 : i32 to vector<16xi32>
    %add3A_1732 = arith.addi %add3A_1731, %add3A_1730 : vector<16xi32>
    %add3A_1733 = arith.addi %add3A_1727, %add3A_1732 : vector<16xi32>
    %swap3A_1734 = arith.constant 7 : i32
    %swap3A_1735 = arith.index_cast %swap3A_1734 : i32 to index
    %swap3A_1736 = arith.constant 16 : index
    %swap3A_1737 = tpu.vector_load %arg7[%swap3A_1735, %swap3A_1736] {strides = array<i32>} : memref<8x128xi32, #tpu.memory_space<vmem>>, vector<1x16xi32>,
    %swap3A_1738 = vector.shape_cast %swap3A_1737 : vector<1x16xi32> to vector<16xi32>
    %swap3A_1739 = vector.shape_cast %add3A_1733 : vector<16xi32> to vector<1x16xi32>
    tpu.vector_store %arg7[%swap3A_1735, %swap3A_1736], %swap3A_1739 {strides = array<i32>} : memref<8x128xi32, #tpu.memory_space<vmem>>, vector<1x16xi32>,
    %get3A_1740 = arith.constant 928 : index
    %get3A_1741 = tpu.vector_load %arg6[%get3A_1740] {strides = array<i32>} : memref<1024xi32, #tpu.memory_space<vmem>>, vector<16xi32>,
    %get3A_1742 = vector.shape_cast %get3A_1741 : vector<16xi32> to vector<16xi32>
    %and3A_1743 = arith.constant -8 : i32
    %and3A_1744 = vector.broadcast %and3A_1743 : i32 to vector<16xi32>
    %and3A_1745 = arith.andi %get3A_1742, %and3A_1744 : vector<16xi32>
    %shift_left3A_1746 = arith.constant 14 : i32
    %shift_left3A_1747 = vector.broadcast %shift_left3A_1746 : i32 to vector<16xi32>
    %shift_left3A_1748 = arith.shli %and3A_1745, %shift_left3A_1747 : vector<16xi32>
    %and3A_1749 = arith.constant 7 : i32
    %and3A_1750 = vector.broadcast %and3A_1749 : i32 to vector<16xi32>
    %and3A_1751 = arith.andi %get3A_1742, %and3A_1750 : vector<16xi32>
    %shift_left3A_1752 = arith.constant 7 : i32
    %shift_left3A_1753 = vector.broadcast %shift_left3A_1752 : i32 to vector<16xi32>
    %shift_left3A_1754 = arith.shli %and3A_1751, %shift_left3A_1753 : vector<16xi32>
    %add3A_1755 = arith.addi %shift_left3A_1748, %shift_left3A_1754 : vector<16xi32>
    %add3A_1756 = arith.constant 7200 : i32
    %add3A_1757 = vector.broadcast %add3A_1756 : i32 to vector<16xi32>
    %add3A_1758 = arith.addi %add3A_1757, %iota3A : vector<16xi32>
    %add3A_1759 = vector.broadcast %shift_left3A_30 : i32 to vector<16xi32>
    %add3A_1760 = arith.addi %add3A_1759, %add3A_1758 : vector<16xi32>
    %add3A_1761 = arith.addi %add3A_1755, %add3A_1760 : vector<16xi32>
    %swap3A_1762 = arith.constant 7 : i32
    %swap3A_1763 = arith.index_cast %swap3A_1762 : i32 to index
    %swap3A_1764 = arith.constant 32 : index
    %swap3A_1765 = tpu.vector_load %arg7[%swap3A_1763, %swap3A_1764] {strides = array<i32>} : memref<8x128xi32, #tpu.memory_space<vmem>>, vector<1x16xi32>,
    %swap3A_1766 = vector.shape_cast %swap3A_1765 : vector<1x16xi32> to vector<16xi32>
    %swap3A_1767 = vector.shape_cast %add3A_1761 : vector<16xi32> to vector<1x16xi32>
    tpu.vector_store %arg7[%swap3A_1763, %swap3A_1764], %swap3A_1767 {strides = array<i32>} : memref<8x128xi32, #tpu.memory_space<vmem>>, vector<1x16xi32>,
    %get3A_1768 = arith.constant 944 : index
    %get3A_1769 = tpu.vector_load %arg6[%get3A_1768] {strides = array<i32>} : memref<1024xi32, #tpu.memory_space<vmem>>, vector<16xi32>,
    %get3A_1770 = vector.shape_cast %get3A_1769 : vector<16xi32> to vector<16xi32>
    %and3A_1771 = arith.constant -8 : i32
    %and3A_1772 = vector.broadcast %and3A_1771 : i32 to vector<16xi32>
    %and3A_1773 = arith.andi %get3A_1770, %and3A_1772 : vector<16xi32>
    %shift_left3A_1774 = arith.constant 14 : i32
    %shift_left3A_1775 = vector.broadcast %shift_left3A_1774 : i32 to vector<16xi32>
    %shift_left3A_1776 = arith.shli %and3A_1773, %shift_left3A_1775 : vector<16xi32>
    %and3A_1777 = arith.constant 7 : i32
    %and3A_1778 = vector.broadcast %and3A_1777 : i32 to vector<16xi32>
    %and3A_1779 = arith.andi %get3A_1770, %and3A_1778 : vector<16xi32>
    %shift_left3A_1780 = arith.constant 7 : i32
    %shift_left3A_1781 = vector.broadcast %shift_left3A_1780 : i32 to vector<16xi32>
    %shift_left3A_1782 = arith.shli %and3A_1779, %shift_left3A_1781 : vector<16xi32>
    %add3A_1783 = arith.addi %shift_left3A_1776, %shift_left3A_1782 : vector<16xi32>
    %add3A_1784 = arith.constant 7216 : i32
    %add3A_1785 = vector.broadcast %add3A_1784 : i32 to vector<16xi32>
    %add3A_1786 = arith.addi %add3A_1785, %iota3A : vector<16xi32>
    %add3A_1787 = vector.broadcast %shift_left3A_30 : i32 to vector<16xi32>
    %add3A_1788 = arith.addi %add3A_1787, %add3A_1786 : vector<16xi32>
    %add3A_1789 = arith.addi %add3A_1783, %add3A_1788 : vector<16xi32>
    %swap3A_1790 = arith.constant 7 : i32
    %swap3A_1791 = arith.index_cast %swap3A_1790 : i32 to index
    %swap3A_1792 = arith.constant 48 : index
    %swap3A_1793 = tpu.vector_load %arg7[%swap3A_1791, %swap3A_1792] {strides = array<i32>} : memref<8x128xi32, #tpu.memory_space<vmem>>, vector<1x16xi32>,
    %swap3A_1794 = vector.shape_cast %swap3A_1793 : vector<1x16xi32> to vector<16xi32>
    %swap3A_1795 = vector.shape_cast %add3A_1789 : vector<16xi32> to vector<1x16xi32>
    tpu.vector_store %arg7[%swap3A_1791, %swap3A_1792], %swap3A_1795 {strides = array<i32>} : memref<8x128xi32, #tpu.memory_space<vmem>>, vector<1x16xi32>,
    %get3A_1796 = arith.constant 960 : index
    %get3A_1797 = tpu.vector_load %arg6[%get3A_1796] {strides = array<i32>} : memref<1024xi32, #tpu.memory_space<vmem>>, vector<16xi32>,
    %get3A_1798 = vector.shape_cast %get3A_1797 : vector<16xi32> to vector<16xi32>
    %and3A_1799 = arith.constant -8 : i32
    %and3A_1800 = vector.broadcast %and3A_1799 : i32 to vector<16xi32>
    %and3A_1801 = arith.andi %get3A_1798, %and3A_1800 : vector<16xi32>
    %shift_left3A_1802 = arith.constant 14 : i32
    %shift_left3A_1803 = vector.broadcast %shift_left3A_1802 : i32 to vector<16xi32>
    %shift_left3A_1804 = arith.shli %and3A_1801, %shift_left3A_1803 : vector<16xi32>
    %and3A_1805 = arith.constant 7 : i32
    %and3A_1806 = vector.broadcast %and3A_1805 : i32 to vector<16xi32>
    %and3A_1807 = arith.andi %get3A_1798, %and3A_1806 : vector<16xi32>
    %shift_left3A_1808 = arith.constant 7 : i32
    %shift_left3A_1809 = vector.broadcast %shift_left3A_1808 : i32 to vector<16xi32>
    %shift_left3A_1810 = arith.shli %and3A_1807, %shift_left3A_1809 : vector<16xi32>
    %add3A_1811 = arith.addi %shift_left3A_1804, %shift_left3A_1810 : vector<16xi32>
    %add3A_1812 = arith.constant 7232 : i32
    %add3A_1813 = vector.broadcast %add3A_1812 : i32 to vector<16xi32>
    %add3A_1814 = arith.addi %add3A_1813, %iota3A : vector<16xi32>
    %add3A_1815 = vector.broadcast %shift_left3A_30 : i32 to vector<16xi32>
    %add3A_1816 = arith.addi %add3A_1815, %add3A_1814 : vector<16xi32>
    %add3A_1817 = arith.addi %add3A_1811, %add3A_1816 : vector<16xi32>
    %swap3A_1818 = arith.constant 7 : i32
    %swap3A_1819 = arith.index_cast %swap3A_1818 : i32 to index
    %swap3A_1820 = arith.constant 64 : index
    %swap3A_1821 = tpu.vector_load %arg7[%swap3A_1819, %swap3A_1820] {strides = array<i32>} : memref<8x128xi32, #tpu.memory_space<vmem>>, vector<1x16xi32>,
    %swap3A_1822 = vector.shape_cast %swap3A_1821 : vector<1x16xi32> to vector<16xi32>
    %swap3A_1823 = vector.shape_cast %add3A_1817 : vector<16xi32> to vector<1x16xi32>
    tpu.vector_store %arg7[%swap3A_1819, %swap3A_1820], %swap3A_1823 {strides = array<i32>} : memref<8x128xi32, #tpu.memory_space<vmem>>, vector<1x16xi32>,
    %get3A_1824 = arith.constant 976 : index
    %get3A_1825 = tpu.vector_load %arg6[%get3A_1824] {strides = array<i32>} : memref<1024xi32, #tpu.memory_space<vmem>>, vector<16xi32>,
    %get3A_1826 = vector.shape_cast %get3A_1825 : vector<16xi32> to vector<16xi32>
    %and3A_1827 = arith.constant -8 : i32
    %and3A_1828 = vector.broadcast %and3A_1827 : i32 to vector<16xi32>
    %and3A_1829 = arith.andi %get3A_1826, %and3A_1828 : vector<16xi32>
    %shift_left3A_1830 = arith.constant 14 : i32
    %shift_left3A_1831 = vector.broadcast %shift_left3A_1830 : i32 to vector<16xi32>
    %shift_left3A_1832 = arith.shli %and3A_1829, %shift_left3A_1831 : vector<16xi32>
    %and3A_1833 = arith.constant 7 : i32
    %and3A_1834 = vector.broadcast %and3A_1833 : i32 to vector<16xi32>
    %and3A_1835 = arith.andi %get3A_1826, %and3A_1834 : vector<16xi32>
    %shift_left3A_1836 = arith.constant 7 : i32
    %shift_left3A_1837 = vector.broadcast %shift_left3A_1836 : i32 to vector<16xi32>
    %shift_left3A_1838 = arith.shli %and3A_1835, %shift_left3A_1837 : vector<16xi32>
    %add3A_1839 = arith.addi %shift_left3A_1832, %shift_left3A_1838 : vector<16xi32>
    %add3A_1840 = arith.constant 7248 : i32
    %add3A_1841 = vector.broadcast %add3A_1840 : i32 to vector<16xi32>
    %add3A_1842 = arith.addi %add3A_1841, %iota3A : vector<16xi32>
    %add3A_1843 = vector.broadcast %shift_left3A_30 : i32 to vector<16xi32>
    %add3A_1844 = arith.addi %add3A_1843, %add3A_1842 : vector<16xi32>
    %add3A_1845 = arith.addi %add3A_1839, %add3A_1844 : vector<16xi32>
    %swap3A_1846 = arith.constant 7 : i32
    %swap3A_1847 = arith.index_cast %swap3A_1846 : i32 to index
    %swap3A_1848 = arith.constant 80 : index
    %swap3A_1849 = tpu.vector_load %arg7[%swap3A_1847, %swap3A_1848] {strides = array<i32>} : memref<8x128xi32, #tpu.memory_space<vmem>>, vector<1x16xi32>,
    %swap3A_1850 = vector.shape_cast %swap3A_1849 : vector<1x16xi32> to vector<16xi32>
    %swap3A_1851 = vector.shape_cast %add3A_1845 : vector<16xi32> to vector<1x16xi32>
    tpu.vector_store %arg7[%swap3A_1847, %swap3A_1848], %swap3A_1851 {strides = array<i32>} : memref<8x128xi32, #tpu.memory_space<vmem>>, vector<1x16xi32>,
    %get3A_1852 = arith.constant 992 : index
    %get3A_1853 = tpu.vector_load %arg6[%get3A_1852] {strides = array<i32>} : memref<1024xi32, #tpu.memory_space<vmem>>, vector<16xi32>,
    %get3A_1854 = vector.shape_cast %get3A_1853 : vector<16xi32> to vector<16xi32>
    %and3A_1855 = arith.constant -8 : i32
    %and3A_1856 = vector.broadcast %and3A_1855 : i32 to vector<16xi32>
    %and3A_1857 = arith.andi %get3A_1854, %and3A_1856 : vector<16xi32>
    %shift_left3A_1858 = arith.constant 14 : i32
    %shift_left3A_1859 = vector.broadcast %shift_left3A_1858 : i32 to vector<16xi32>
    %shift_left3A_1860 = arith.shli %and3A_1857, %shift_left3A_1859 : vector<16xi32>
    %and3A_1861 = arith.constant 7 : i32
    %and3A_1862 = vector.broadcast %and3A_1861 : i32 to vector<16xi32>
    %and3A_1863 = arith.andi %get3A_1854, %and3A_1862 : vector<16xi32>
    %shift_left3A_1864 = arith.constant 7 : i32
    %shift_left3A_1865 = vector.broadcast %shift_left3A_1864 : i32 to vector<16xi32>
    %shift_left3A_1866 = arith.shli %and3A_1863, %shift_left3A_1865 : vector<16xi32>
    %add3A_1867 = arith.addi %shift_left3A_1860, %shift_left3A_1866 : vector<16xi32>
    %add3A_1868 = arith.constant 7264 : i32
    %add3A_1869 = vector.broadcast %add3A_1868 : i32 to vector<16xi32>
    %add3A_1870 = arith.addi %add3A_1869, %iota3A : vector<16xi32>
    %add3A_1871 = vector.broadcast %shift_left3A_30 : i32 to vector<16xi32>
    %add3A_1872 = arith.addi %add3A_1871, %add3A_1870 : vector<16xi32>
    %add3A_1873 = arith.addi %add3A_1867, %add3A_1872 : vector<16xi32>
    %swap3A_1874 = arith.constant 7 : i32
    %swap3A_1875 = arith.index_cast %swap3A_1874 : i32 to index
    %swap3A_1876 = arith.constant 96 : index
    %swap3A_1877 = tpu.vector_load %arg7[%swap3A_1875, %swap3A_1876] {strides = array<i32>} : memref<8x128xi32, #tpu.memory_space<vmem>>, vector<1x16xi32>,
    %swap3A_1878 = vector.shape_cast %swap3A_1877 : vector<1x16xi32> to vector<16xi32>
    %swap3A_1879 = vector.shape_cast %add3A_1873 : vector<16xi32> to vector<1x16xi32>
    tpu.vector_store %arg7[%swap3A_1875, %swap3A_1876], %swap3A_1879 {strides = array<i32>} : memref<8x128xi32, #tpu.memory_space<vmem>>, vector<1x16xi32>,
    %get3A_1880 = arith.constant 1008 : index
    %get3A_1881 = tpu.vector_load %arg6[%get3A_1880] {strides = array<i32>} : memref<1024xi32, #tpu.memory_space<vmem>>, vector<16xi32>,
    %get3A_1882 = vector.shape_cast %get3A_1881 : vector<16xi32> to vector<16xi32>
    %and3A_1883 = arith.constant -8 : i32
    %and3A_1884 = vector.broadcast %and3A_1883 : i32 to vector<16xi32>
    %and3A_1885 = arith.andi %get3A_1882, %and3A_1884 : vector<16xi32>
    %shift_left3A_1886 = arith.constant 14 : i32
    %shift_left3A_1887 = vector.broadcast %shift_left3A_1886 : i32 to vector<16xi32>
    %shift_left3A_1888 = arith.shli %and3A_1885, %shift_left3A_1887 : vector<16xi32>
    %and3A_1889 = arith.constant 7 : i32
    %and3A_1890 = vector.broadcast %and3A_1889 : i32 to vector<16xi32>
    %and3A_1891 = arith.andi %get3A_1882, %and3A_1890 : vector<16xi32>
    %shift_left3A_1892 = arith.constant 7 : i32
    %shift_left3A_1893 = vector.broadcast %shift_left3A_1892 : i32 to vector<16xi32>
    %shift_left3A_1894 = arith.shli %and3A_1891, %shift_left3A_1893 : vector<16xi32>
    %add3A_1895 = arith.addi %shift_left3A_1888, %shift_left3A_1894 : vector<16xi32>
    %add3A_1896 = arith.constant 7280 : i32
    %add3A_1897 = vector.broadcast %add3A_1896 : i32 to vector<16xi32>
    %add3A_1898 = arith.addi %add3A_1897, %iota3A : vector<16xi32>
    %add3A_1899 = vector.broadcast %shift_left3A_30 : i32 to vector<16xi32>
    %add3A_1900 = arith.addi %add3A_1899, %add3A_1898 : vector<16xi32>
    %add3A_1901 = arith.addi %add3A_1895, %add3A_1900 : vector<16xi32>
    %swap3A_1902 = arith.constant 7 : i32
    %swap3A_1903 = arith.index_cast %swap3A_1902 : i32 to index
    %swap3A_1904 = arith.constant 112 : index
    %swap3A_1905 = tpu.vector_load %arg7[%swap3A_1903, %swap3A_1904] {strides = array<i32>} : memref<8x128xi32, #tpu.memory_space<vmem>>, vector<1x16xi32>,
    %swap3A_1906 = vector.shape_cast %swap3A_1905 : vector<1x16xi32> to vector<16xi32>
    %swap3A_1907 = vector.shape_cast %add3A_1901 : vector<16xi32> to vector<1x16xi32>
    tpu.vector_store %arg7[%swap3A_1903, %swap3A_1904], %swap3A_1907 {strides = array<i32>} : memref<8x128xi32, #tpu.memory_space<vmem>>, vector<1x16xi32>,
    %dma_start3A_1908 = arith.constant 7 : i32
    %dma_start3A_1909 = arith.constant 896 : i32
    %dma_start3A_1910 = tpu.memref_slice %arg8[%dma_start3A_1909] : memref<1024xf32, #tpu.memory_space<vmem>> -> memref<128xf32, #tpu.memory_space<vmem>>
    %dma_start3A_1911 = arith.constant 0 : i32
    %dma_start3A_1912 = tpu.memref_slice %arg7[%dma_start3A_1908, %dma_start3A_1911] : memref<8x128xi32, #tpu.memory_space<vmem>> -> memref<1x128xi32, #tpu.memory_space<vmem>>
    %dma_start3A_1913 = tpu.memref_squeeze %dma_start3A_1912 : memref<1x128xi32, #tpu.memory_space<vmem>> -> memref<128xi32, #tpu.memory_space<vmem>>
    %dma_start3A_1914 = arith.constant 0 : i32
    %dma_start3A_1915 = tpu.memref_slice %arg2[%dma_start3A_1914] : memref<163840000xf32, #tpu.memory_space<hbm>> -> memref<163840000xf32, #tpu.memory_space<hbm>>
    tpu.enqueue_indirect_dma source(%dma_start3A_1915 : memref<163840000xf32, #tpu.memory_space<hbm>>) target(%dma_start3A_1910 : memref<128xf32, #tpu.memory_space<vmem>>) offsets(%dma_start3A_1913 : memref<128xi32, #tpu.memory_space<vmem>>) semaphore(%arg30 : memref<!tpu.dma_semaphore, #tpu.memory_space<semaphore_mem>>)
    %dma_wait3A_1916 = tpu.memref_slice %arg4[%mul3A_2] : memref<16384xf32, #tpu.memory_space<hbm>> -> memref<1024xf32, #tpu.memory_space<hbm>>
    %dma_wait3A_1917 = tpu.memref_slice %arg4[%mul3A_2] : memref<16384xf32, #tpu.memory_space<hbm>> -> memref<1024xf32, #tpu.memory_space<hbm>>
    tpu.wait_dma2 semaphore(%arg20 : memref<!tpu.dma_semaphore, #tpu.memory_space<semaphore_mem>>) src(%dma_wait3A_1917 : memref<1024xf32, #tpu.memory_space<hbm>>) dst(%arg9 : memref<1024xf32, #tpu.memory_space<vmem>>)
    %dma_wait3A_1918 = arith.constant 0 : i32
    %dma_wait3A_1919 = arith.constant 0 : i32
    %dma_wait3A_1920 = tpu.memref_slice %arg8[%dma_wait3A_1919] : memref<1024xf32, #tpu.memory_space<vmem>> -> memref<128xf32, #tpu.memory_space<vmem>>
    %dma_wait3A_1921 = arith.constant 0 : i32
    %dma_wait3A_1922 = tpu.memref_slice %arg7[%dma_wait3A_1918, %dma_wait3A_1921] : memref<8x128xi32, #tpu.memory_space<vmem>> -> memref<1x128xi32, #tpu.memory_space<vmem>>
    %dma_wait3A_1923 = tpu.memref_squeeze %dma_wait3A_1922 : memref<1x128xi32, #tpu.memory_space<vmem>> -> memref<128xi32, #tpu.memory_space<vmem>>
    %dma_wait3A_1924 = arith.constant 0 : i32
    %dma_wait3A_1925 = tpu.memref_slice %arg2[%dma_wait3A_1924] : memref<163840000xf32, #tpu.memory_space<hbm>> -> memref<163840000xf32, #tpu.memory_space<hbm>>
    tpu.wait_indirect_dma semaphore(%arg23 : memref<!tpu.dma_semaphore, #tpu.memory_space<semaphore_mem>>) src(%dma_wait3A_1925 : memref<163840000xf32, #tpu.memory_space<hbm>>) dst(%dma_wait3A_1920 : memref<128xf32, #tpu.memory_space<vmem>>)
    %get3A_1926 = arith.constant 0 : index
    %get3A_1927 = tpu.vector_load %arg8[%get3A_1926] {strides = array<i32>} : memref<1024xf32, #tpu.memory_space<vmem>>, vector<16xf32>,
    %get3A_1928 = vector.shape_cast %get3A_1927 : vector<16xf32> to vector<16xf32>
    %get3A_1929 = arith.constant 0 : index
    %get3A_1930 = tpu.vector_load %arg9[%get3A_1929] {strides = array<i32>} : memref<1024xf32, #tpu.memory_space<vmem>>, vector<16xf32>,
    %get3A_1931 = vector.shape_cast %get3A_1930 : vector<16xf32> to vector<16xf32>
    %mul3A_1932 = arith.mulf %get3A_1928, %get3A_1931 : vector<16xf32>
    %add3A_1933 = arith.addf %broadcast_in_dim3A_32, %mul3A_1932 : vector<16xf32>
    %get3A_1934 = arith.constant 16 : index
    %get3A_1935 = tpu.vector_load %arg8[%get3A_1934] {strides = array<i32>} : memref<1024xf32, #tpu.memory_space<vmem>>, vector<16xf32>,
    %get3A_1936 = vector.shape_cast %get3A_1935 : vector<16xf32> to vector<16xf32>
    %get3A_1937 = arith.constant 16 : index
    %get3A_1938 = tpu.vector_load %arg9[%get3A_1937] {strides = array<i32>} : memref<1024xf32, #tpu.memory_space<vmem>>, vector<16xf32>,
    %get3A_1939 = vector.shape_cast %get3A_1938 : vector<16xf32> to vector<16xf32>
    %mul3A_1940 = arith.mulf %get3A_1936, %get3A_1939 : vector<16xf32>
    %add3A_1941 = arith.addf %broadcast_in_dim3A_34, %mul3A_1940 : vector<16xf32>
    %get3A_1942 = arith.constant 32 : index
    %get3A_1943 = tpu.vector_load %arg8[%get3A_1942] {strides = array<i32>} : memref<1024xf32, #tpu.memory_space<vmem>>, vector<16xf32>,
    %get3A_1944 = vector.shape_cast %get3A_1943 : vector<16xf32> to vector<16xf32>
    %get3A_1945 = arith.constant 32 : index
    %get3A_1946 = tpu.vector_load %arg9[%get3A_1945] {strides = array<i32>} : memref<1024xf32, #tpu.memory_space<vmem>>, vector<16xf32>,
    %get3A_1947 = vector.shape_cast %get3A_1946 : vector<16xf32> to vector<16xf32>
    %mul3A_1948 = arith.mulf %get3A_1944, %get3A_1947 : vector<16xf32>
    %add3A_1949 = arith.addf %add3A_1933, %mul3A_1948 : vector<16xf32>
    %get3A_1950 = arith.constant 48 : index
    %get3A_1951 = tpu.vector_load %arg8[%get3A_1950] {strides = array<i32>} : memref<1024xf32, #tpu.memory_space<vmem>>, vector<16xf32>,
    %get3A_1952 = vector.shape_cast %get3A_1951 : vector<16xf32> to vector<16xf32>
    %get3A_1953 = arith.constant 48 : index
    %get3A_1954 = tpu.vector_load %arg9[%get3A_1953] {strides = array<i32>} : memref<1024xf32, #tpu.memory_space<vmem>>, vector<16xf32>,
    %get3A_1955 = vector.shape_cast %get3A_1954 : vector<16xf32> to vector<16xf32>
    %mul3A_1956 = arith.mulf %get3A_1952, %get3A_1955 : vector<16xf32>
    %add3A_1957 = arith.addf %add3A_1941, %mul3A_1956 : vector<16xf32>
    %get3A_1958 = arith.constant 64 : index
    %get3A_1959 = tpu.vector_load %arg8[%get3A_1958] {strides = array<i32>} : memref<1024xf32, #tpu.memory_space<vmem>>, vector<16xf32>,
    %get3A_1960 = vector.shape_cast %get3A_1959 : vector<16xf32> to vector<16xf32>
    %get3A_1961 = arith.constant 64 : index
    %get3A_1962 = tpu.vector_load %arg9[%get3A_1961] {strides = array<i32>} : memref<1024xf32, #tpu.memory_space<vmem>>, vector<16xf32>,
    %get3A_1963 = vector.shape_cast %get3A_1962 : vector<16xf32> to vector<16xf32>
    %mul3A_1964 = arith.mulf %get3A_1960, %get3A_1963 : vector<16xf32>
    %add3A_1965 = arith.addf %add3A_1949, %mul3A_1964 : vector<16xf32>
    %get3A_1966 = arith.constant 80 : index
    %get3A_1967 = tpu.vector_load %arg8[%get3A_1966] {strides = array<i32>} : memref<1024xf32, #tpu.memory_space<vmem>>, vector<16xf32>,
    %get3A_1968 = vector.shape_cast %get3A_1967 : vector<16xf32> to vector<16xf32>
    %get3A_1969 = arith.constant 80 : index
    %get3A_1970 = tpu.vector_load %arg9[%get3A_1969] {strides = array<i32>} : memref<1024xf32, #tpu.memory_space<vmem>>, vector<16xf32>,
    %get3A_1971 = vector.shape_cast %get3A_1970 : vector<16xf32> to vector<16xf32>
    %mul3A_1972 = arith.mulf %get3A_1968, %get3A_1971 : vector<16xf32>
    %add3A_1973 = arith.addf %add3A_1957, %mul3A_1972 : vector<16xf32>
    %get3A_1974 = arith.constant 96 : index
    %get3A_1975 = tpu.vector_load %arg8[%get3A_1974] {strides = array<i32>} : memref<1024xf32, #tpu.memory_space<vmem>>, vector<16xf32>,
    %get3A_1976 = vector.shape_cast %get3A_1975 : vector<16xf32> to vector<16xf32>
    %get3A_1977 = arith.constant 96 : index
    %get3A_1978 = tpu.vector_load %arg9[%get3A_1977] {strides = array<i32>} : memref<1024xf32, #tpu.memory_space<vmem>>, vector<16xf32>,
    %get3A_1979 = vector.shape_cast %get3A_1978 : vector<16xf32> to vector<16xf32>
    %mul3A_1980 = arith.mulf %get3A_1976, %get3A_1979 : vector<16xf32>
    %add3A_1981 = arith.addf %add3A_1965, %mul3A_1980 : vector<16xf32>
    %get3A_1982 = arith.constant 112 : index
    %get3A_1983 = tpu.vector_load %arg8[%get3A_1982] {strides = array<i32>} : memref<1024xf32, #tpu.memory_space<vmem>>, vector<16xf32>,
    %get3A_1984 = vector.shape_cast %get3A_1983 : vector<16xf32> to vector<16xf32>
    %get3A_1985 = arith.constant 112 : index
    %get3A_1986 = tpu.vector_load %arg9[%get3A_1985] {strides = array<i32>} : memref<1024xf32, #tpu.memory_space<vmem>>, vector<16xf32>,
    %get3A_1987 = vector.shape_cast %get3A_1986 : vector<16xf32> to vector<16xf32>
    %mul3A_1988 = arith.mulf %get3A_1984, %get3A_1987 : vector<16xf32>
    %add3A_1989 = arith.addf %add3A_1973, %mul3A_1988 : vector<16xf32>
    %dma_wait3A_1990 = arith.constant 1 : i32
    %dma_wait3A_1991 = arith.constant 128 : i32
    %dma_wait3A_1992 = tpu.memref_slice %arg8[%dma_wait3A_1991] : memref<1024xf32, #tpu.memory_space<vmem>> -> memref<128xf32, #tpu.memory_space<vmem>>
    %dma_wait3A_1993 = arith.constant 0 : i32
    %dma_wait3A_1994 = tpu.memref_slice %arg7[%dma_wait3A_1990, %dma_wait3A_1993] : memref<8x128xi32, #tpu.memory_space<vmem>> -> memref<1x128xi32, #tpu.memory_space<vmem>>
    %dma_wait3A_1995 = tpu.memref_squeeze %dma_wait3A_1994 : memref<1x128xi32, #tpu.memory_space<vmem>> -> memref<128xi32, #tpu.memory_space<vmem>>
    %dma_wait3A_1996 = arith.constant 0 : i32
    %dma_wait3A_1997 = tpu.memref_slice %arg2[%dma_wait3A_1996] : memref<163840000xf32, #tpu.memory_space<hbm>> -> memref<163840000xf32, #tpu.memory_space<hbm>>
    tpu.wait_indirect_dma semaphore(%arg24 : memref<!tpu.dma_semaphore, #tpu.memory_space<semaphore_mem>>) src(%dma_wait3A_1997 : memref<163840000xf32, #tpu.memory_space<hbm>>) dst(%dma_wait3A_1992 : memref<128xf32, #tpu.memory_space<vmem>>)
    %get3A_1998 = arith.constant 128 : index
    %get3A_1999 = tpu.vector_load %arg8[%get3A_1998] {strides = array<i32>} : memref<1024xf32, #tpu.memory_space<vmem>>, vector<16xf32>,
    %get3A_2000 = vector.shape_cast %get3A_1999 : vector<16xf32> to vector<16xf32>
    %get3A_2001 = arith.constant 128 : index
    %get3A_2002 = tpu.vector_load %arg9[%get3A_2001] {strides = array<i32>} : memref<1024xf32, #tpu.memory_space<vmem>>, vector<16xf32>,
    %get3A_2003 = vector.shape_cast %get3A_2002 : vector<16xf32> to vector<16xf32>
    %mul3A_2004 = arith.mulf %get3A_2000, %get3A_2003 : vector<16xf32>
    %add3A_2005 = arith.addf %add3A_1981, %mul3A_2004 : vector<16xf32>
    %get3A_2006 = arith.constant 144 : index
    %get3A_2007 = tpu.vector_load %arg8[%get3A_2006] {strides = array<i32>} : memref<1024xf32, #tpu.memory_space<vmem>>, vector<16xf32>,
    %get3A_2008 = vector.shape_cast %get3A_2007 : vector<16xf32> to vector<16xf32>
    %get3A_2009 = arith.constant 144 : index
    %get3A_2010 = tpu.vector_load %arg9[%get3A_2009] {strides = array<i32>} : memref<1024xf32, #tpu.memory_space<vmem>>, vector<16xf32>,
    %get3A_2011 = vector.shape_cast %get3A_2010 : vector<16xf32> to vector<16xf32>
    %mul3A_2012 = arith.mulf %get3A_2008, %get3A_2011 : vector<16xf32>
    %add3A_2013 = arith.addf %add3A_1989, %mul3A_2012 : vector<16xf32>
    %get3A_2014 = arith.constant 160 : index
    %get3A_2015 = tpu.vector_load %arg8[%get3A_2014] {strides = array<i32>} : memref<1024xf32, #tpu.memory_space<vmem>>, vector<16xf32>,
    %get3A_2016 = vector.shape_cast %get3A_2015 : vector<16xf32> to vector<16xf32>
    %get3A_2017 = arith.constant 160 : index
    %get3A_2018 = tpu.vector_load %arg9[%get3A_2017] {strides = array<i32>} : memref<1024xf32, #tpu.memory_space<vmem>>, vector<16xf32>,
    %get3A_2019 = vector.shape_cast %get3A_2018 : vector<16xf32> to vector<16xf32>
    %mul3A_2020 = arith.mulf %get3A_2016, %get3A_2019 : vector<16xf32>
    %add3A_2021 = arith.addf %add3A_2005, %mul3A_2020 : vector<16xf32>
    %get3A_2022 = arith.constant 176 : index
    %get3A_2023 = tpu.vector_load %arg8[%get3A_2022] {strides = array<i32>} : memref<1024xf32, #tpu.memory_space<vmem>>, vector<16xf32>,
    %get3A_2024 = vector.shape_cast %get3A_2023 : vector<16xf32> to vector<16xf32>
    %get3A_2025 = arith.constant 176 : index
    %get3A_2026 = tpu.vector_load %arg9[%get3A_2025] {strides = array<i32>} : memref<1024xf32, #tpu.memory_space<vmem>>, vector<16xf32>,
    %get3A_2027 = vector.shape_cast %get3A_2026 : vector<16xf32> to vector<16xf32>
    %mul3A_2028 = arith.mulf %get3A_2024, %get3A_2027 : vector<16xf32>
    %add3A_2029 = arith.addf %add3A_2013, %mul3A_2028 : vector<16xf32>
    %get3A_2030 = arith.constant 192 : index
    %get3A_2031 = tpu.vector_load %arg8[%get3A_2030] {strides = array<i32>} : memref<1024xf32, #tpu.memory_space<vmem>>, vector<16xf32>,
    %get3A_2032 = vector.shape_cast %get3A_2031 : vector<16xf32> to vector<16xf32>
    %get3A_2033 = arith.constant 192 : index
    %get3A_2034 = tpu.vector_load %arg9[%get3A_2033] {strides = array<i32>} : memref<1024xf32, #tpu.memory_space<vmem>>, vector<16xf32>,
    %get3A_2035 = vector.shape_cast %get3A_2034 : vector<16xf32> to vector<16xf32>
    %mul3A_2036 = arith.mulf %get3A_2032, %get3A_2035 : vector<16xf32>
    %add3A_2037 = arith.addf %add3A_2021, %mul3A_2036 : vector<16xf32>
    %get3A_2038 = arith.constant 208 : index
    %get3A_2039 = tpu.vector_load %arg8[%get3A_2038] {strides = array<i32>} : memref<1024xf32, #tpu.memory_space<vmem>>, vector<16xf32>,
    %get3A_2040 = vector.shape_cast %get3A_2039 : vector<16xf32> to vector<16xf32>
    %get3A_2041 = arith.constant 208 : index
    %get3A_2042 = tpu.vector_load %arg9[%get3A_2041] {strides = array<i32>} : memref<1024xf32, #tpu.memory_space<vmem>>, vector<16xf32>,
    %get3A_2043 = vector.shape_cast %get3A_2042 : vector<16xf32> to vector<16xf32>
    %mul3A_2044 = arith.mulf %get3A_2040, %get3A_2043 : vector<16xf32>
    %add3A_2045 = arith.addf %add3A_2029, %mul3A_2044 : vector<16xf32>
    %get3A_2046 = arith.constant 224 : index
    %get3A_2047 = tpu.vector_load %arg8[%get3A_2046] {strides = array<i32>} : memref<1024xf32, #tpu.memory_space<vmem>>, vector<16xf32>,
    %get3A_2048 = vector.shape_cast %get3A_2047 : vector<16xf32> to vector<16xf32>
    %get3A_2049 = arith.constant 224 : index
    %get3A_2050 = tpu.vector_load %arg9[%get3A_2049] {strides = array<i32>} : memref<1024xf32, #tpu.memory_space<vmem>>, vector<16xf32>,
    %get3A_2051 = vector.shape_cast %get3A_2050 : vector<16xf32> to vector<16xf32>
    %mul3A_2052 = arith.mulf %get3A_2048, %get3A_2051 : vector<16xf32>
    %add3A_2053 = arith.addf %add3A_2037, %mul3A_2052 : vector<16xf32>
    %get3A_2054 = arith.constant 240 : index
    %get3A_2055 = tpu.vector_load %arg8[%get3A_2054] {strides = array<i32>} : memref<1024xf32, #tpu.memory_space<vmem>>, vector<16xf32>,
    %get3A_2056 = vector.shape_cast %get3A_2055 : vector<16xf32> to vector<16xf32>
    %get3A_2057 = arith.constant 240 : index
    %get3A_2058 = tpu.vector_load %arg9[%get3A_2057] {strides = array<i32>} : memref<1024xf32, #tpu.memory_space<vmem>>, vector<16xf32>,
    %get3A_2059 = vector.shape_cast %get3A_2058 : vector<16xf32> to vector<16xf32>
    %mul3A_2060 = arith.mulf %get3A_2056, %get3A_2059 : vector<16xf32>
    %add3A_2061 = arith.addf %add3A_2045, %mul3A_2060 : vector<16xf32>
    %dma_wait3A_2062 = arith.constant 2 : i32
    %dma_wait3A_2063 = arith.constant 256 : i32
    %dma_wait3A_2064 = tpu.memref_slice %arg8[%dma_wait3A_2063] : memref<1024xf32, #tpu.memory_space<vmem>> -> memref<128xf32, #tpu.memory_space<vmem>>
    %dma_wait3A_2065 = arith.constant 0 : i32
    %dma_wait3A_2066 = tpu.memref_slice %arg7[%dma_wait3A_2062, %dma_wait3A_2065] : memref<8x128xi32, #tpu.memory_space<vmem>> -> memref<1x128xi32, #tpu.memory_space<vmem>>
    %dma_wait3A_2067 = tpu.memref_squeeze %dma_wait3A_2066 : memref<1x128xi32, #tpu.memory_space<vmem>> -> memref<128xi32, #tpu.memory_space<vmem>>
    %dma_wait3A_2068 = arith.constant 0 : i32
    %dma_wait3A_2069 = tpu.memref_slice %arg2[%dma_wait3A_2068] : memref<163840000xf32, #tpu.memory_space<hbm>> -> memref<163840000xf32, #tpu.memory_space<hbm>>
    tpu.wait_indirect_dma semaphore(%arg25 : memref<!tpu.dma_semaphore, #tpu.memory_space<semaphore_mem>>) src(%dma_wait3A_2069 : memref<163840000xf32, #tpu.memory_space<hbm>>) dst(%dma_wait3A_2064 : memref<128xf32, #tpu.memory_space<vmem>>)
    %get3A_2070 = arith.constant 256 : index
    %get3A_2071 = tpu.vector_load %arg8[%get3A_2070] {strides = array<i32>} : memref<1024xf32, #tpu.memory_space<vmem>>, vector<16xf32>,
    %get3A_2072 = vector.shape_cast %get3A_2071 : vector<16xf32> to vector<16xf32>
    %get3A_2073 = arith.constant 256 : index
    %get3A_2074 = tpu.vector_load %arg9[%get3A_2073] {strides = array<i32>} : memref<1024xf32, #tpu.memory_space<vmem>>, vector<16xf32>,
    %get3A_2075 = vector.shape_cast %get3A_2074 : vector<16xf32> to vector<16xf32>
    %mul3A_2076 = arith.mulf %get3A_2072, %get3A_2075 : vector<16xf32>
    %add3A_2077 = arith.addf %add3A_2053, %mul3A_2076 : vector<16xf32>
    %get3A_2078 = arith.constant 272 : index
    %get3A_2079 = tpu.vector_load %arg8[%get3A_2078] {strides = array<i32>} : memref<1024xf32, #tpu.memory_space<vmem>>, vector<16xf32>,
    %get3A_2080 = vector.shape_cast %get3A_2079 : vector<16xf32> to vector<16xf32>
    %get3A_2081 = arith.constant 272 : index
    %get3A_2082 = tpu.vector_load %arg9[%get3A_2081] {strides = array<i32>} : memref<1024xf32, #tpu.memory_space<vmem>>, vector<16xf32>,
    %get3A_2083 = vector.shape_cast %get3A_2082 : vector<16xf32> to vector<16xf32>
    %mul3A_2084 = arith.mulf %get3A_2080, %get3A_2083 : vector<16xf32>
    %add3A_2085 = arith.addf %add3A_2061, %mul3A_2084 : vector<16xf32>
    %get3A_2086 = arith.constant 288 : index
    %get3A_2087 = tpu.vector_load %arg8[%get3A_2086] {strides = array<i32>} : memref<1024xf32, #tpu.memory_space<vmem>>, vector<16xf32>,
    %get3A_2088 = vector.shape_cast %get3A_2087 : vector<16xf32> to vector<16xf32>
    %get3A_2089 = arith.constant 288 : index
    %get3A_2090 = tpu.vector_load %arg9[%get3A_2089] {strides = array<i32>} : memref<1024xf32, #tpu.memory_space<vmem>>, vector<16xf32>,
    %get3A_2091 = vector.shape_cast %get3A_2090 : vector<16xf32> to vector<16xf32>
    %mul3A_2092 = arith.mulf %get3A_2088, %get3A_2091 : vector<16xf32>
    %add3A_2093 = arith.addf %add3A_2077, %mul3A_2092 : vector<16xf32>
    %get3A_2094 = arith.constant 304 : index
    %get3A_2095 = tpu.vector_load %arg8[%get3A_2094] {strides = array<i32>} : memref<1024xf32, #tpu.memory_space<vmem>>, vector<16xf32>,
    %get3A_2096 = vector.shape_cast %get3A_2095 : vector<16xf32> to vector<16xf32>
    %get3A_2097 = arith.constant 304 : index
    %get3A_2098 = tpu.vector_load %arg9[%get3A_2097] {strides = array<i32>} : memref<1024xf32, #tpu.memory_space<vmem>>, vector<16xf32>,
    %get3A_2099 = vector.shape_cast %get3A_2098 : vector<16xf32> to vector<16xf32>
    %mul3A_2100 = arith.mulf %get3A_2096, %get3A_2099 : vector<16xf32>
    %add3A_2101 = arith.addf %add3A_2085, %mul3A_2100 : vector<16xf32>
    %get3A_2102 = arith.constant 320 : index
    %get3A_2103 = tpu.vector_load %arg8[%get3A_2102] {strides = array<i32>} : memref<1024xf32, #tpu.memory_space<vmem>>, vector<16xf32>,
    %get3A_2104 = vector.shape_cast %get3A_2103 : vector<16xf32> to vector<16xf32>
    %get3A_2105 = arith.constant 320 : index
    %get3A_2106 = tpu.vector_load %arg9[%get3A_2105] {strides = array<i32>} : memref<1024xf32, #tpu.memory_space<vmem>>, vector<16xf32>,
    %get3A_2107 = vector.shape_cast %get3A_2106 : vector<16xf32> to vector<16xf32>
    %mul3A_2108 = arith.mulf %get3A_2104, %get3A_2107 : vector<16xf32>
    %add3A_2109 = arith.addf %add3A_2093, %mul3A_2108 : vector<16xf32>
    %get3A_2110 = arith.constant 336 : index
    %get3A_2111 = tpu.vector_load %arg8[%get3A_2110] {strides = array<i32>} : memref<1024xf32, #tpu.memory_space<vmem>>, vector<16xf32>,
    %get3A_2112 = vector.shape_cast %get3A_2111 : vector<16xf32> to vector<16xf32>
    %get3A_2113 = arith.constant 336 : index
    %get3A_2114 = tpu.vector_load %arg9[%get3A_2113] {strides = array<i32>} : memref<1024xf32, #tpu.memory_space<vmem>>, vector<16xf32>,
    %get3A_2115 = vector.shape_cast %get3A_2114 : vector<16xf32> to vector<16xf32>
    %mul3A_2116 = arith.mulf %get3A_2112, %get3A_2115 : vector<16xf32>
    %add3A_2117 = arith.addf %add3A_2101, %mul3A_2116 : vector<16xf32>
    %get3A_2118 = arith.constant 352 : index
    %get3A_2119 = tpu.vector_load %arg8[%get3A_2118] {strides = array<i32>} : memref<1024xf32, #tpu.memory_space<vmem>>, vector<16xf32>,
    %get3A_2120 = vector.shape_cast %get3A_2119 : vector<16xf32> to vector<16xf32>
    %get3A_2121 = arith.constant 352 : index
    %get3A_2122 = tpu.vector_load %arg9[%get3A_2121] {strides = array<i32>} : memref<1024xf32, #tpu.memory_space<vmem>>, vector<16xf32>,
    %get3A_2123 = vector.shape_cast %get3A_2122 : vector<16xf32> to vector<16xf32>
    %mul3A_2124 = arith.mulf %get3A_2120, %get3A_2123 : vector<16xf32>
    %add3A_2125 = arith.addf %add3A_2109, %mul3A_2124 : vector<16xf32>
    %get3A_2126 = arith.constant 368 : index
    %get3A_2127 = tpu.vector_load %arg8[%get3A_2126] {strides = array<i32>} : memref<1024xf32, #tpu.memory_space<vmem>>, vector<16xf32>,
    %get3A_2128 = vector.shape_cast %get3A_2127 : vector<16xf32> to vector<16xf32>
    %get3A_2129 = arith.constant 368 : index
    %get3A_2130 = tpu.vector_load %arg9[%get3A_2129] {strides = array<i32>} : memref<1024xf32, #tpu.memory_space<vmem>>, vector<16xf32>,
    %get3A_2131 = vector.shape_cast %get3A_2130 : vector<16xf32> to vector<16xf32>
    %mul3A_2132 = arith.mulf %get3A_2128, %get3A_2131 : vector<16xf32>
    %add3A_2133 = arith.addf %add3A_2117, %mul3A_2132 : vector<16xf32>
    %dma_wait3A_2134 = arith.constant 3 : i32
    %dma_wait3A_2135 = arith.constant 384 : i32
    %dma_wait3A_2136 = tpu.memref_slice %arg8[%dma_wait3A_2135] : memref<1024xf32, #tpu.memory_space<vmem>> -> memref<128xf32, #tpu.memory_space<vmem>>
    %dma_wait3A_2137 = arith.constant 0 : i32
    %dma_wait3A_2138 = tpu.memref_slice %arg7[%dma_wait3A_2134, %dma_wait3A_2137] : memref<8x128xi32, #tpu.memory_space<vmem>> -> memref<1x128xi32, #tpu.memory_space<vmem>>
    %dma_wait3A_2139 = tpu.memref_squeeze %dma_wait3A_2138 : memref<1x128xi32, #tpu.memory_space<vmem>> -> memref<128xi32, #tpu.memory_space<vmem>>
    %dma_wait3A_2140 = arith.constant 0 : i32
    %dma_wait3A_2141 = tpu.memref_slice %arg2[%dma_wait3A_2140] : memref<163840000xf32, #tpu.memory_space<hbm>> -> memref<163840000xf32, #tpu.memory_space<hbm>>
    tpu.wait_indirect_dma semaphore(%arg26 : memref<!tpu.dma_semaphore, #tpu.memory_space<semaphore_mem>>) src(%dma_wait3A_2141 : memref<163840000xf32, #tpu.memory_space<hbm>>) dst(%dma_wait3A_2136 : memref<128xf32, #tpu.memory_space<vmem>>)
    %get3A_2142 = arith.constant 384 : index
    %get3A_2143 = tpu.vector_load %arg8[%get3A_2142] {strides = array<i32>} : memref<1024xf32, #tpu.memory_space<vmem>>, vector<16xf32>,
    %get3A_2144 = vector.shape_cast %get3A_2143 : vector<16xf32> to vector<16xf32>
    %get3A_2145 = arith.constant 384 : index
    %get3A_2146 = tpu.vector_load %arg9[%get3A_2145] {strides = array<i32>} : memref<1024xf32, #tpu.memory_space<vmem>>, vector<16xf32>,
    %get3A_2147 = vector.shape_cast %get3A_2146 : vector<16xf32> to vector<16xf32>
    %mul3A_2148 = arith.mulf %get3A_2144, %get3A_2147 : vector<16xf32>
    %add3A_2149 = arith.addf %add3A_2125, %mul3A_2148 : vector<16xf32>
    %get3A_2150 = arith.constant 400 : index
    %get3A_2151 = tpu.vector_load %arg8[%get3A_2150] {strides = array<i32>} : memref<1024xf32, #tpu.memory_space<vmem>>, vector<16xf32>,
    %get3A_2152 = vector.shape_cast %get3A_2151 : vector<16xf32> to vector<16xf32>
    %get3A_2153 = arith.constant 400 : index
    %get3A_2154 = tpu.vector_load %arg9[%get3A_2153] {strides = array<i32>} : memref<1024xf32, #tpu.memory_space<vmem>>, vector<16xf32>,
    %get3A_2155 = vector.shape_cast %get3A_2154 : vector<16xf32> to vector<16xf32>
    %mul3A_2156 = arith.mulf %get3A_2152, %get3A_2155 : vector<16xf32>
    %add3A_2157 = arith.addf %add3A_2133, %mul3A_2156 : vector<16xf32>
    %get3A_2158 = arith.constant 416 : index
    %get3A_2159 = tpu.vector_load %arg8[%get3A_2158] {strides = array<i32>} : memref<1024xf32, #tpu.memory_space<vmem>>, vector<16xf32>,
    %get3A_2160 = vector.shape_cast %get3A_2159 : vector<16xf32> to vector<16xf32>
    %get3A_2161 = arith.constant 416 : index
    %get3A_2162 = tpu.vector_load %arg9[%get3A_2161] {strides = array<i32>} : memref<1024xf32, #tpu.memory_space<vmem>>, vector<16xf32>,
    %get3A_2163 = vector.shape_cast %get3A_2162 : vector<16xf32> to vector<16xf32>
    %mul3A_2164 = arith.mulf %get3A_2160, %get3A_2163 : vector<16xf32>
    %add3A_2165 = arith.addf %add3A_2149, %mul3A_2164 : vector<16xf32>
    %get3A_2166 = arith.constant 432 : index
    %get3A_2167 = tpu.vector_load %arg8[%get3A_2166] {strides = array<i32>} : memref<1024xf32, #tpu.memory_space<vmem>>, vector<16xf32>,
    %get3A_2168 = vector.shape_cast %get3A_2167 : vector<16xf32> to vector<16xf32>
    %get3A_2169 = arith.constant 432 : index
    %get3A_2170 = tpu.vector_load %arg9[%get3A_2169] {strides = array<i32>} : memref<1024xf32, #tpu.memory_space<vmem>>, vector<16xf32>,
    %get3A_2171 = vector.shape_cast %get3A_2170 : vector<16xf32> to vector<16xf32>
    %mul3A_2172 = arith.mulf %get3A_2168, %get3A_2171 : vector<16xf32>
    %add3A_2173 = arith.addf %add3A_2157, %mul3A_2172 : vector<16xf32>
    %get3A_2174 = arith.constant 448 : index
    %get3A_2175 = tpu.vector_load %arg8[%get3A_2174] {strides = array<i32>} : memref<1024xf32, #tpu.memory_space<vmem>>, vector<16xf32>,
    %get3A_2176 = vector.shape_cast %get3A_2175 : vector<16xf32> to vector<16xf32>
    %get3A_2177 = arith.constant 448 : index
    %get3A_2178 = tpu.vector_load %arg9[%get3A_2177] {strides = array<i32>} : memref<1024xf32, #tpu.memory_space<vmem>>, vector<16xf32>,
    %get3A_2179 = vector.shape_cast %get3A_2178 : vector<16xf32> to vector<16xf32>
    %mul3A_2180 = arith.mulf %get3A_2176, %get3A_2179 : vector<16xf32>
    %add3A_2181 = arith.addf %add3A_2165, %mul3A_2180 : vector<16xf32>
    %get3A_2182 = arith.constant 464 : index
    %get3A_2183 = tpu.vector_load %arg8[%get3A_2182] {strides = array<i32>} : memref<1024xf32, #tpu.memory_space<vmem>>, vector<16xf32>,
    %get3A_2184 = vector.shape_cast %get3A_2183 : vector<16xf32> to vector<16xf32>
    %get3A_2185 = arith.constant 464 : index
    %get3A_2186 = tpu.vector_load %arg9[%get3A_2185] {strides = array<i32>} : memref<1024xf32, #tpu.memory_space<vmem>>, vector<16xf32>,
    %get3A_2187 = vector.shape_cast %get3A_2186 : vector<16xf32> to vector<16xf32>
    %mul3A_2188 = arith.mulf %get3A_2184, %get3A_2187 : vector<16xf32>
    %add3A_2189 = arith.addf %add3A_2173, %mul3A_2188 : vector<16xf32>
    %get3A_2190 = arith.constant 480 : index
    %get3A_2191 = tpu.vector_load %arg8[%get3A_2190] {strides = array<i32>} : memref<1024xf32, #tpu.memory_space<vmem>>, vector<16xf32>,
    %get3A_2192 = vector.shape_cast %get3A_2191 : vector<16xf32> to vector<16xf32>
    %get3A_2193 = arith.constant 480 : index
    %get3A_2194 = tpu.vector_load %arg9[%get3A_2193] {strides = array<i32>} : memref<1024xf32, #tpu.memory_space<vmem>>, vector<16xf32>,
    %get3A_2195 = vector.shape_cast %get3A_2194 : vector<16xf32> to vector<16xf32>
    %mul3A_2196 = arith.mulf %get3A_2192, %get3A_2195 : vector<16xf32>
    %add3A_2197 = arith.addf %add3A_2181, %mul3A_2196 : vector<16xf32>
    %get3A_2198 = arith.constant 496 : index
    %get3A_2199 = tpu.vector_load %arg8[%get3A_2198] {strides = array<i32>} : memref<1024xf32, #tpu.memory_space<vmem>>, vector<16xf32>,
    %get3A_2200 = vector.shape_cast %get3A_2199 : vector<16xf32> to vector<16xf32>
    %get3A_2201 = arith.constant 496 : index
    %get3A_2202 = tpu.vector_load %arg9[%get3A_2201] {strides = array<i32>} : memref<1024xf32, #tpu.memory_space<vmem>>, vector<16xf32>,
    %get3A_2203 = vector.shape_cast %get3A_2202 : vector<16xf32> to vector<16xf32>
    %mul3A_2204 = arith.mulf %get3A_2200, %get3A_2203 : vector<16xf32>
    %add3A_2205 = arith.addf %add3A_2189, %mul3A_2204 : vector<16xf32>
    %dma_wait3A_2206 = arith.constant 4 : i32
    %dma_wait3A_2207 = arith.constant 512 : i32
    %dma_wait3A_2208 = tpu.memref_slice %arg8[%dma_wait3A_2207] : memref<1024xf32, #tpu.memory_space<vmem>> -> memref<128xf32, #tpu.memory_space<vmem>>
    %dma_wait3A_2209 = arith.constant 0 : i32
    %dma_wait3A_2210 = tpu.memref_slice %arg7[%dma_wait3A_2206, %dma_wait3A_2209] : memref<8x128xi32, #tpu.memory_space<vmem>> -> memref<1x128xi32, #tpu.memory_space<vmem>>
    %dma_wait3A_2211 = tpu.memref_squeeze %dma_wait3A_2210 : memref<1x128xi32, #tpu.memory_space<vmem>> -> memref<128xi32, #tpu.memory_space<vmem>>
    %dma_wait3A_2212 = arith.constant 0 : i32
    %dma_wait3A_2213 = tpu.memref_slice %arg2[%dma_wait3A_2212] : memref<163840000xf32, #tpu.memory_space<hbm>> -> memref<163840000xf32, #tpu.memory_space<hbm>>
    tpu.wait_indirect_dma semaphore(%arg27 : memref<!tpu.dma_semaphore, #tpu.memory_space<semaphore_mem>>) src(%dma_wait3A_2213 : memref<163840000xf32, #tpu.memory_space<hbm>>) dst(%dma_wait3A_2208 : memref<128xf32, #tpu.memory_space<vmem>>)
    %get3A_2214 = arith.constant 512 : index
    %get3A_2215 = tpu.vector_load %arg8[%get3A_2214] {strides = array<i32>} : memref<1024xf32, #tpu.memory_space<vmem>>, vector<16xf32>,
    %get3A_2216 = vector.shape_cast %get3A_2215 : vector<16xf32> to vector<16xf32>
    %get3A_2217 = arith.constant 512 : index
    %get3A_2218 = tpu.vector_load %arg9[%get3A_2217] {strides = array<i32>} : memref<1024xf32, #tpu.memory_space<vmem>>, vector<16xf32>,
    %get3A_2219 = vector.shape_cast %get3A_2218 : vector<16xf32> to vector<16xf32>
    %mul3A_2220 = arith.mulf %get3A_2216, %get3A_2219 : vector<16xf32>
    %add3A_2221 = arith.addf %add3A_2197, %mul3A_2220 : vector<16xf32>
    %get3A_2222 = arith.constant 528 : index
    %get3A_2223 = tpu.vector_load %arg8[%get3A_2222] {strides = array<i32>} : memref<1024xf32, #tpu.memory_space<vmem>>, vector<16xf32>,
    %get3A_2224 = vector.shape_cast %get3A_2223 : vector<16xf32> to vector<16xf32>
    %get3A_2225 = arith.constant 528 : index
    %get3A_2226 = tpu.vector_load %arg9[%get3A_2225] {strides = array<i32>} : memref<1024xf32, #tpu.memory_space<vmem>>, vector<16xf32>,
    %get3A_2227 = vector.shape_cast %get3A_2226 : vector<16xf32> to vector<16xf32>
    %mul3A_2228 = arith.mulf %get3A_2224, %get3A_2227 : vector<16xf32>
    %add3A_2229 = arith.addf %add3A_2205, %mul3A_2228 : vector<16xf32>
    %get3A_2230 = arith.constant 544 : index
    %get3A_2231 = tpu.vector_load %arg8[%get3A_2230] {strides = array<i32>} : memref<1024xf32, #tpu.memory_space<vmem>>, vector<16xf32>,
    %get3A_2232 = vector.shape_cast %get3A_2231 : vector<16xf32> to vector<16xf32>
    %get3A_2233 = arith.constant 544 : index
    %get3A_2234 = tpu.vector_load %arg9[%get3A_2233] {strides = array<i32>} : memref<1024xf32, #tpu.memory_space<vmem>>, vector<16xf32>,
    %get3A_2235 = vector.shape_cast %get3A_2234 : vector<16xf32> to vector<16xf32>
    %mul3A_2236 = arith.mulf %get3A_2232, %get3A_2235 : vector<16xf32>
    %add3A_2237 = arith.addf %add3A_2221, %mul3A_2236 : vector<16xf32>
    %get3A_2238 = arith.constant 560 : index
    %get3A_2239 = tpu.vector_load %arg8[%get3A_2238] {strides = array<i32>} : memref<1024xf32, #tpu.memory_space<vmem>>, vector<16xf32>,
    %get3A_2240 = vector.shape_cast %get3A_2239 : vector<16xf32> to vector<16xf32>
    %get3A_2241 = arith.constant 560 : index
    %get3A_2242 = tpu.vector_load %arg9[%get3A_2241] {strides = array<i32>} : memref<1024xf32, #tpu.memory_space<vmem>>, vector<16xf32>,
    %get3A_2243 = vector.shape_cast %get3A_2242 : vector<16xf32> to vector<16xf32>
    %mul3A_2244 = arith.mulf %get3A_2240, %get3A_2243 : vector<16xf32>
    %add3A_2245 = arith.addf %add3A_2229, %mul3A_2244 : vector<16xf32>
    %get3A_2246 = arith.constant 576 : index
    %get3A_2247 = tpu.vector_load %arg8[%get3A_2246] {strides = array<i32>} : memref<1024xf32, #tpu.memory_space<vmem>>, vector<16xf32>,
    %get3A_2248 = vector.shape_cast %get3A_2247 : vector<16xf32> to vector<16xf32>
    %get3A_2249 = arith.constant 576 : index
    %get3A_2250 = tpu.vector_load %arg9[%get3A_2249] {strides = array<i32>} : memref<1024xf32, #tpu.memory_space<vmem>>, vector<16xf32>,
    %get3A_2251 = vector.shape_cast %get3A_2250 : vector<16xf32> to vector<16xf32>
    %mul3A_2252 = arith.mulf %get3A_2248, %get3A_2251 : vector<16xf32>
    %add3A_2253 = arith.addf %add3A_2237, %mul3A_2252 : vector<16xf32>
    %get3A_2254 = arith.constant 592 : index
    %get3A_2255 = tpu.vector_load %arg8[%get3A_2254] {strides = array<i32>} : memref<1024xf32, #tpu.memory_space<vmem>>, vector<16xf32>,
    %get3A_2256 = vector.shape_cast %get3A_2255 : vector<16xf32> to vector<16xf32>
    %get3A_2257 = arith.constant 592 : index
    %get3A_2258 = tpu.vector_load %arg9[%get3A_2257] {strides = array<i32>} : memref<1024xf32, #tpu.memory_space<vmem>>, vector<16xf32>,
    %get3A_2259 = vector.shape_cast %get3A_2258 : vector<16xf32> to vector<16xf32>
    %mul3A_2260 = arith.mulf %get3A_2256, %get3A_2259 : vector<16xf32>
    %add3A_2261 = arith.addf %add3A_2245, %mul3A_2260 : vector<16xf32>
    %get3A_2262 = arith.constant 608 : index
    %get3A_2263 = tpu.vector_load %arg8[%get3A_2262] {strides = array<i32>} : memref<1024xf32, #tpu.memory_space<vmem>>, vector<16xf32>,
    %get3A_2264 = vector.shape_cast %get3A_2263 : vector<16xf32> to vector<16xf32>
    %get3A_2265 = arith.constant 608 : index
    %get3A_2266 = tpu.vector_load %arg9[%get3A_2265] {strides = array<i32>} : memref<1024xf32, #tpu.memory_space<vmem>>, vector<16xf32>,
    %get3A_2267 = vector.shape_cast %get3A_2266 : vector<16xf32> to vector<16xf32>
    %mul3A_2268 = arith.mulf %get3A_2264, %get3A_2267 : vector<16xf32>
    %add3A_2269 = arith.addf %add3A_2253, %mul3A_2268 : vector<16xf32>
    %get3A_2270 = arith.constant 624 : index
    %get3A_2271 = tpu.vector_load %arg8[%get3A_2270] {strides = array<i32>} : memref<1024xf32, #tpu.memory_space<vmem>>, vector<16xf32>,
    %get3A_2272 = vector.shape_cast %get3A_2271 : vector<16xf32> to vector<16xf32>
    %get3A_2273 = arith.constant 624 : index
    %get3A_2274 = tpu.vector_load %arg9[%get3A_2273] {strides = array<i32>} : memref<1024xf32, #tpu.memory_space<vmem>>, vector<16xf32>,
    %get3A_2275 = vector.shape_cast %get3A_2274 : vector<16xf32> to vector<16xf32>
    %mul3A_2276 = arith.mulf %get3A_2272, %get3A_2275 : vector<16xf32>
    %add3A_2277 = arith.addf %add3A_2261, %mul3A_2276 : vector<16xf32>
    %dma_wait3A_2278 = arith.constant 5 : i32
    %dma_wait3A_2279 = arith.constant 640 : i32
    %dma_wait3A_2280 = tpu.memref_slice %arg8[%dma_wait3A_2279] : memref<1024xf32, #tpu.memory_space<vmem>> -> memref<128xf32, #tpu.memory_space<vmem>>
    %dma_wait3A_2281 = arith.constant 0 : i32
    %dma_wait3A_2282 = tpu.memref_slice %arg7[%dma_wait3A_2278, %dma_wait3A_2281] : memref<8x128xi32, #tpu.memory_space<vmem>> -> memref<1x128xi32, #tpu.memory_space<vmem>>
    %dma_wait3A_2283 = tpu.memref_squeeze %dma_wait3A_2282 : memref<1x128xi32, #tpu.memory_space<vmem>> -> memref<128xi32, #tpu.memory_space<vmem>>
    %dma_wait3A_2284 = arith.constant 0 : i32
    %dma_wait3A_2285 = tpu.memref_slice %arg2[%dma_wait3A_2284] : memref<163840000xf32, #tpu.memory_space<hbm>> -> memref<163840000xf32, #tpu.memory_space<hbm>>
    tpu.wait_indirect_dma semaphore(%arg28 : memref<!tpu.dma_semaphore, #tpu.memory_space<semaphore_mem>>) src(%dma_wait3A_2285 : memref<163840000xf32, #tpu.memory_space<hbm>>) dst(%dma_wait3A_2280 : memref<128xf32, #tpu.memory_space<vmem>>)
    %get3A_2286 = arith.constant 640 : index
    %get3A_2287 = tpu.vector_load %arg8[%get3A_2286] {strides = array<i32>} : memref<1024xf32, #tpu.memory_space<vmem>>, vector<16xf32>,
    %get3A_2288 = vector.shape_cast %get3A_2287 : vector<16xf32> to vector<16xf32>
    %get3A_2289 = arith.constant 640 : index
    %get3A_2290 = tpu.vector_load %arg9[%get3A_2289] {strides = array<i32>} : memref<1024xf32, #tpu.memory_space<vmem>>, vector<16xf32>,
    %get3A_2291 = vector.shape_cast %get3A_2290 : vector<16xf32> to vector<16xf32>
    %mul3A_2292 = arith.mulf %get3A_2288, %get3A_2291 : vector<16xf32>
    %add3A_2293 = arith.addf %add3A_2269, %mul3A_2292 : vector<16xf32>
    %get3A_2294 = arith.constant 656 : index
    %get3A_2295 = tpu.vector_load %arg8[%get3A_2294] {strides = array<i32>} : memref<1024xf32, #tpu.memory_space<vmem>>, vector<16xf32>,
    %get3A_2296 = vector.shape_cast %get3A_2295 : vector<16xf32> to vector<16xf32>
    %get3A_2297 = arith.constant 656 : index
    %get3A_2298 = tpu.vector_load %arg9[%get3A_2297] {strides = array<i32>} : memref<1024xf32, #tpu.memory_space<vmem>>, vector<16xf32>,
    %get3A_2299 = vector.shape_cast %get3A_2298 : vector<16xf32> to vector<16xf32>
    %mul3A_2300 = arith.mulf %get3A_2296, %get3A_2299 : vector<16xf32>
    %add3A_2301 = arith.addf %add3A_2277, %mul3A_2300 : vector<16xf32>
    %get3A_2302 = arith.constant 672 : index
    %get3A_2303 = tpu.vector_load %arg8[%get3A_2302] {strides = array<i32>} : memref<1024xf32, #tpu.memory_space<vmem>>, vector<16xf32>,
    %get3A_2304 = vector.shape_cast %get3A_2303 : vector<16xf32> to vector<16xf32>
    %get3A_2305 = arith.constant 672 : index
    %get3A_2306 = tpu.vector_load %arg9[%get3A_2305] {strides = array<i32>} : memref<1024xf32, #tpu.memory_space<vmem>>, vector<16xf32>,
    %get3A_2307 = vector.shape_cast %get3A_2306 : vector<16xf32> to vector<16xf32>
    %mul3A_2308 = arith.mulf %get3A_2304, %get3A_2307 : vector<16xf32>
    %add3A_2309 = arith.addf %add3A_2293, %mul3A_2308 : vector<16xf32>
    %get3A_2310 = arith.constant 688 : index
    %get3A_2311 = tpu.vector_load %arg8[%get3A_2310] {strides = array<i32>} : memref<1024xf32, #tpu.memory_space<vmem>>, vector<16xf32>,
    %get3A_2312 = vector.shape_cast %get3A_2311 : vector<16xf32> to vector<16xf32>
    %get3A_2313 = arith.constant 688 : index
    %get3A_2314 = tpu.vector_load %arg9[%get3A_2313] {strides = array<i32>} : memref<1024xf32, #tpu.memory_space<vmem>>, vector<16xf32>,
    %get3A_2315 = vector.shape_cast %get3A_2314 : vector<16xf32> to vector<16xf32>
    %mul3A_2316 = arith.mulf %get3A_2312, %get3A_2315 : vector<16xf32>
    %add3A_2317 = arith.addf %add3A_2301, %mul3A_2316 : vector<16xf32>
    %get3A_2318 = arith.constant 704 : index
    %get3A_2319 = tpu.vector_load %arg8[%get3A_2318] {strides = array<i32>} : memref<1024xf32, #tpu.memory_space<vmem>>, vector<16xf32>,
    %get3A_2320 = vector.shape_cast %get3A_2319 : vector<16xf32> to vector<16xf32>
    %get3A_2321 = arith.constant 704 : index
    %get3A_2322 = tpu.vector_load %arg9[%get3A_2321] {strides = array<i32>} : memref<1024xf32, #tpu.memory_space<vmem>>, vector<16xf32>,
    %get3A_2323 = vector.shape_cast %get3A_2322 : vector<16xf32> to vector<16xf32>
    %mul3A_2324 = arith.mulf %get3A_2320, %get3A_2323 : vector<16xf32>
    %add3A_2325 = arith.addf %add3A_2309, %mul3A_2324 : vector<16xf32>
    %get3A_2326 = arith.constant 720 : index
    %get3A_2327 = tpu.vector_load %arg8[%get3A_2326] {strides = array<i32>} : memref<1024xf32, #tpu.memory_space<vmem>>, vector<16xf32>,
    %get3A_2328 = vector.shape_cast %get3A_2327 : vector<16xf32> to vector<16xf32>
    %get3A_2329 = arith.constant 720 : index
    %get3A_2330 = tpu.vector_load %arg9[%get3A_2329] {strides = array<i32>} : memref<1024xf32, #tpu.memory_space<vmem>>, vector<16xf32>,
    %get3A_2331 = vector.shape_cast %get3A_2330 : vector<16xf32> to vector<16xf32>
    %mul3A_2332 = arith.mulf %get3A_2328, %get3A_2331 : vector<16xf32>
    %add3A_2333 = arith.addf %add3A_2317, %mul3A_2332 : vector<16xf32>
    %get3A_2334 = arith.constant 736 : index
    %get3A_2335 = tpu.vector_load %arg8[%get3A_2334] {strides = array<i32>} : memref<1024xf32, #tpu.memory_space<vmem>>, vector<16xf32>,
    %get3A_2336 = vector.shape_cast %get3A_2335 : vector<16xf32> to vector<16xf32>
    %get3A_2337 = arith.constant 736 : index
    %get3A_2338 = tpu.vector_load %arg9[%get3A_2337] {strides = array<i32>} : memref<1024xf32, #tpu.memory_space<vmem>>, vector<16xf32>,
    %get3A_2339 = vector.shape_cast %get3A_2338 : vector<16xf32> to vector<16xf32>
    %mul3A_2340 = arith.mulf %get3A_2336, %get3A_2339 : vector<16xf32>
    %add3A_2341 = arith.addf %add3A_2325, %mul3A_2340 : vector<16xf32>
    %get3A_2342 = arith.constant 752 : index
    %get3A_2343 = tpu.vector_load %arg8[%get3A_2342] {strides = array<i32>} : memref<1024xf32, #tpu.memory_space<vmem>>, vector<16xf32>,
    %get3A_2344 = vector.shape_cast %get3A_2343 : vector<16xf32> to vector<16xf32>
    %get3A_2345 = arith.constant 752 : index
    %get3A_2346 = tpu.vector_load %arg9[%get3A_2345] {strides = array<i32>} : memref<1024xf32, #tpu.memory_space<vmem>>, vector<16xf32>,
    %get3A_2347 = vector.shape_cast %get3A_2346 : vector<16xf32> to vector<16xf32>
    %mul3A_2348 = arith.mulf %get3A_2344, %get3A_2347 : vector<16xf32>
    %add3A_2349 = arith.addf %add3A_2333, %mul3A_2348 : vector<16xf32>
    %dma_wait3A_2350 = arith.constant 6 : i32
    %dma_wait3A_2351 = arith.constant 768 : i32
    %dma_wait3A_2352 = tpu.memref_slice %arg8[%dma_wait3A_2351] : memref<1024xf32, #tpu.memory_space<vmem>> -> memref<128xf32, #tpu.memory_space<vmem>>
    %dma_wait3A_2353 = arith.constant 0 : i32
    %dma_wait3A_2354 = tpu.memref_slice %arg7[%dma_wait3A_2350, %dma_wait3A_2353] : memref<8x128xi32, #tpu.memory_space<vmem>> -> memref<1x128xi32, #tpu.memory_space<vmem>>
    %dma_wait3A_2355 = tpu.memref_squeeze %dma_wait3A_2354 : memref<1x128xi32, #tpu.memory_space<vmem>> -> memref<128xi32, #tpu.memory_space<vmem>>
    %dma_wait3A_2356 = arith.constant 0 : i32
    %dma_wait3A_2357 = tpu.memref_slice %arg2[%dma_wait3A_2356] : memref<163840000xf32, #tpu.memory_space<hbm>> -> memref<163840000xf32, #tpu.memory_space<hbm>>
    tpu.wait_indirect_dma semaphore(%arg29 : memref<!tpu.dma_semaphore, #tpu.memory_space<semaphore_mem>>) src(%dma_wait3A_2357 : memref<163840000xf32, #tpu.memory_space<hbm>>) dst(%dma_wait3A_2352 : memref<128xf32, #tpu.memory_space<vmem>>)
    %get3A_2358 = arith.constant 768 : index
    %get3A_2359 = tpu.vector_load %arg8[%get3A_2358] {strides = array<i32>} : memref<1024xf32, #tpu.memory_space<vmem>>, vector<16xf32>,
    %get3A_2360 = vector.shape_cast %get3A_2359 : vector<16xf32> to vector<16xf32>
    %get3A_2361 = arith.constant 768 : index
    %get3A_2362 = tpu.vector_load %arg9[%get3A_2361] {strides = array<i32>} : memref<1024xf32, #tpu.memory_space<vmem>>, vector<16xf32>,
    %get3A_2363 = vector.shape_cast %get3A_2362 : vector<16xf32> to vector<16xf32>
    %mul3A_2364 = arith.mulf %get3A_2360, %get3A_2363 : vector<16xf32>
    %add3A_2365 = arith.addf %add3A_2341, %mul3A_2364 : vector<16xf32>
    %get3A_2366 = arith.constant 784 : index
    %get3A_2367 = tpu.vector_load %arg8[%get3A_2366] {strides = array<i32>} : memref<1024xf32, #tpu.memory_space<vmem>>, vector<16xf32>,
    %get3A_2368 = vector.shape_cast %get3A_2367 : vector<16xf32> to vector<16xf32>
    %get3A_2369 = arith.constant 784 : index
    %get3A_2370 = tpu.vector_load %arg9[%get3A_2369] {strides = array<i32>} : memref<1024xf32, #tpu.memory_space<vmem>>, vector<16xf32>,
    %get3A_2371 = vector.shape_cast %get3A_2370 : vector<16xf32> to vector<16xf32>
    %mul3A_2372 = arith.mulf %get3A_2368, %get3A_2371 : vector<16xf32>
    %add3A_2373 = arith.addf %add3A_2349, %mul3A_2372 : vector<16xf32>
    %get3A_2374 = arith.constant 800 : index
    %get3A_2375 = tpu.vector_load %arg8[%get3A_2374] {strides = array<i32>} : memref<1024xf32, #tpu.memory_space<vmem>>, vector<16xf32>,
    %get3A_2376 = vector.shape_cast %get3A_2375 : vector<16xf32> to vector<16xf32>
    %get3A_2377 = arith.constant 800 : index
    %get3A_2378 = tpu.vector_load %arg9[%get3A_2377] {strides = array<i32>} : memref<1024xf32, #tpu.memory_space<vmem>>, vector<16xf32>,
    %get3A_2379 = vector.shape_cast %get3A_2378 : vector<16xf32> to vector<16xf32>
    %mul3A_2380 = arith.mulf %get3A_2376, %get3A_2379 : vector<16xf32>
    %add3A_2381 = arith.addf %add3A_2365, %mul3A_2380 : vector<16xf32>
    %get3A_2382 = arith.constant 816 : index
    %get3A_2383 = tpu.vector_load %arg8[%get3A_2382] {strides = array<i32>} : memref<1024xf32, #tpu.memory_space<vmem>>, vector<16xf32>,
    %get3A_2384 = vector.shape_cast %get3A_2383 : vector<16xf32> to vector<16xf32>
    %get3A_2385 = arith.constant 816 : index
    %get3A_2386 = tpu.vector_load %arg9[%get3A_2385] {strides = array<i32>} : memref<1024xf32, #tpu.memory_space<vmem>>, vector<16xf32>,
    %get3A_2387 = vector.shape_cast %get3A_2386 : vector<16xf32> to vector<16xf32>
    %mul3A_2388 = arith.mulf %get3A_2384, %get3A_2387 : vector<16xf32>
    %add3A_2389 = arith.addf %add3A_2373, %mul3A_2388 : vector<16xf32>
    %get3A_2390 = arith.constant 832 : index
    %get3A_2391 = tpu.vector_load %arg8[%get3A_2390] {strides = array<i32>} : memref<1024xf32, #tpu.memory_space<vmem>>, vector<16xf32>,
    %get3A_2392 = vector.shape_cast %get3A_2391 : vector<16xf32> to vector<16xf32>
    %get3A_2393 = arith.constant 832 : index
    %get3A_2394 = tpu.vector_load %arg9[%get3A_2393] {strides = array<i32>} : memref<1024xf32, #tpu.memory_space<vmem>>, vector<16xf32>,
    %get3A_2395 = vector.shape_cast %get3A_2394 : vector<16xf32> to vector<16xf32>
    %mul3A_2396 = arith.mulf %get3A_2392, %get3A_2395 : vector<16xf32>
    %add3A_2397 = arith.addf %add3A_2381, %mul3A_2396 : vector<16xf32>
    %get3A_2398 = arith.constant 848 : index
    %get3A_2399 = tpu.vector_load %arg8[%get3A_2398] {strides = array<i32>} : memref<1024xf32, #tpu.memory_space<vmem>>, vector<16xf32>,
    %get3A_2400 = vector.shape_cast %get3A_2399 : vector<16xf32> to vector<16xf32>
    %get3A_2401 = arith.constant 848 : index
    %get3A_2402 = tpu.vector_load %arg9[%get3A_2401] {strides = array<i32>} : memref<1024xf32, #tpu.memory_space<vmem>>, vector<16xf32>,
    %get3A_2403 = vector.shape_cast %get3A_2402 : vector<16xf32> to vector<16xf32>
    %mul3A_2404 = arith.mulf %get3A_2400, %get3A_2403 : vector<16xf32>
    %add3A_2405 = arith.addf %add3A_2389, %mul3A_2404 : vector<16xf32>
    %get3A_2406 = arith.constant 864 : index
    %get3A_2407 = tpu.vector_load %arg8[%get3A_2406] {strides = array<i32>} : memref<1024xf32, #tpu.memory_space<vmem>>, vector<16xf32>,
    %get3A_2408 = vector.shape_cast %get3A_2407 : vector<16xf32> to vector<16xf32>
    %get3A_2409 = arith.constant 864 : index
    %get3A_2410 = tpu.vector_load %arg9[%get3A_2409] {strides = array<i32>} : memref<1024xf32, #tpu.memory_space<vmem>>, vector<16xf32>,
    %get3A_2411 = vector.shape_cast %get3A_2410 : vector<16xf32> to vector<16xf32>
    %mul3A_2412 = arith.mulf %get3A_2408, %get3A_2411 : vector<16xf32>
    %add3A_2413 = arith.addf %add3A_2397, %mul3A_2412 : vector<16xf32>
    %get3A_2414 = arith.constant 880 : index
    %get3A_2415 = tpu.vector_load %arg8[%get3A_2414] {strides = array<i32>} : memref<1024xf32, #tpu.memory_space<vmem>>, vector<16xf32>,
    %get3A_2416 = vector.shape_cast %get3A_2415 : vector<16xf32> to vector<16xf32>
    %get3A_2417 = arith.constant 880 : index
    %get3A_2418 = tpu.vector_load %arg9[%get3A_2417] {strides = array<i32>} : memref<1024xf32, #tpu.memory_space<vmem>>, vector<16xf32>,
    %get3A_2419 = vector.shape_cast %get3A_2418 : vector<16xf32> to vector<16xf32>
    %mul3A_2420 = arith.mulf %get3A_2416, %get3A_2419 : vector<16xf32>
    %add3A_2421 = arith.addf %add3A_2405, %mul3A_2420 : vector<16xf32>
    %dma_wait3A_2422 = arith.constant 7 : i32
    %dma_wait3A_2423 = arith.constant 896 : i32
    %dma_wait3A_2424 = tpu.memref_slice %arg8[%dma_wait3A_2423] : memref<1024xf32, #tpu.memory_space<vmem>> -> memref<128xf32, #tpu.memory_space<vmem>>
    %dma_wait3A_2425 = arith.constant 0 : i32
    %dma_wait3A_2426 = tpu.memref_slice %arg7[%dma_wait3A_2422, %dma_wait3A_2425] : memref<8x128xi32, #tpu.memory_space<vmem>> -> memref<1x128xi32, #tpu.memory_space<vmem>>
    %dma_wait3A_2427 = tpu.memref_squeeze %dma_wait3A_2426 : memref<1x128xi32, #tpu.memory_space<vmem>> -> memref<128xi32, #tpu.memory_space<vmem>>
    %dma_wait3A_2428 = arith.constant 0 : i32
    %dma_wait3A_2429 = tpu.memref_slice %arg2[%dma_wait3A_2428] : memref<163840000xf32, #tpu.memory_space<hbm>> -> memref<163840000xf32, #tpu.memory_space<hbm>>
    tpu.wait_indirect_dma semaphore(%arg30 : memref<!tpu.dma_semaphore, #tpu.memory_space<semaphore_mem>>) src(%dma_wait3A_2429 : memref<163840000xf32, #tpu.memory_space<hbm>>) dst(%dma_wait3A_2424 : memref<128xf32, #tpu.memory_space<vmem>>)
    %get3A_2430 = arith.constant 896 : index
    %get3A_2431 = tpu.vector_load %arg8[%get3A_2430] {strides = array<i32>} : memref<1024xf32, #tpu.memory_space<vmem>>, vector<16xf32>,
    %get3A_2432 = vector.shape_cast %get3A_2431 : vector<16xf32> to vector<16xf32>
    %get3A_2433 = arith.constant 896 : index
    %get3A_2434 = tpu.vector_load %arg9[%get3A_2433] {strides = array<i32>} : memref<1024xf32, #tpu.memory_space<vmem>>, vector<16xf32>,
    %get3A_2435 = vector.shape_cast %get3A_2434 : vector<16xf32> to vector<16xf32>
    %mul3A_2436 = arith.mulf %get3A_2432, %get3A_2435 : vector<16xf32>
    %add3A_2437 = arith.addf %add3A_2413, %mul3A_2436 : vector<16xf32>
    %get3A_2438 = arith.constant 912 : index
    %get3A_2439 = tpu.vector_load %arg8[%get3A_2438] {strides = array<i32>} : memref<1024xf32, #tpu.memory_space<vmem>>, vector<16xf32>,
    %get3A_2440 = vector.shape_cast %get3A_2439 : vector<16xf32> to vector<16xf32>
    %get3A_2441 = arith.constant 912 : index
    %get3A_2442 = tpu.vector_load %arg9[%get3A_2441] {strides = array<i32>} : memref<1024xf32, #tpu.memory_space<vmem>>, vector<16xf32>,
    %get3A_2443 = vector.shape_cast %get3A_2442 : vector<16xf32> to vector<16xf32>
    %mul3A_2444 = arith.mulf %get3A_2440, %get3A_2443 : vector<16xf32>
    %add3A_2445 = arith.addf %add3A_2421, %mul3A_2444 : vector<16xf32>
    %get3A_2446 = arith.constant 928 : index
    %get3A_2447 = tpu.vector_load %arg8[%get3A_2446] {strides = array<i32>} : memref<1024xf32, #tpu.memory_space<vmem>>, vector<16xf32>,
    %get3A_2448 = vector.shape_cast %get3A_2447 : vector<16xf32> to vector<16xf32>
    %get3A_2449 = arith.constant 928 : index
    %get3A_2450 = tpu.vector_load %arg9[%get3A_2449] {strides = array<i32>} : memref<1024xf32, #tpu.memory_space<vmem>>, vector<16xf32>,
    %get3A_2451 = vector.shape_cast %get3A_2450 : vector<16xf32> to vector<16xf32>
    %mul3A_2452 = arith.mulf %get3A_2448, %get3A_2451 : vector<16xf32>
    %add3A_2453 = arith.addf %add3A_2437, %mul3A_2452 : vector<16xf32>
    %get3A_2454 = arith.constant 944 : index
    %get3A_2455 = tpu.vector_load %arg8[%get3A_2454] {strides = array<i32>} : memref<1024xf32, #tpu.memory_space<vmem>>, vector<16xf32>,
    %get3A_2456 = vector.shape_cast %get3A_2455 : vector<16xf32> to vector<16xf32>
    %get3A_2457 = arith.constant 944 : index
    %get3A_2458 = tpu.vector_load %arg9[%get3A_2457] {strides = array<i32>} : memref<1024xf32, #tpu.memory_space<vmem>>, vector<16xf32>,
    %get3A_2459 = vector.shape_cast %get3A_2458 : vector<16xf32> to vector<16xf32>
    %mul3A_2460 = arith.mulf %get3A_2456, %get3A_2459 : vector<16xf32>
    %add3A_2461 = arith.addf %add3A_2445, %mul3A_2460 : vector<16xf32>
    %get3A_2462 = arith.constant 960 : index
    %get3A_2463 = tpu.vector_load %arg8[%get3A_2462] {strides = array<i32>} : memref<1024xf32, #tpu.memory_space<vmem>>, vector<16xf32>,
    %get3A_2464 = vector.shape_cast %get3A_2463 : vector<16xf32> to vector<16xf32>
    %get3A_2465 = arith.constant 960 : index
    %get3A_2466 = tpu.vector_load %arg9[%get3A_2465] {strides = array<i32>} : memref<1024xf32, #tpu.memory_space<vmem>>, vector<16xf32>,
    %get3A_2467 = vector.shape_cast %get3A_2466 : vector<16xf32> to vector<16xf32>
    %mul3A_2468 = arith.mulf %get3A_2464, %get3A_2467 : vector<16xf32>
    %add3A_2469 = arith.addf %add3A_2453, %mul3A_2468 : vector<16xf32>
    %get3A_2470 = arith.constant 976 : index
    %get3A_2471 = tpu.vector_load %arg8[%get3A_2470] {strides = array<i32>} : memref<1024xf32, #tpu.memory_space<vmem>>, vector<16xf32>,
    %get3A_2472 = vector.shape_cast %get3A_2471 : vector<16xf32> to vector<16xf32>
    %get3A_2473 = arith.constant 976 : index
    %get3A_2474 = tpu.vector_load %arg9[%get3A_2473] {strides = array<i32>} : memref<1024xf32, #tpu.memory_space<vmem>>, vector<16xf32>,
    %get3A_2475 = vector.shape_cast %get3A_2474 : vector<16xf32> to vector<16xf32>
    %mul3A_2476 = arith.mulf %get3A_2472, %get3A_2475 : vector<16xf32>
    %add3A_2477 = arith.addf %add3A_2461, %mul3A_2476 : vector<16xf32>
    %get3A_2478 = arith.constant 992 : index
    %get3A_2479 = tpu.vector_load %arg8[%get3A_2478] {strides = array<i32>} : memref<1024xf32, #tpu.memory_space<vmem>>, vector<16xf32>,
    %get3A_2480 = vector.shape_cast %get3A_2479 : vector<16xf32> to vector<16xf32>
    %get3A_2481 = arith.constant 992 : index
    %get3A_2482 = tpu.vector_load %arg9[%get3A_2481] {strides = array<i32>} : memref<1024xf32, #tpu.memory_space<vmem>>, vector<16xf32>,
    %get3A_2483 = vector.shape_cast %get3A_2482 : vector<16xf32> to vector<16xf32>
    %mul3A_2484 = arith.mulf %get3A_2480, %get3A_2483 : vector<16xf32>
    %add3A_2485 = arith.addf %add3A_2469, %mul3A_2484 : vector<16xf32>
    %get3A_2486 = arith.constant 1008 : index
    %get3A_2487 = tpu.vector_load %arg8[%get3A_2486] {strides = array<i32>} : memref<1024xf32, #tpu.memory_space<vmem>>, vector<16xf32>,
    %get3A_2488 = vector.shape_cast %get3A_2487 : vector<16xf32> to vector<16xf32>
    %get3A_2489 = arith.constant 1008 : index
    %get3A_2490 = tpu.vector_load %arg9[%get3A_2489] {strides = array<i32>} : memref<1024xf32, #tpu.memory_space<vmem>>, vector<16xf32>,
    %get3A_2491 = vector.shape_cast %get3A_2490 : vector<16xf32> to vector<16xf32>
    %mul3A_2492 = arith.mulf %get3A_2488, %get3A_2491 : vector<16xf32>
    %add3A_2493 = arith.addf %add3A_2477, %mul3A_2492 : vector<16xf32>
    %add3A_2494 = arith.addf %add3A_2485, %add3A_2493 : vector<16xf32>
    %swap3A_2495 = arith.constant 0 : i32
    %swap3A_2496 = arith.index_cast %swap3A_2495 : i32 to index
    %swap3A_2497 = arith.constant 0 : index
    %swap3A_2498 = tpu.vector_load %arg10[%swap3A_2496, %swap3A_2497] {strides = array<i32>} : memref<1x16xf32, #tpu.memory_space<vmem>>, vector<1x16xf32>,
    %swap3A_2499 = vector.shape_cast %swap3A_2498 : vector<1x16xf32> to vector<16xf32>
    %swap3A_2500 = vector.shape_cast %add3A_2494 : vector<16xf32> to vector<1x16xf32>
    tpu.vector_store %arg10[%swap3A_2496, %swap3A_2497], %swap3A_2500 {strides = array<i32>} : memref<1x16xf32, #tpu.memory_space<vmem>>, vector<1x16xf32>,
    %dma_wait3A_2501 = arith.constant 0 : i32
    %dma_wait3A_2502 = tpu.memref_slice %arg14[%arg1, %dma_wait3A_2501] : memref<16x16xi32, #tpu.memory_space<vmem_shared>> -> memref<1x16xi32, #tpu.memory_space<vmem_shared>>
    %dma_wait3A_2503 = tpu.memref_squeeze %dma_wait3A_2502 : memref<1x16xi32, #tpu.memory_space<vmem_shared>> -> memref<16xi32, #tpu.memory_space<vmem_shared>>
    %dma_wait3A_2504 = arith.constant 0 : i32
    %dma_wait3A_2505 = tpu.memref_slice %dma_wait3A_2503[%dma_wait3A_2504] : memref<16xi32, #tpu.memory_space<vmem_shared>> -> memref<1xi32, #tpu.memory_space<vmem_shared>>
    %dma_wait3A_2506 = arith.constant 0 : i32
    %dma_wait3A_2507 = tpu.memref_slice %arg14[%arg1, %dma_wait3A_2506] : memref<16x16xi32, #tpu.memory_space<vmem_shared>> -> memref<1x16xi32, #tpu.memory_space<vmem_shared>>
    %dma_wait3A_2508 = tpu.memref_squeeze %dma_wait3A_2507 : memref<1x16xi32, #tpu.memory_space<vmem_shared>> -> memref<16xi32, #tpu.memory_space<vmem_shared>>
    %dma_wait3A_2509 = arith.constant 0 : i32
    %dma_wait3A_2510 = tpu.memref_slice %dma_wait3A_2508[%dma_wait3A_2509] : memref<16xi32, #tpu.memory_space<vmem_shared>> -> memref<1xi32, #tpu.memory_space<vmem_shared>>
    tpu.wait_dma2 semaphore(%arg22 : memref<!tpu.dma_semaphore, #tpu.memory_space<semaphore_mem>>) src(%dma_wait3A_2510 : memref<1xi32, #tpu.memory_space<vmem_shared>>) dst(%arg13 : memref<1xi32, #tpu.memory_space<vmem>>)
    %barrier3A = arith.constant 0 : index
    tpu.barrier barrier_id(%barrier3A)
    "tpu.region"() ({
      %run_scoped3A = tpu.sem_alloc : memref<!tpu.dma_semaphore, #tpu.memory_space<semaphore_mem>>
      %dma_start3A_2517 = arith.constant 0 : i32
      %dma_start3A_2518 = arith.constant 0 : i32
      %dma_start3A_2519 = tpu.memref_slice %arg15[%dma_start3A_2517, %dma_start3A_2518] : memref<1x16xf32, #tpu.memory_space<vmem_shared>> -> memref<1x16xf32, #tpu.memory_space<vmem_shared>>
      tpu.enqueue_indirect_dma source(%arg10 : memref<1x16xf32, #tpu.memory_space<vmem>>) target(%dma_start3A_2519 : memref<1x16xf32, #tpu.memory_space<vmem_shared>>) offsets(%arg13 : memref<1xi32, #tpu.memory_space<vmem>>) semaphore(%run_scoped3A : memref<!tpu.dma_semaphore, #tpu.memory_space<semaphore_mem>>) {add = true}
      %dma_wait3A_2520 = arith.constant 0 : i32
      %dma_wait3A_2521 = arith.constant 0 : i32
      %dma_wait3A_2522 = tpu.memref_slice %arg15[%dma_wait3A_2520, %dma_wait3A_2521] : memref<1x16xf32, #tpu.memory_space<vmem_shared>> -> memref<1x16xf32, #tpu.memory_space<vmem_shared>>
      tpu.wait_indirect_dma semaphore(%run_scoped3A : memref<!tpu.dma_semaphore, #tpu.memory_space<semaphore_mem>>) src(%arg10 : memref<1x16xf32, #tpu.memory_space<vmem>>) dst(%dma_wait3A_2522 : memref<1x16xf32, #tpu.memory_space<vmem_shared>>)
      tpu.yield
    }) : () -> ()
    %barrier3A_2511 = arith.constant 0 : index
    tpu.barrier barrier_id(%barrier3A_2511)
    %eq3A_2512 = arith.constant 0 : i32
    %eq3A_2513 = arith.cmpi eq, %arg1, %eq3A_2512 : i32
    %convert_element_type3A_2514 = arith.extui %eq3A_2513 : i1 to i32
    %cond3A_2515 = arith.constant 0 : i32
    %cond3A_2516 = arith.cmpi ne, %convert_element_type3A_2514, %cond3A_2515 : i32
    scf.if %cond3A_2516 {
      %run_scoped3A = arith.constant 0 : i32
      "tpu.region"() ({
        %run_scoped3A_2563 = tpu.sem_alloc : memref<!tpu.dma_semaphore, #tpu.memory_space<semaphore_mem>>
        %dma_start3A_2564 = arith.constant 0 : i32
        %dma_start3A_2565 = tpu.memref_slice %arg15[%run_scoped3A, %dma_start3A_2564] : memref<1x16xf32, #tpu.memory_space<vmem_shared>> -> memref<1x16xf32, #tpu.memory_space<vmem_shared>>
        %dma_start3A_2566 = tpu.memref_squeeze %dma_start3A_2565 : memref<1x16xf32, #tpu.memory_space<vmem_shared>> -> memref<16xf32, #tpu.memory_space<vmem_shared>>
        %dma_start3A_2567 = arith.constant 0 : i32
        %dma_start3A_2568 = tpu.memref_slice %arg15[%run_scoped3A, %dma_start3A_2567] : memref<1x16xf32, #tpu.memory_space<vmem_shared>> -> memref<1x16xf32, #tpu.memory_space<vmem_shared>>
        %dma_start3A_2569 = tpu.memref_squeeze %dma_start3A_2568 : memref<1x16xf32, #tpu.memory_space<vmem_shared>> -> memref<16xf32, #tpu.memory_space<vmem_shared>>
        tpu.enqueue_dma source(%dma_start3A_2569 : memref<16xf32, #tpu.memory_space<vmem_shared>>) target(%arg16 : memref<16xf32, #tpu.memory_space<vmem>>) target_semaphore(%run_scoped3A_2563 : memref<!tpu.dma_semaphore, #tpu.memory_space<semaphore_mem>>)
        %dma_wait3A_2570 = arith.constant 0 : i32
        %dma_wait3A_2571 = tpu.memref_slice %arg15[%run_scoped3A, %dma_wait3A_2570] : memref<1x16xf32, #tpu.memory_space<vmem_shared>> -> memref<1x16xf32, #tpu.memory_space<vmem_shared>>
        %dma_wait3A_2572 = tpu.memref_squeeze %dma_wait3A_2571 : memref<1x16xf32, #tpu.memory_space<vmem_shared>> -> memref<16xf32, #tpu.memory_space<vmem_shared>>
        %dma_wait3A_2573 = arith.constant 0 : i32
        %dma_wait3A_2574 = tpu.memref_slice %arg15[%run_scoped3A, %dma_wait3A_2573] : memref<1x16xf32, #tpu.memory_space<vmem_shared>> -> memref<1x16xf32, #tpu.memory_space<vmem_shared>>
        %dma_wait3A_2575 = tpu.memref_squeeze %dma_wait3A_2574 : memref<1x16xf32, #tpu.memory_space<vmem_shared>> -> memref<16xf32, #tpu.memory_space<vmem_shared>>
        tpu.wait_dma2 semaphore(%run_scoped3A_2563 : memref<!tpu.dma_semaphore, #tpu.memory_space<semaphore_mem>>) src(%dma_wait3A_2575 : memref<16xf32, #tpu.memory_space<vmem_shared>>) dst(%arg16 : memref<16xf32, #tpu.memory_space<vmem>>)
        tpu.yield
      }) : () -> ()
      %get3A_2517 = arith.constant 0 : index
      %get3A_2518 = tpu.vector_load %arg16[%get3A_2517] {strides = array<i32>} : memref<16xf32, #tpu.memory_space<vmem>>, vector<16xf32>,
      %get3A_2519 = vector.shape_cast %get3A_2518 : vector<16xf32> to vector<16xf32>
      %swap3A_2520 = arith.constant 16 : index
      %swap3A_2521 = tpu.vector_load %arg17[%swap3A_2520] {strides = array<i32>} : memref<32xf32, #tpu.memory_space<vmem>>, vector<16xf32>,
      %swap3A_2522 = vector.shape_cast %swap3A_2521 : vector<16xf32> to vector<16xf32>
      %swap3A_2523 = vector.shape_cast %get3A_2519 : vector<16xf32> to vector<16xf32>
      tpu.vector_store %arg17[%swap3A_2520], %swap3A_2523 {strides = array<i32>} : memref<32xf32, #tpu.memory_space<vmem>>, vector<16xf32>,
      %swap3A_2524 = arith.constant 0 : index
      %swap3A_2525 = tpu.vector_load %arg17[%swap3A_2524] {strides = array<i32>} : memref<32xf32, #tpu.memory_space<vmem>>, vector<16xf32>,
      %swap3A_2526 = vector.shape_cast %swap3A_2525 : vector<16xf32> to vector<16xf32>
      %swap3A_2527 = vector.shape_cast %get3A_2519 : vector<16xf32> to vector<16xf32>
      tpu.vector_store %arg17[%swap3A_2524], %swap3A_2527 {strides = array<i32>} : memref<32xf32, #tpu.memory_space<vmem>>, vector<16xf32>,
      %get3A_2528 = arith.constant 8 : index
      %get3A_2529 = tpu.vector_load %arg17[%get3A_2528] {strides = array<i32>} : memref<32xf32, #tpu.memory_space<vmem>>, vector<16xf32>,
      %get3A_2530 = vector.shape_cast %get3A_2529 : vector<16xf32> to vector<16xf32>
      %add3A_2531 = arith.addf %get3A_2519, %get3A_2530 : vector<16xf32>
      %swap3A_2532 = arith.constant 0 : index
      %swap3A_2533 = tpu.vector_load %arg17[%swap3A_2532] {strides = array<i32>} : memref<32xf32, #tpu.memory_space<vmem>>, vector<16xf32>,
      %swap3A_2534 = vector.shape_cast %swap3A_2533 : vector<16xf32> to vector<16xf32>
      %swap3A_2535 = vector.shape_cast %add3A_2531 : vector<16xf32> to vector<16xf32>
      tpu.vector_store %arg17[%swap3A_2532], %swap3A_2535 {strides = array<i32>} : memref<32xf32, #tpu.memory_space<vmem>>, vector<16xf32>,
      %get3A_2536 = arith.constant 4 : index
      %get3A_2537 = tpu.vector_load %arg17[%get3A_2536] {strides = array<i32>} : memref<32xf32, #tpu.memory_space<vmem>>, vector<16xf32>,
      %get3A_2538 = vector.shape_cast %get3A_2537 : vector<16xf32> to vector<16xf32>
      %add3A_2539 = arith.addf %add3A_2531, %get3A_2538 : vector<16xf32>
      %swap3A_2540 = arith.constant 0 : index
      %swap3A_2541 = tpu.vector_load %arg17[%swap3A_2540] {strides = array<i32>} : memref<32xf32, #tpu.memory_space<vmem>>, vector<16xf32>,
      %swap3A_2542 = vector.shape_cast %swap3A_2541 : vector<16xf32> to vector<16xf32>
      %swap3A_2543 = vector.shape_cast %add3A_2539 : vector<16xf32> to vector<16xf32>
      tpu.vector_store %arg17[%swap3A_2540], %swap3A_2543 {strides = array<i32>} : memref<32xf32, #tpu.memory_space<vmem>>, vector<16xf32>,
      %get3A_2544 = arith.constant 2 : index
      %get3A_2545 = tpu.vector_load %arg17[%get3A_2544] {strides = array<i32>} : memref<32xf32, #tpu.memory_space<vmem>>, vector<16xf32>,
      %get3A_2546 = vector.shape_cast %get3A_2545 : vector<16xf32> to vector<16xf32>
      %add3A_2547 = arith.addf %add3A_2539, %get3A_2546 : vector<16xf32>
      %swap3A_2548 = arith.constant 0 : index
      %swap3A_2549 = tpu.vector_load %arg17[%swap3A_2548] {strides = array<i32>} : memref<32xf32, #tpu.memory_space<vmem>>, vector<16xf32>,
      %swap3A_2550 = vector.shape_cast %swap3A_2549 : vector<16xf32> to vector<16xf32>
      %swap3A_2551 = vector.shape_cast %add3A_2547 : vector<16xf32> to vector<16xf32>
      tpu.vector_store %arg17[%swap3A_2548], %swap3A_2551 {strides = array<i32>} : memref<32xf32, #tpu.memory_space<vmem>>, vector<16xf32>,
      %get3A_2552 = arith.constant 1 : index
      %get3A_2553 = tpu.vector_load %arg17[%get3A_2552] {strides = array<i32>} : memref<32xf32, #tpu.memory_space<vmem>>, vector<16xf32>,
      %get3A_2554 = vector.shape_cast %get3A_2553 : vector<16xf32> to vector<16xf32>
      %add3A_2555 = arith.addf %add3A_2547, %get3A_2554 : vector<16xf32>
      %mul3A_2556 = arith.constant -6.10351563E-5 : f32
      %mul3A_2557 = vector.broadcast %mul3A_2556 : f32 to vector<16xf32>
      %mul3A_2558 = arith.mulf %add3A_2555, %mul3A_2557 : vector<16xf32>
      %swap3A_2559 = arith.constant 0 : index
      %swap3A_2560 = tpu.vector_load %arg11[%swap3A_2559] {strides = array<i32>} : memref<16xf32, #tpu.memory_space<vmem>>, vector<16xf32>,
      %swap3A_2561 = vector.shape_cast %swap3A_2560 : vector<16xf32> to vector<16xf32>
      %swap3A_2562 = vector.shape_cast %mul3A_2558 : vector<16xf32> to vector<16xf32>
      tpu.vector_store %arg11[%swap3A_2559], %swap3A_2562 {strides = array<i32>} : memref<16xf32, #tpu.memory_space<vmem>>, vector<16xf32>,
      "tpu.region"() ({
        %run_scoped3A_2563 = tpu.sem_alloc : memref<!tpu.dma_semaphore, #tpu.memory_space<semaphore_mem>>
        %dma_start3A_2564 = arith.constant 0 : i32
        %dma_start3A_2565 = tpu.memref_slice %arg11[%dma_start3A_2564] : memref<16xf32, #tpu.memory_space<vmem>> -> memref<1xf32, #tpu.memory_space<vmem>>
        %dma_start3A_2566 = arith.constant 0 : i32
        %dma_start3A_2567 = tpu.memref_slice %arg11[%dma_start3A_2566] : memref<16xf32, #tpu.memory_space<vmem>> -> memref<1xf32, #tpu.memory_space<vmem>>
        tpu.enqueue_dma source(%dma_start3A_2567 : memref<1xf32, #tpu.memory_space<vmem>>) target(%arg5 : memref<1xf32, #tpu.memory_space<hbm>>) target_semaphore(%run_scoped3A_2563 : memref<!tpu.dma_semaphore, #tpu.memory_space<semaphore_mem>>)
        %dma_wait3A_2568 = arith.constant 0 : i32
        %dma_wait3A_2569 = tpu.memref_slice %arg11[%dma_wait3A_2568] : memref<16xf32, #tpu.memory_space<vmem>> -> memref<1xf32, #tpu.memory_space<vmem>>
        %dma_wait3A_2570 = arith.constant 0 : i32
        %dma_wait3A_2571 = tpu.memref_slice %arg11[%dma_wait3A_2570] : memref<16xf32, #tpu.memory_space<vmem>> -> memref<1xf32, #tpu.memory_space<vmem>>
        tpu.wait_dma2 semaphore(%run_scoped3A_2563 : memref<!tpu.dma_semaphore, #tpu.memory_space<semaphore_mem>>) src(%dma_wait3A_2571 : memref<1xf32, #tpu.memory_space<vmem>>) dst(%arg5 : memref<1xf32, #tpu.memory_space<hbm>>)
        tpu.yield
      }) : () -> ()
    } else {
    }
    return
  }
}

</mosaic_0001>

<sc_bundles>
// kernel: kernel.3.cloned.1.call-start
scs
__scs_entry_jumppad:
0x0: {  	(pc) =	sbr.rel $0x88, $3  }
0x1: {  	(tag) =	ssettag $0x0;
	lr =	simm.s32 $0x1  }
0x2: {  	[smem:$0x3F9E] =	sst lr;
	_ =	strace $0xD0000000  }
0x3: {  	_ = 	snop  }
0x4: {  	_ = 	snop  }
0x5: {  	_ = 	snop  }
0x6: {  	_ = 	snop  }
0x7: {  	_ = 	snop  }
__scs_overlays_trampoline_lowered:
0x8: {  	[smem:$0x3FAD] =	sst s0  }
0x9: {  	[smem:$0x3FAE] =	sst s1  }
0xa: {  	[smem:$0x3FAF] =	sst s2  }
0xb: {  	[smem:$0x3FB0] =	sst s3  }
0xc: {  	[smem:$0x3FB1] =	sst s4  }
0xd: {  	[smem:$0x3FB2] =	sst s5  }
0xe: {  	[smem:$0x3FB3] =	sst s6  }
0xf: {  	[smem:$0x3FB4] =	sst s7  }
0x10: {  	[smem:$0x3FB5] =	sst s8  }
0x11: {  	[smem:$0x3FB6] =	sst s9;
	s0 =	simm.s32 @!p0 $0x0  }
0x12: {  	s1 =	sld [smem:$0x3F9C];
	s0 =	simm.s32 @p0 $0x1  }
0x13: {  	[smem:$0x3FB7] =	sst s0;
	s0 =	simm.s32 @!p1 $0x0  }
0x14: {  	s2 =	sld [smem:$0x3F9B];
	s0 =	simm.s32 @p1 $0x1  }
0x15: {  	[smem:$0x3FB8] =	sst s0;
	s0 =	simm.s32 @!p2 $0x0  }
0x16: {  	s3 =	sld [smem:$0x3FDB];
	s0 =	simm.s32 @p2 $0x1  }
0x17: {  	s4 =	simm.s32 $0x1BF5;
	[smem:$0x3FBA] =	sst s0  }
0x18: {  	s0 =	sld [smem:$0x3F9D];
	_ =	swait.ge [sflag:s4], $0x0  }
0x19: {  	s7 =	sld [smem:$0x3F9E]  }
0x1a: {  	s8 =	sadd.s32 $0xFFFFE003, lr  }
0x1b: {  	s9 =	sadd.s32 $0xFFFFFEF7, lr;
	s5 =	simm.s32 $0xFFFFFFFF;
	p2 =	slt.u32 s8, $0xFFFFF086  }
0x1c: {  	p1 =	slt.u32 s9, $0xF7A;
	s5 =	simm.s32 @!p2 $0x0  }
0x1d: {  	s5 =	simm.s32 @p1 $0x1;
	p0 =	seq.s32 s7, s2  }
0x1e: {  	s7 =	smul.u32 @!p0 $0xF7A, s2;
	p2 =	seq.s32 @!p0 s5, $0x0  }
0x1f: {  	s9 =	smul.u32 $0xF7A, s1;
	s8 =	simm.s32 @!p0 $0x1BF5;
	p2 =	por !p2, p0  }
0x20: {  	[sflag:s8] =	ssyncset.s32 @!p0 $0xFFFFF086;
	s6 =	sadd.s32 @!p0 s3, s7;
	s7 =	simm.s32 @!p0 $0x108  }
0x21: {  	s3 =	sadd.s32 s3, s9;
	s6 =	sadd.s32 @!p0 $0x88, s6;
	s7 =	simm.s32 @p2 $0x1082  }
0x22: {  	[simem:s7], [sflag:s8] =	dma.local @!p0 [hbm:s6], $0xF7A  }
0x23: {  	s9 =	sor.u32 $0xD0000000, s2;
	s6 =	simm.s32 $0x108;
	_ =	swait.ge @!p0 [sflag:s8], $0x0  }
0x24: {  	s3 =	sadd.s32 $0x88, s3;
	s6 =	simm.s32 @!p1 $0x1082;
	[sflag:s4] =	ssyncset.s32 $0xFFFFF086  }
0x25: {  	[simem:s6], [sflag:s4] =	dma.local [hbm:s3], $0xF7A  }
0x26: {  	[smem:$0x3F9E] =	sst s1;
	(tag) =	ssettag s2;
	_ =	strace s9  }
0x27: {  	s1 =	sld [smem:$0x3FAE]  }
0x28: {  	s2 =	sld [smem:$0x3FAF]  }
0x29: {  	s4 =	sld [smem:$0x3FB1]  }
0x2a: {  	p0 =	seq.s32 s5, $0x0;
	s5 =	sld [smem:$0x3FB2]  }
0x2b: {  	s6 =	sld [smem:$0x3FB3]  }
0x2c: {  	s7 =	sld [smem:$0x3FB4]  }
0x2d: {  	s3 =	simm.s32 $0x108;
	s8 =	sld [smem:$0x3FB5]  }
0x2e: {  	s3 =	simm.s32 @!p0 $0x1082;
	s9 =	sld [smem:$0x3FB6]  }
0x2f: {  	lr =	sadd.s32 s0, s3;
	s0 =	sld [smem:$0x3FAD]  }
0x30: {  	s3 =	sld [smem:$0x3FB0]  }
0x31: {  	[smem:$0x3FB9] =	sst s10  }
0x32: {  	s10 =	sld [smem:$0x3FB7];
	_ =	sdelay $0x3  }
0x33: {  	p0 =	seq.s32 s10, $0x1;
	s10 =	sld [smem:$0x3FB9];
	_ =	sdelay $0x3  }
0x34: {  	[smem:$0x3FB9] =	sst s10  }
0x35: {  	s10 =	sld [smem:$0x3FB8];
	_ =	sdelay $0x3  }
0x36: {  	p1 =	seq.s32 s10, $0x1;
	s10 =	sld [smem:$0x3FB9];
	_ =	sdelay $0x3  }
0x37: {  	[smem:$0x3FB9] =	sst s10  }
0x38: {  	s10 =	sld [smem:$0x3FBA]  }
0x39: {  	_ = 	snop;
	(pc) =	sbr.ind lr, $3  }
0x3a: {  	_ = 	snop  }
0x3b: {  	_ = 	snop  }
0x3c: {  	p2 =	seq.s32 s10, $0x1;
	s10 =	sld [smem:$0x3FB9]  }
0x3d: {  	_ =	shalt  }
0x3e: {  	_ =	shalt  }
0x3f: {  	_ =	shalt  }
0x40: {  	_ =	shalt  }
0x41: {  	_ =	shalt  }
0x42: {  	_ =	shalt  }
0x43: {  	_ =	shalt  }
0x44: {  	_ =	shalt  }
0x45: {  	_ =	shalt  }
0x46: {  	_ =	shalt  }
0x47: {  	_ =	shalt  }
0x48: {  	_ =	shalt  }
0x49: {  	_ =	shalt  }
0x4a: {  	_ =	shalt  }
0x4b: {  	_ =	shalt  }
0x4c: {  	_ =	shalt  }
0x4d: {  	_ =	shalt  }
0x4e: {  	_ =	shalt  }
0x4f: {  	_ =	shalt  }
0x50: {  	_ =	shalt  }
0x51: {  	_ =	shalt  }
0x52: {  	_ =	shalt  }
0x53: {  	_ =	shalt  }
0x54: {  	_ =	shalt  }
0x55: {  	_ =	shalt  }
0x56: {  	_ =	shalt  }
0x57: {  	_ =	shalt  }
0x58: {  	_ =	shalt  }
0x59: {  	_ =	shalt  }
0x5a: {  	_ =	shalt  }
0x5b: {  	_ =	shalt  }
0x5c: {  	_ =	shalt  }
0x5d: {  	_ =	shalt  }
0x5e: {  	_ =	shalt  }
0x5f: {  	_ =	shalt  }
0x60: {  	_ =	shalt  }
0x61: {  	_ =	shalt  }
0x62: {  	_ =	shalt  }
0x63: {  	_ =	shalt  }
0x64: {  	_ =	shalt  }
0x65: {  	_ =	shalt  }
0x66: {  	_ =	shalt  }
0x67: {  	_ =	shalt  }
0x68: {  	_ =	shalt  }
0x69: {  	_ =	shalt  }
0x6a: {  	_ =	shalt  }
0x6b: {  	_ =	shalt  }
0x6c: {  	_ =	shalt  }
0x6d: {  	_ =	shalt  }
0x6e: {  	_ =	shalt  }
0x6f: {  	_ =	shalt  }
0x70: {  	_ =	shalt  }
0x71: {  	_ =	shalt  }
0x72: {  	_ =	shalt  }
0x73: {  	_ =	shalt  }
0x74: {  	_ =	shalt  }
0x75: {  	_ =	shalt  }
0x76: {  	_ =	shalt  }
0x77: {  	_ =	shalt  }
0x78: {  	_ =	shalt  }
0x79: {  	_ =	shalt  }
0x7a: {  	_ =	shalt  }
0x7b: {  	_ =	shalt  }
0x7c: {  	_ =	shalt  }
0x7d: {  	_ =	shalt  }
0x7e: {  	_ =	shalt  }
0x7f: {  	_ =	shalt  }
0x80: {  	_ =	shalt  }
0x81: {  	_ =	shalt  }
0x82: {  	_ =	shalt  }
0x83: {  	_ =	shalt  }
0x84: {  	_ =	shalt  }
0x85: {  	_ =	shalt  }
0x86: {  	_ =	shalt  }
0x87: {  	_ =	shalt  }
.Lfunc_end0:
.L_simem_size_0:
called_computation_lowered:
.L_overlay_start_0:
0x88: {  	s0 =	sld [smem:$0x3FD9]  }
0x89: {  	s1 =	sld [smem:$0x3FFE];
	_ =	sdelay $0x3  }
0x8a: {  	s0 =	sadd.s32 s1, s0  }
0x8b: {  	[smem:$0x3FC5] =	sst s0  }
0x8c: {  	_ = 	snop  }
0x8d: {  	s0 =	sld [smem:$0x3FC9]  }
0x8e: {  	s17 =	sld [smem:$0x3FC8]  }
0x8f: {  	s2 =	sld [smem:$0x3FC7]  }
0x90: {  	s3 =	sld [smem:$0x3FD0];
	(tm) =	ssettm $0x1  }
0x91: {  	s4 =	sld [smem:$0x3FFB];
	_ =	sdelay $0x3  }
0x92: {  	_ =	strace s4  }
0x93: {  	s4 =	sld [smem:$0x3FFC];
	_ =	sdelay $0x3  }
0x94: {  	_ =	strace s4  }
0x95: {  	s4 =	sld [smem:$0x3FFD];
	_ =	sdelay $0x3  }
0x96: {  	_ =	strace s4  }
0x97: {  	_ =	strace $0x8FFFFFFF  }
0x98: {  	s18 =	sld [smem:$0x3FDB];
	_ =	sdelay $0x1  }
0x99: {  	s5 =	simm.s32 $_scs_section_size  }
0x9a: {  	s6 =	simm.s32 $_size__tile_overlayer_lowered;
	s7 =	simm.s32 $_tile_overlayer_lowered  }
0x9b: {  	s21 =	simm.s32 $0x1BFF;
	s20 =	sshll.u32 s7, $0x1;
	s4 =	sadd.s32 s5, s18  }
0x9c: {  	s8 =	simm.s32 $0x0;
	s19 =	sshll.u32 s6, $0x1;
	s6 =	sadd.s32 s20, s4  }
0x9d: {  	[timem:s8], [sflag:s21] =	dma.local [hbm:s6], s19  }
0x9e: {  	_ =	swait.ge [sflag:s21], s19  }
0x9f: {  	s5 =	ssub.s32 $0x0, s19;
	[sflag:s21] =	ssyncset.done $0x0  }
0xa0: {  	[sflag:s21] =	ssyncadd.s32 s5;
	_ =	sdelay $0x1  }
0xa1: {  	s22 =	simm.s32 $0x1B8B  }
0xa2: {  	_ =	swait.ge [sflag:s22], $0x1  }
0xa3: {  	[sflag:s22] =	ssyncset.done $0x0  }
0xa4: {  	s23 =	simm.s32 $0x1B8E;
	[sflag:s22] =	ssyncadd.s32 $0xFFFFFFFF  }
0xa5: {  	s24 =	simm.s32 $execute0_lowered;
	[smem:$0x3FD2] =	sst s23  }
0xa6: {  	s5 =	sshll.u32 s24, $0x1;
	_ =	strace $0x80000046;
	[dreg:$0x1] =	wrdreg $0xFFFFFFFF  }
0xa7: {  	s25 =	simm.s32 $_size_execute0_lowered;
	s4 =	sadd.s32 s4, s5;
	[dreg:$0x0] =	wrdreg $0x0  }
0xa8: {  	s5 =	sshll.u32 s25, $0x1;
	[dreg:$0x2] =	wrdreg s4  }
0xa9: {  	[dreg:$0x3] =	wrdreg s5  }
0xaa: {  	[dreg:$0x4] =	wrdreg $0xC0  }
0xab: {  	_ =	task [dreg:s8], $0x5FFFF  }
0xac: {  	[dreg:$0x1] =	wrdreg $0xFFFFFFFF  }
0xad: {  	[dreg:$0x0] =	wrdreg $0x60  }
0xae: {  	[dreg:$0x2] =	wrdreg s0  }
0xaf: {  	[dreg:$0x3] =	wrdreg s17  }
0xb0: {  	[dreg:$0x4] =	wrdreg s2  }
0xb1: {  	[dreg:$0x5] =	wrdreg s3  }
0xb2: {  	[dreg:$0x6] =	wrdreg $0x12000  }
0xb3: {  	[dreg:$0x7] =	wrdreg $0x12100  }
0xb4: {  	[dreg:$0x8] =	wrdreg $0x9  }
0xb5: {  	_ =	task.clear_ibuf [dreg:s8], $0x9FFFF;
	_ =	strace $0x90000046  }
0xb6: {  	s26 =	simm.s32 $0x9;
	_ =	strace $0x80000048  }
0xb7: {  	_ =	swait.ge [sflag:s26], $0x1  }
0xb8: {  	[sflag:s26] =	ssyncadd.s32 $0xFFFFFFFF  }
0xb9: {  	_ =	strace $0x90000048  }
0xba: {  	_ =	sfence  }
0xbb: {  	s28 =	sld [smem:$0x0];
	_ =	sdelay $0x1  }
0xbc: {  	s29 =	srdreg.scid  }
0xbd: {  	s30 =	sshll.u32 s29, $0xD;
	s31 =	sshrl.u32 s29, $0x2  }
0xbe: {  	s1 =	sand.u32 $0x1, s29;
	s2 =	sand.u32 $0x4000, s30;
	s0 =	sadd.s32 s31, s28  }
0xbf: {  	s1 =	sor.u32 s2, s1;
	s0 =	sshll.u32 s0, $0x11  }
0xc0: {  	s0 =	sor.u32 s0, s1  }
0xc1: {  	s0 =	sadd.s32 $0x8F2B, s0  }
0xc2: {  	[sflag:s0] =	ssyncadd.remote.s32 $0x1  }
0xc3: {  	_ =	sfence.sel $0xFFFF  }
0xc4: {  	[dreg:$0x0] =	wrdreg $0xFFFFFFFF;
	(pc) =	sbr.abs _section_cstart, $3  }
0xc5: {  	[dreg:$0x1] =	wrdreg $0xFFFFFFFF  }
0xc6: {  	_ =	task.clear_ibuf [dreg:s8], $0x2FFFF;
	_ =	strace $0x9FFFFFFF  }
0xc7: {  	(tm) =	ssettm $0x7FFFFFFF  }
tec
execute0_lowered:
.L_overlay_start_1:
0x0: {  	(tag) =	ssettag $0x1  }
0x1: {  	s7 =	rddreg [dreg:$0x0]  }
0x2: {  	s3 =	rddreg [dreg:$0x1]  }
0x3: {  	s4 =	rddreg [dreg:$0x2]  }
0x4: {  	s1 =	rddreg [dreg:$0x3]  }
0x5: {  	s5 =	rddreg [dreg:$0x4]  }
0x6: {  	s2 =	rddreg [dreg:$0x5];
	s6 =	simm.s32 $0x0;
	s9 =	stileid.u32  }
0x7: {  	[smem:$0x7FF] =	sst s6;
	s10 =	sshll.u32 s9, $0x7  }
0x8: {  	s0 =	rddreg [dreg:$0x6];
	_ =	strace $0x80000047;
	s3 =	sadd.s32 s3, s10  }
0x9: {  	[tilespmem:s6], [sflag:$0x1] =	stream.linear.gather [hbm4b:s3+s6], $0x80, $0x38;
	[tilespmem:$0x1318] =	vst v63  }
0xa: {  	s8 =	simm.s32 $0x80;
	s3 =	sadd.s32 $0x10, s3  }
0xb: {  	[tilespmem:s8], [sflag:$0x2] =	stream.linear.gather [hbm4b:s3+s6], $0x380, $0x38;
	[tilespmem:$0x1318] =	vst v63  }
0xc: {  	s20 =	simm.s32 $0xC00;
	s19 =	sadd.s32 s4, s10  }
0xd: {  	v0 =	vimm.s32 $0x0;
	[tilespmem:s20], [sflag:$0x3] =	stream.linear.gather [hbm4b:s19+s6], $0x400, $0x38;
	[tilespmem:$0x1318] =	vst v63  }
0xe: {  	s21 =	simm.s32 $0x1100;
	p0 =	sne.s32 s9, $0x0;
	s10 =	sadd.s32 s10, s5;
	[tilespmem:$0x1100] =	vst v0  }
0xf: {  	v0 =	vimm.f32 @!p0 $0.0e+00;
	[spmem:s10] =	stream.linear.scatter [tilespmem:s21], [sflag:$0x4], $0x80, $0x38;
	[tilespmem:$0x1318] =	vst v63  }
0x10: {  	s4 =	simm.s32 @!p0 $0x1080;
	s3 =	simm.s32 @!p0 $0xE;
	[tilespmem:$0x1080] =	vst @!p0 v0  }
0x11: {  	[spmem:s2] =	stream.linear.scatter @!p0 [tilespmem:s4], [sflag:$0xE], $0x80, $0x38;
	[tilespmem:$0x1318] =	vst v63  }
0x12: {  	_ =	swait.ge @!p0 [sflag:s3], $0x80  }
0x13: {  	[sflag:s3] =	ssyncset.done @!p0 $0x0  }
0x14: {  	s5 =	simm.s32 $0x1;
	[sflag:s3] =	ssyncadd.s32 @!p0 $0xFFFFFF80  }
0x15: {  	_ =	swait.ge [sflag:s5], $0x80  }
0x16: {  	[sflag:s5] =	ssyncset.done $0x0  }
0x17: {  	[sflag:s5] =	ssyncadd.s32 $0xFFFFFF80  }
0x18: {  	v3 =	vld [tilespmem:$0x0]  }
0x19: {  	s9 =	sshll.u32 s9, $0xD;
	v0 =	vlaneseq.u32;
	v6 =	vld [tilespmem:$0x10]  }
0x1a: {  	v1 =	vor.u32 s9, v0;
	v2 =	vor.u32 $0x10, v0;
	v11 =	vld [tilespmem:$0x20]  }
0x1b: {  	v4 =	vor.u32 $0x20, v0;
	v5 =	vor.u32 $0x30, v0;
	v7 =	vor.u32 $0x40, v0;
	v13 =	vld [tilespmem:$0x30]  }
0x1c: {  	v8 =	vor.u32 $0x50, v0;
	v9 =	vor.u32 $0x60, v0;
	v10 =	vor.u32 $0x70, v0;
	v53 =	vld [tilespmem:$0x40]  }
0x1d: {  	v2 =	vor.u32 s9, v2;
	v4 =	vor.u32 s9, v4;
	v5 =	vor.u32 s9, v5;
	v55 =	vld [tilespmem:$0x50]  }
0x1e: {  	v7 =	vor.u32 s9, v7;
	v8 =	vor.u32 s9, v8;
	v9 =	vor.u32 s9, v9;
	v60 =	vld [tilespmem:$0x60]  }
0x1f: {  	v10 =	vor.u32 s9, v10;
	v62 =	vld [tilespmem:$0x70];
	v12 =	vshll.u32 v3, $0xE;
	v3 =	vshll.u32 v3, $0x7  }
0x20: {  	v14 =	vshll.u32 v6, $0x7;
	v51 =	vshll.u32 v6, $0xE;
	v54 =	vshll.u32 v11, $0xE  }
0x21: {  	v11 =	vshll.u32 v11, $0x7;
	v56 =	vshll.u32 v13, $0x7;
	v57 =	vshll.u32 v13, $0xE  }
0x22: {  	v61 =	vshll.u32 v53, $0xE;
	v6 =	vshll.u32 v53, $0x7;
	v63 =	vshll.u32 v55, $0x7  }
0x23: {  	v17 =	vshll.u32 v55, $0xE;
	v21 =	vshll.u32 v60, $0xE;
	v22 =	vshll.u32 v60, $0x7  }
0x24: {  	v24 =	vshll.u32 v62, $0x7;
	v26 =	vshll.u32 v62, $0xE;
	v12 =	vand.u32 $0xFFFE0000, v12  }
0x25: {  	v3 =	vand.u32 $0x380, v3;
	v52 =	vand.u32 $0x380, v14;
	v11 =	vand.u32 $0x380, v11  }
0x26: {  	v58 =	vand.u32 $0x380, v56;
	v59 =	vand.u32 $0xFFFE0000, v57;
	v6 =	vand.u32 $0x380, v6  }
0x27: {  	v18 =	vand.u32 $0x380, v63;
	v19 =	vand.u32 $0xFFFE0000, v17;
	v1 =	vor.u32 v3, v1  }
0x28: {  	v3 =	vand.u32 $0xFFFE0000, v51;
	v2 =	vor.u32 v52, v2;
	v1 =	vor.u32 v12, v1  }
0x29: {  	v4 =	vor.u32 v11, v4;
	v2 =	vor.u32 v3, v2;
	v3 =	vand.u32 $0xFFFE0000, v54;
	[tilespmem:$0x400] =	vst v1  }
0x2a: {  	v23 =	vand.u32 $0x380, v22;
	v5 =	vor.u32 v58, v5;
	v3 =	vor.u32 v3, v4;
	[tilespmem:$0x410] =	vst v2  }
0x2b: {  	v16 =	vor.u32 v6, v7;
	v20 =	vor.u32 v18, v8;
	v4 =	vor.u32 v59, v5;
	[tilespmem:$0x420] =	vst v3  }
0x2c: {  	v25 =	vor.u32 v23, v9;
	v5 =	vand.u32 $0xFFFE0000, v61;
	v2 =	vor.u32 v19, v20;
	[tilespmem:$0x430] =	vst v4  }
0x2d: {  	v1 =	vor.u32 v5, v16;
	v3 =	vand.u32 $0xFFFE0000, v21;
	v5 =	vand.u32 $0x380, v24;
	[tilespmem:$0x450] =	vst v2  }
0x2e: {  	v27 =	vand.u32 $0xFFFE0000, v26;
	[tilespmem:$0x440] =	vst v1;
	v1 =	vor.u32 v3, v25;
	v28 =	vor.u32 v5, v10  }
0x2f: {  	[tilespmem:$0x460] =	vst v1;
	v29 =	vor.u32 v27, v28  }
0x30: {  	s22 =	simm.s32 $0x400;
	s11 =	simm.s32 $0x800;
	s23 =	simm.s32 $0x2;
	[tilespmem:$0x470] =	vst v29  }
0x31: {  	[tilespmem:s11], [sflag:$0x6] =	stream.indirect.gather [hbm4b:s7+s8], $0x1, s22, s8, $0xb8;
	[tilespmem:$0x1318] =	vst v63  }
0x32: {  	_ =	swait.ge [sflag:s23], $0x380  }
0x33: {  	[sflag:s23] =	ssyncset.done $0x0  }
0x34: {  	s24 =	simm.s32 $0x4;
	[sflag:s23] =	ssyncadd.s32 $0xFFFFFC80  }
0x35: {  	_ =	swait.ge [sflag:s24], $0x80  }
0x36: {  	[sflag:s24] =	ssyncset.done $0x0  }
0x37: {  	s6 =	simm.s32 $0x1180;
	[sflag:s24] =	ssyncadd.s32 $0xFFFFFF80  }
0x38: {  	[tilespmem:s6], [sflag:$0x5] =	stream.linear.gather [spmem:s10], $0x1, $0x38;
	[tilespmem:$0x1318] =	vst v63  }
0x39: {  	v32 =	vld [tilespmem:$0x80]  }
0x3a: {  	v35 =	vld [tilespmem:$0x90]  }
0x3b: {  	v30 =	vor.u32 $0x400, v0;
	v31 =	vor.u32 $0x410, v0;
	v33 =	vor.u32 $0x420, v0;
	v40 =	vld [tilespmem:$0xA0]  }
0x3c: {  	v34 =	vor.u32 $0x430, v0;
	v36 =	vor.u32 $0x440, v0;
	v37 =	vor.u32 $0x450, v0;
	v42 =	vld [tilespmem:$0xB0]  }
0x3d: {  	v38 =	vor.u32 $0x460, v0;
	v39 =	vor.u32 $0x470, v0;
	v7 =	vor.u32 s9, v36;
	v46 =	vld [tilespmem:$0xC0]  }
0x3e: {  	v8 =	vor.u32 s9, v37;
	v9 =	vor.u32 s9, v38;
	v2 =	vor.u32 s9, v31;
	v48 =	vld [tilespmem:$0xD0]  }
0x3f: {  	v4 =	vor.u32 s9, v33;
	v5 =	vor.u32 s9, v34;
	v10 =	vor.u32 s9, v39;
	v53 =	vld [tilespmem:$0xE0]  }
0x40: {  	v1 =	vor.u32 s9, v30;
	v55 =	vld [tilespmem:$0xF0];
	v41 =	vshll.u32 v32, $0xE;
	v3 =	vshll.u32 v32, $0x7  }
0x41: {  	v43 =	vshll.u32 v35, $0x7;
	v44 =	vshll.u32 v35, $0xE;
	v47 =	vshll.u32 v40, $0xE  }
0x42: {  	v11 =	vshll.u32 v40, $0x7;
	v49 =	vshll.u32 v42, $0x7;
	v50 =	vshll.u32 v42, $0xE  }
0x43: {  	v54 =	vshll.u32 v46, $0xE;
	v6 =	vshll.u32 v46, $0x7;
	v56 =	vshll.u32 v48, $0x7  }
0x44: {  	v58 =	vshll.u32 v48, $0xE;
	v62 =	vshll.u32 v53, $0xE;
	v63 =	vshll.u32 v53, $0x7  }
0x45: {  	v13 =	vshll.u32 v55, $0xE;
	v12 =	vand.u32 $0xFFFE0000, v41;
	v3 =	vand.u32 $0x380, v3  }
0x46: {  	v45 =	vand.u32 $0x380, v43;
	v11 =	vand.u32 $0x380, v11;
	v51 =	vand.u32 $0x380, v49  }
0x47: {  	v52 =	vand.u32 $0xFFFE0000, v50;
	v6 =	vand.u32 $0x380, v6;
	v59 =	vand.u32 $0x380, v56  }
0x48: {  	v60 =	vand.u32 $0xFFFE0000, v58;
	v1 =	vor.u32 v3, v1;
	v3 =	vand.u32 $0xFFFE0000, v44  }
0x49: {  	v2 =	vor.u32 v45, v2;
	v4 =	vor.u32 v11, v4;
	v1 =	vor.u32 v12, v1  }
0x4a: {  	v5 =	vor.u32 v51, v5;
	v2 =	vor.u32 v3, v2;
	v3 =	vand.u32 $0xFFFE0000, v47;
	[tilespmem:$0x480] =	vst v1  }
0x4b: {  	v57 =	vor.u32 v6, v7;
	v61 =	vor.u32 v59, v8;
	v3 =	vor.u32 v3, v4;
	[tilespmem:$0x490] =	vst v2  }
0x4c: {  	v8 =	vand.u32 $0x380, v63;
	v11 =	vshll.u32 v55, $0x7;
	v4 =	vor.u32 v52, v5;
	[tilespmem:$0x4A0] =	vst v3  }
0x4d: {  	v12 =	vor.u32 v8, v9;
	v5 =	vand.u32 $0xFFFE0000, v54;
	v2 =	vor.u32 v60, v61;
	[tilespmem:$0x4B0] =	vst v4  }
0x4e: {  	v1 =	vor.u32 v5, v57;
	v3 =	vand.u32 $0xFFFE0000, v62;
	v5 =	vand.u32 $0x380, v11;
	[tilespmem:$0x4D0] =	vst v2  }
0x4f: {  	v14 =	vand.u32 $0xFFFE0000, v13;
	[tilespmem:$0x4C0] =	vst v1;
	v1 =	vor.u32 v3, v12;
	v15 =	vor.u32 v5, v10  }
0x50: {  	[tilespmem:$0x4E0] =	vst v1;
	v16 =	vor.u32 v14, v15  }
0x51: {  	s25 =	simm.s32 $0x480;
	s26 =	simm.s32 $0x880;
	[tilespmem:$0x4F0] =	vst v16  }
0x52: {  	[tilespmem:s26], [sflag:$0x7] =	stream.indirect.gather [hbm4b:s7+s8], $0x1, s25, s8, $0xb8;
	[tilespmem:$0x1318] =	vst v63  }
0x53: {  	v19 =	vld [tilespmem:$0x100]  }
0x54: {  	v22 =	vld [tilespmem:$0x110]  }
0x55: {  	v17 =	vor.u32 $0x800, v0;
	v26 =	vor.u32 $0x870, v0;
	v18 =	vor.u32 $0x810, v0;
	v27 =	vld [tilespmem:$0x120]  }
0x56: {  	v23 =	vor.u32 $0x840, v0;
	v20 =	vor.u32 $0x820, v0;
	v21 =	vor.u32 $0x830, v0;
	v29 =	vld [tilespmem:$0x130]  }
0x57: {  	v24 =	vor.u32 $0x850, v0;
	v25 =	vor.u32 $0x860, v0;
	v7 =	vor.u32 s9, v23;
	v33 =	vld [tilespmem:$0x140]  }
0x58: {  	v8 =	vor.u32 s9, v24;
	v9 =	vor.u32 s9, v25;
	v2 =	vor.u32 s9, v18;
	v35 =	vld [tilespmem:$0x150]  }
0x59: {  	v4 =	vor.u32 s9, v20;
	v5 =	vor.u32 s9, v21;
	v10 =	vor.u32 s9, v26;
	v40 =	vld [tilespmem:$0x160]  }
0x5a: {  	v1 =	vor.u32 s9, v17;
	v42 =	vld [tilespmem:$0x170];
	v28 =	vshll.u32 v19, $0xE;
	v3 =	vshll.u32 v19, $0x7  }
0x5b: {  	v30 =	vshll.u32 v22, $0x7;
	v31 =	vshll.u32 v22, $0xE;
	v34 =	vshll.u32 v27, $0xE  }
0x5c: {  	v11 =	vshll.u32 v27, $0x7;
	v36 =	vshll.u32 v29, $0x7;
	v37 =	vshll.u32 v29, $0xE  }
0x5d: {  	v41 =	vshll.u32 v33, $0xE;
	v6 =	vshll.u32 v33, $0x7;
	v43 =	vshll.u32 v35, $0x7  }
0x5e: {  	v45 =	vshll.u32 v35, $0xE;
	v49 =	vshll.u32 v40, $0xE;
	v50 =	vshll.u32 v40, $0x7  }
0x5f: {  	v52 =	vshll.u32 v42, $0x7;
	v54 =	vshll.u32 v42, $0xE;
	v12 =	vand.u32 $0xFFFE0000, v28  }
0x60: {  	v3 =	vand.u32 $0x380, v3;
	v32 =	vand.u32 $0x380, v30;
	v11 =	vand.u32 $0x380, v11  }
0x61: {  	v38 =	vand.u32 $0x380, v36;
	v39 =	vand.u32 $0xFFFE0000, v37;
	v6 =	vand.u32 $0x380, v6  }
0x62: {  	v46 =	vand.u32 $0x380, v43;
	v47 =	vand.u32 $0xFFFE0000, v45;
	v1 =	vor.u32 v3, v1  }
0x63: {  	v3 =	vand.u32 $0xFFFE0000, v31;
	v2 =	vor.u32 v32, v2;
	v1 =	vor.u32 v12, v1  }
0x64: {  	v4 =	vor.u32 v11, v4;
	v2 =	vor.u32 v3, v2;
	v3 =	vand.u32 $0xFFFE0000, v34;
	[tilespmem:$0x500] =	vst v1  }
0x65: {  	v51 =	vand.u32 $0x380, v50;
	v5 =	vor.u32 v38, v5;
	v3 =	vor.u32 v3, v4;
	[tilespmem:$0x510] =	vst v2  }
0x66: {  	v44 =	vor.u32 v6, v7;
	v48 =	vor.u32 v46, v8;
	v4 =	vor.u32 v39, v5;
	[tilespmem:$0x520] =	vst v3  }
0x67: {  	v53 =	vor.u32 v51, v9;
	v5 =	vand.u32 $0xFFFE0000, v41;
	v2 =	vor.u32 v47, v48;
	[tilespmem:$0x530] =	vst v4  }
0x68: {  	v1 =	vor.u32 v5, v44;
	v3 =	vand.u32 $0xFFFE0000, v49;
	v5 =	vand.u32 $0x380, v52;
	[tilespmem:$0x550] =	vst v2  }
0x69: {  	v55 =	vand.u32 $0xFFFE0000, v54;
	[tilespmem:$0x540] =	vst v1;
	v1 =	vor.u32 v3, v53;
	v56 =	vor.u32 v5, v10  }
0x6a: {  	[tilespmem:$0x560] =	vst v1;
	v57 =	vor.u32 v55, v56  }
0x6b: {  	s28 =	simm.s32 $0x500;
	s29 =	simm.s32 $0x900;
	[tilespmem:$0x570] =	vst v57  }
0x6c: {  	[tilespmem:s29], [sflag:$0x8] =	stream.indirect.gather [hbm4b:s7+s8], $0x1, s28, s8, $0xb8;
	[tilespmem:$0x1318] =	vst v63  }
0x6d: {  	v60 =	vld [tilespmem:$0x180]  }
0x6e: {  	v63 =	vld [tilespmem:$0x190]  }
0x6f: {  	v58 =	vor.u32 $0xC00, v0;
	v59 =	vor.u32 $0xC10, v0;
	v61 =	vor.u32 $0xC20, v0;
	v19 =	vld [tilespmem:$0x1A0]  }
0x70: {  	v62 =	vor.u32 $0xC30, v0;
	v18 =	vor.u32 $0xC70, v0;
	v15 =	vor.u32 $0xC40, v0;
	v21 =	vld [tilespmem:$0x1B0]  }
0x71: {  	v17 =	vor.u32 $0xC60, v0;
	v16 =	vor.u32 $0xC50, v0;
	v7 =	vor.u32 s9, v15;
	v25 =	vld [tilespmem:$0x1C0]  }
0x72: {  	v8 =	vor.u32 s9, v16;
	v9 =	vor.u32 s9, v17;
	v2 =	vor.u32 s9, v59;
	v27 =	vld [tilespmem:$0x1D0]  }
0x73: {  	v4 =	vor.u32 s9, v61;
	v5 =	vor.u32 s9, v62;
	v10 =	vor.u32 s9, v18;
	v32 =	vld [tilespmem:$0x1E0]  }
0x74: {  	v1 =	vor.u32 s9, v58;
	v34 =	vld [tilespmem:$0x1F0];
	v20 =	vshll.u32 v60, $0xE;
	v3 =	vshll.u32 v60, $0x7  }
0x75: {  	v22 =	vshll.u32 v63, $0x7;
	v23 =	vshll.u32 v63, $0xE;
	v26 =	vshll.u32 v19, $0xE  }
0x76: {  	v11 =	vshll.u32 v19, $0x7;
	v28 =	vshll.u32 v21, $0x7;
	v29 =	vshll.u32 v21, $0xE  }
0x77: {  	v33 =	vshll.u32 v25, $0xE;
	v6 =	vshll.u32 v25, $0x7;
	v35 =	vshll.u32 v27, $0x7  }
0x78: {  	v37 =	vshll.u32 v27, $0xE;
	v41 =	vshll.u32 v32, $0xE;
	v42 =	vshll.u32 v32, $0x7  }
0x79: {  	v44 =	vshll.u32 v34, $0x7;
	v46 =	vshll.u32 v34, $0xE;
	v12 =	vand.u32 $0xFFFE0000, v20  }
0x7a: {  	v3 =	vand.u32 $0x380, v3;
	v24 =	vand.u32 $0x380, v22;
	v11 =	vand.u32 $0x380, v11  }
0x7b: {  	v30 =	vand.u32 $0x380, v28;
	v31 =	vand.u32 $0xFFFE0000, v29;
	v6 =	vand.u32 $0x380, v6  }
0x7c: {  	v38 =	vand.u32 $0x380, v35;
	v39 =	vand.u32 $0xFFFE0000, v37;
	v1 =	vor.u32 v3, v1  }
0x7d: {  	v3 =	vand.u32 $0xFFFE0000, v23;
	v2 =	vor.u32 v24, v2;
	v1 =	vor.u32 v12, v1  }
0x7e: {  	v4 =	vor.u32 v11, v4;
	v2 =	vor.u32 v3, v2;
	v3 =	vand.u32 $0xFFFE0000, v26;
	[tilespmem:$0x580] =	vst v1  }
0x7f: {  	v43 =	vand.u32 $0x380, v42;
	v5 =	vor.u32 v30, v5;
	v3 =	vor.u32 v3, v4;
	[tilespmem:$0x590] =	vst v2  }
0x80: {  	v36 =	vor.u32 v6, v7;
	v40 =	vor.u32 v38, v8;
	v4 =	vor.u32 v31, v5;
	[tilespmem:$0x5A0] =	vst v3  }
0x81: {  	v45 =	vor.u32 v43, v9;
	v5 =	vand.u32 $0xFFFE0000, v33;
	v2 =	vor.u32 v39, v40;
	[tilespmem:$0x5B0] =	vst v4  }
0x82: {  	v1 =	vor.u32 v5, v36;
	v3 =	vand.u32 $0xFFFE0000, v41;
	v5 =	vand.u32 $0x380, v44;
	[tilespmem:$0x5D0] =	vst v2  }
0x83: {  	v47 =	vand.u32 $0xFFFE0000, v46;
	[tilespmem:$0x5C0] =	vst v1;
	v1 =	vor.u32 v3, v45;
	v48 =	vor.u32 v5, v10  }
0x84: {  	[tilespmem:$0x5E0] =	vst v1;
	v49 =	vor.u32 v47, v48  }
0x85: {  	s30 =	simm.s32 $0x580;
	s31 =	simm.s32 $0x980;
	[tilespmem:$0x5F0] =	vst v49  }
0x86: {  	[tilespmem:s31], [sflag:$0x9] =	stream.indirect.gather [hbm4b:s7+s8], $0x1, s30, s8, $0xb8;
	[tilespmem:$0x1318] =	vst v63  }
0x87: {  	v52 =	vld [tilespmem:$0x200]  }
0x88: {  	v55 =	vld [tilespmem:$0x210]  }
0x89: {  	v50 =	vor.u32 $0x1000, v0;
	v54 =	vor.u32 $0x1030, v0;
	v51 =	vor.u32 $0x1010, v0;
	v60 =	vld [tilespmem:$0x220]  }
0x8a: {  	v59 =	vor.u32 $0x1070, v0;
	v53 =	vor.u32 $0x1020, v0;
	v56 =	vor.u32 $0x1040, v0;
	v62 =	vld [tilespmem:$0x230]  }
0x8b: {  	v58 =	vor.u32 $0x1060, v0;
	v57 =	vor.u32 $0x1050, v0;
	v7 =	vor.u32 s9, v56;
	v17 =	vld [tilespmem:$0x240]  }
0x8c: {  	v8 =	vor.u32 s9, v57;
	v9 =	vor.u32 s9, v58;
	v2 =	vor.u32 s9, v51;
	v19 =	vld [tilespmem:$0x250]  }
0x8d: {  	v4 =	vor.u32 s9, v53;
	v5 =	vor.u32 s9, v54;
	v10 =	vor.u32 s9, v59;
	v24 =	vld [tilespmem:$0x260]  }
0x8e: {  	v1 =	vor.u32 s9, v50;
	v26 =	vld [tilespmem:$0x270];
	v61 =	vshll.u32 v52, $0xE;
	v3 =	vshll.u32 v52, $0x7  }
0x8f: {  	v63 =	vshll.u32 v55, $0x7;
	v15 =	vshll.u32 v55, $0xE;
	v18 =	vshll.u32 v60, $0xE  }
0x90: {  	v11 =	vshll.u32 v60, $0x7;
	v20 =	vshll.u32 v62, $0x7;
	v21 =	vshll.u32 v62, $0xE  }
0x91: {  	v25 =	vshll.u32 v17, $0xE;
	v6 =	vshll.u32 v17, $0x7;
	v27 =	vshll.u32 v19, $0x7  }
0x92: {  	v29 =	vshll.u32 v19, $0xE;
	v33 =	vshll.u32 v24, $0xE;
	v34 =	vshll.u32 v24, $0x7  }
0x93: {  	v36 =	vshll.u32 v26, $0x7;
	v38 =	vshll.u32 v26, $0xE;
	v12 =	vand.u32 $0xFFFE0000, v61  }
0x94: {  	v3 =	vand.u32 $0x380, v3;
	v16 =	vand.u32 $0x380, v63;
	v11 =	vand.u32 $0x380, v11  }
0x95: {  	v22 =	vand.u32 $0x380, v20;
	v23 =	vand.u32 $0xFFFE0000, v21;
	v6 =	vand.u32 $0x380, v6  }
0x96: {  	v30 =	vand.u32 $0x380, v27;
	v31 =	vand.u32 $0xFFFE0000, v29;
	v1 =	vor.u32 v3, v1  }
0x97: {  	v3 =	vand.u32 $0xFFFE0000, v15;
	v2 =	vor.u32 v16, v2;
	v1 =	vor.u32 v12, v1  }
0x98: {  	v4 =	vor.u32 v11, v4;
	v2 =	vor.u32 v3, v2;
	v3 =	vand.u32 $0xFFFE0000, v18;
	[tilespmem:$0x600] =	vst v1  }
0x99: {  	v35 =	vand.u32 $0x380, v34;
	v5 =	vor.u32 v22, v5;
	v3 =	vor.u32 v3, v4;
	[tilespmem:$0x610] =	vst v2  }
0x9a: {  	v28 =	vor.u32 v6, v7;
	v32 =	vor.u32 v30, v8;
	v4 =	vor.u32 v23, v5;
	[tilespmem:$0x620] =	vst v3  }
0x9b: {  	v37 =	vor.u32 v35, v9;
	v5 =	vand.u32 $0xFFFE0000, v25;
	v2 =	vor.u32 v31, v32;
	[tilespmem:$0x630] =	vst v4  }
0x9c: {  	v1 =	vor.u32 v5, v28;
	v3 =	vand.u32 $0xFFFE0000, v33;
	v5 =	vand.u32 $0x380, v36;
	[tilespmem:$0x650] =	vst v2  }
0x9d: {  	v39 =	vand.u32 $0xFFFE0000, v38;
	[tilespmem:$0x640] =	vst v1;
	v1 =	vor.u32 v3, v37;
	v40 =	vor.u32 v5, v10  }
0x9e: {  	[tilespmem:$0x660] =	vst v1;
	v41 =	vor.u32 v39, v40  }
0x9f: {  	s12 =	simm.s32 $0xA00;
	s11 =	simm.s32 $0x600;
	[tilespmem:$0x670] =	vst v41  }
0xa0: {  	[tilespmem:s12], [sflag:$0xA] =	stream.indirect.gather [hbm4b:s7+s8], $0x1, s11, s8, $0xb8;
	[tilespmem:$0x1318] =	vst v63  }
0xa1: {  	v44 =	vld [tilespmem:$0x280]  }
0xa2: {  	v47 =	vld [tilespmem:$0x290]  }
0xa3: {  	v42 =	vor.u32 $0x1400, v0;
	v46 =	vor.u32 $0x1430, v0;
	v43 =	vor.u32 $0x1410, v0;
	v52 =	vld [tilespmem:$0x2A0]  }
0xa4: {  	v51 =	vor.u32 $0x1470, v0;
	v45 =	vor.u32 $0x1420, v0;
	v48 =	vor.u32 $0x1440, v0;
	v54 =	vld [tilespmem:$0x2B0]  }
0xa5: {  	v50 =	vor.u32 $0x1460, v0;
	v49 =	vor.u32 $0x1450, v0;
	v7 =	vor.u32 s9, v48;
	v58 =	vld [tilespmem:$0x2C0]  }
0xa6: {  	v8 =	vor.u32 s9, v49;
	v9 =	vor.u32 s9, v50;
	v2 =	vor.u32 s9, v43;
	v60 =	vld [tilespmem:$0x2D0]  }
0xa7: {  	v4 =	vor.u32 s9, v45;
	v5 =	vor.u32 s9, v46;
	v10 =	vor.u32 s9, v51;
	v17 =	vld [tilespmem:$0x2E0]  }
0xa8: {  	v1 =	vor.u32 s9, v42;
	v19 =	vld [tilespmem:$0x2F0];
	v53 =	vshll.u32 v44, $0xE;
	v3 =	vshll.u32 v44, $0x7  }
0xa9: {  	v55 =	vshll.u32 v47, $0x7;
	v56 =	vshll.u32 v47, $0xE;
	v59 =	vshll.u32 v52, $0xE  }
0xaa: {  	v11 =	vshll.u32 v52, $0x7;
	v61 =	vshll.u32 v54, $0x7;
	v62 =	vshll.u32 v54, $0xE  }
0xab: {  	v18 =	vshll.u32 v58, $0xE;
	v6 =	vshll.u32 v58, $0x7;
	v20 =	vshll.u32 v60, $0x7  }
0xac: {  	v22 =	vshll.u32 v60, $0xE;
	v26 =	vshll.u32 v17, $0xE;
	v27 =	vshll.u32 v17, $0x7  }
0xad: {  	v29 =	vshll.u32 v19, $0x7;
	v31 =	vshll.u32 v19, $0xE;
	v12 =	vand.u32 $0xFFFE0000, v53  }
0xae: {  	v3 =	vand.u32 $0x380, v3;
	v57 =	vand.u32 $0x380, v55;
	v11 =	vand.u32 $0x380, v11  }
0xaf: {  	v63 =	vand.u32 $0x380, v61;
	v16 =	vand.u32 $0xFFFE0000, v62;
	v6 =	vand.u32 $0x380, v6  }
0xb0: {  	v23 =	vand.u32 $0x380, v20;
	v24 =	vand.u32 $0xFFFE0000, v22;
	v1 =	vor.u32 v3, v1  }
0xb1: {  	v3 =	vand.u32 $0xFFFE0000, v56;
	v2 =	vor.u32 v57, v2;
	v1 =	vor.u32 v12, v1  }
0xb2: {  	v4 =	vor.u32 v11, v4;
	v2 =	vor.u32 v3, v2;
	v3 =	vand.u32 $0xFFFE0000, v59;
	[tilespmem:$0x680] =	vst v1  }
0xb3: {  	v28 =	vand.u32 $0x380, v27;
	v5 =	vor.u32 v63, v5;
	v3 =	vor.u32 v3, v4;
	[tilespmem:$0x690] =	vst v2  }
0xb4: {  	v21 =	vor.u32 v6, v7;
	v25 =	vor.u32 v23, v8;
	v4 =	vor.u32 v16, v5;
	[tilespmem:$0x6A0] =	vst v3  }
0xb5: {  	v30 =	vor.u32 v28, v9;
	v5 =	vand.u32 $0xFFFE0000, v18;
	v2 =	vor.u32 v24, v25;
	[tilespmem:$0x6B0] =	vst v4  }
0xb6: {  	v1 =	vor.u32 v5, v21;
	v3 =	vand.u32 $0xFFFE0000, v26;
	v5 =	vand.u32 $0x380, v29;
	[tilespmem:$0x6D0] =	vst v2  }
0xb7: {  	v32 =	vand.u32 $0xFFFE0000, v31;
	[tilespmem:$0x6C0] =	vst v1;
	v1 =	vor.u32 v3, v30;
	v33 =	vor.u32 v5, v10  }
0xb8: {  	[tilespmem:$0x6E0] =	vst v1;
	v34 =	vor.u32 v32, v33  }
0xb9: {  	s13 =	simm.s32 $0x680;
	s14 =	simm.s32 $0xA80;
	[tilespmem:$0x6F0] =	vst v34  }
0xba: {  	[tilespmem:s14], [sflag:$0xB] =	stream.indirect.gather [hbm4b:s7+s8], $0x1, s13, s8, $0xb8;
	[tilespmem:$0x1318] =	vst v63  }
0xbb: {  	v37 =	vld [tilespmem:$0x300]  }
0xbc: {  	v40 =	vld [tilespmem:$0x310]  }
0xbd: {  	v38 =	vor.u32 $0x1820, v0;
	v35 =	vor.u32 $0x1800, v0;
	v36 =	vor.u32 $0x1810, v0;
	v45 =	vld [tilespmem:$0x320]  }
0xbe: {  	v43 =	vor.u32 $0x1860, v0;
	v39 =	vor.u32 $0x1830, v0;
	v41 =	vor.u32 $0x1840, v0;
	v47 =	vld [tilespmem:$0x330]  }
0xbf: {  	v42 =	vor.u32 $0x1850, v0;
	v44 =	vor.u32 $0x1870, v0;
	v7 =	vor.u32 s9, v41;
	v51 =	vld [tilespmem:$0x340]  }
0xc0: {  	v8 =	vor.u32 s9, v42;
	v9 =	vor.u32 s9, v43;
	v2 =	vor.u32 s9, v36;
	v53 =	vld [tilespmem:$0x350]  }
0xc1: {  	v4 =	vor.u32 s9, v38;
	v5 =	vor.u32 s9, v39;
	v10 =	vor.u32 s9, v44;
	v58 =	vld [tilespmem:$0x360]  }
0xc2: {  	v1 =	vor.u32 s9, v35;
	v60 =	vld [tilespmem:$0x370];
	v46 =	vshll.u32 v37, $0xE;
	v3 =	vshll.u32 v37, $0x7  }
0xc3: {  	v48 =	vshll.u32 v40, $0x7;
	v49 =	vshll.u32 v40, $0xE;
	v52 =	vshll.u32 v45, $0xE  }
0xc4: {  	v11 =	vshll.u32 v45, $0x7;
	v54 =	vshll.u32 v47, $0x7;
	v55 =	vshll.u32 v47, $0xE  }
0xc5: {  	v59 =	vshll.u32 v51, $0xE;
	v6 =	vshll.u32 v51, $0x7;
	v61 =	vshll.u32 v53, $0x7  }
0xc6: {  	v63 =	vshll.u32 v53, $0xE;
	v16 =	vshll.u32 v58, $0xE;
	v17 =	vshll.u32 v58, $0x7  }
0xc7: {  	v19 =	vshll.u32 v60, $0x7;
	v21 =	vshll.u32 v60, $0xE;
	v12 =	vand.u32 $0xFFFE0000, v46  }
0xc8: {  	v3 =	vand.u32 $0x380, v3;
	v50 =	vand.u32 $0x380, v48;
	v11 =	vand.u32 $0x380, v11  }
0xc9: {  	v56 =	vand.u32 $0x380, v54;
	v57 =	vand.u32 $0xFFFE0000, v55;
	v6 =	vand.u32 $0x380, v6  }
0xca: {  	v14 =	vand.u32 $0xFFFE0000, v63;
	v18 =	vand.u32 $0x380, v17;
	v1 =	vor.u32 v3, v1  }
0xcb: {  	v3 =	vand.u32 $0xFFFE0000, v49;
	v2 =	vor.u32 v50, v2;
	v1 =	vor.u32 v12, v1  }
0xcc: {  	v4 =	vor.u32 v11, v4;
	v2 =	vor.u32 v3, v2;
	v3 =	vand.u32 $0xFFFE0000, v52;
	[tilespmem:$0x700] =	vst v1  }
0xcd: {  	v5 =	vor.u32 v56, v5;
	v62 =	vor.u32 v6, v7;
	v3 =	vor.u32 v3, v4;
	[tilespmem:$0x710] =	vst v2  }
0xce: {  	v12 =	vand.u32 $0x380, v61;
	v4 =	vor.u32 v57, v5;
	v5 =	vand.u32 $0xFFFE0000, v59;
	[tilespmem:$0x720] =	vst v3  }
0xcf: {  	v20 =	vor.u32 v18, v9;
	v15 =	vor.u32 v12, v8;
	v1 =	vor.u32 v5, v62;
	[tilespmem:$0x730] =	vst v4  }
0xd0: {  	v2 =	vor.u32 v14, v15;
	v3 =	vand.u32 $0xFFFE0000, v16;
	v5 =	vand.u32 $0x380, v19;
	[tilespmem:$0x740] =	vst v1  }
0xd1: {  	v22 =	vand.u32 $0xFFFE0000, v21;
	[tilespmem:$0x750] =	vst v2;
	v1 =	vor.u32 v3, v20;
	v23 =	vor.u32 v5, v10  }
0xd2: {  	[tilespmem:$0x760] =	vst v1;
	v24 =	vor.u32 v22, v23  }
0xd3: {  	s15 =	simm.s32 $0x700;
	s16 =	simm.s32 $0xB00;
	[tilespmem:$0x770] =	vst v24  }
0xd4: {  	[tilespmem:s16], [sflag:$0xC] =	stream.indirect.gather [hbm4b:s7+s8], $0x1, s15, s8, $0xb8;
	[tilespmem:$0x1318] =	vst v63  }
0xd5: {  	v27 =	vld [tilespmem:$0x380]  }
0xd6: {  	v31 =	vor.u32 $0x1C40, v0;
	v28 =	vor.u32 $0x1C20, v0;
	v30 =	vld [tilespmem:$0x390]  }
0xd7: {  	v25 =	vor.u32 $0x1C00, v0;
	v26 =	vor.u32 $0x1C10, v0;
	v29 =	vor.u32 $0x1C30, v0;
	v34 =	vld [tilespmem:$0x3A0]  }
0xd8: {  	v32 =	vor.u32 $0x1C50, v0;
	v33 =	vor.u32 $0x1C60, v0;
	v0 =	vor.u32 $0x1C70, v0;
	v36 =	vld [tilespmem:$0x3B0]  }
0xd9: {  	v0 =	vor.u32 s9, v0;
	v40 =	vld [tilespmem:$0x3C0]  }
0xda: {  	v7 =	vor.u32 s9, v31;
	v9 =	vor.u32 s9, v33;
	v8 =	vor.u32 s9, v32;
	v42 =	vld [tilespmem:$0x3D0]  }
0xdb: {  	v4 =	vor.u32 s9, v28;
	v2 =	vor.u32 s9, v26;
	v5 =	vor.u32 s9, v29;
	v47 =	vld [tilespmem:$0x3E0]  }
0xdc: {  	v1 =	vor.u32 s9, v25;
	v49 =	vld [tilespmem:$0x3F0];
	v35 =	vshll.u32 v27, $0xE;
	v3 =	vshll.u32 v27, $0x7  }
0xdd: {  	v37 =	vshll.u32 v30, $0x7;
	v38 =	vshll.u32 v30, $0xE;
	v41 =	vshll.u32 v34, $0xE  }
0xde: {  	v10 =	vshll.u32 v34, $0x7;
	v43 =	vshll.u32 v36, $0x7;
	v44 =	vshll.u32 v36, $0xE  }
0xdf: {  	v48 =	vshll.u32 v40, $0xE;
	v6 =	vshll.u32 v40, $0x7;
	v50 =	vshll.u32 v42, $0x7  }
0xe0: {  	v52 =	vshll.u32 v42, $0xE;
	v56 =	vshll.u32 v47, $0xE;
	v57 =	vshll.u32 v47, $0x7  }
0xe1: {  	v59 =	vshll.u32 v49, $0x7;
	v61 =	vshll.u32 v49, $0xE;
	v11 =	vand.u32 $0xFFFE0000, v35  }
0xe2: {  	v3 =	vand.u32 $0x380, v3;
	v39 =	vand.u32 $0x380, v37;
	v10 =	vand.u32 $0x380, v10  }
0xe3: {  	v45 =	vand.u32 $0x380, v43;
	v46 =	vand.u32 $0xFFFE0000, v44;
	v6 =	vand.u32 $0x380, v6  }
0xe4: {  	v53 =	vand.u32 $0x380, v50;
	v54 =	vand.u32 $0xFFFE0000, v52;
	v1 =	vor.u32 v3, v1  }
0xe5: {  	v3 =	vand.u32 $0xFFFE0000, v38;
	v2 =	vor.u32 v39, v2;
	v1 =	vor.u32 v11, v1  }
0xe6: {  	v4 =	vor.u32 v10, v4;
	v2 =	vor.u32 v3, v2;
	v3 =	vand.u32 $0xFFFE0000, v41;
	[tilespmem:$0x780] =	vst v1  }
0xe7: {  	v58 =	vand.u32 $0x380, v57;
	v5 =	vor.u32 v45, v5;
	v3 =	vor.u32 v3, v4;
	[tilespmem:$0x790] =	vst v2  }
0xe8: {  	v51 =	vor.u32 v6, v7;
	v55 =	vor.u32 v53, v8;
	v4 =	vor.u32 v46, v5;
	[tilespmem:$0x7A0] =	vst v3  }
0xe9: {  	v60 =	vor.u32 v58, v9;
	v5 =	vand.u32 $0xFFFE0000, v48;
	v2 =	vor.u32 v54, v55;
	[tilespmem:$0x7B0] =	vst v4  }
0xea: {  	v1 =	vor.u32 v5, v51;
	v3 =	vand.u32 $0xFFFE0000, v56;
	v5 =	vand.u32 $0x380, v59;
	[tilespmem:$0x7D0] =	vst v2  }
0xeb: {  	v62 =	vand.u32 $0xFFFE0000, v61;
	[tilespmem:$0x7C0] =	vst v1;
	v1 =	vor.u32 v3, v60;
	v0 =	vor.u32 v5, v0  }
0xec: {  	[tilespmem:$0x7E0] =	vst v1;
	v0 =	vor.u32 v62, v0  }
0xed: {  	s17 =	simm.s32 $0x780;
	s18 =	simm.s32 $0xB80;
	s19 =	simm.s32 $0x3;
	[tilespmem:$0x7F0] =	vst v0  }
0xee: {  	[tilespmem:s18], [sflag:$0xD] =	stream.indirect.gather [hbm4b:s7+s8], $0x1, s17, s8, $0xb8;
	[tilespmem:$0x1318] =	vst v63  }
0xef: {  	_ =	swait.ge [sflag:s19], $0x400  }
0xf0: {  	[sflag:s19] =	ssyncset.done $0x0  }
0xf1: {  	s20 =	simm.s32 $0x6;
	[sflag:s19] =	ssyncadd.s32 $0xFFFFFC00  }
0xf2: {  	_ =	swait.ge [sflag:s20], $0x80  }
0xf3: {  	[sflag:s20] =	ssyncset.done $0x0  }
0xf4: {  	[sflag:s20] =	ssyncadd.s32 $0xFFFFFF80  }
0xf5: {  	v0 =	vld [tilespmem:$0x800]  }
0xf6: {  	v1 =	vld [tilespmem:$0xC00]  }
0xf7: {  	v2 =	vld [tilespmem:$0x810]  }
0xf8: {  	v3 =	vld [tilespmem:$0xC10]  }
0xf9: {  	v4 =	vld [tilespmem:$0x820]  }
0xfa: {  	v5 =	vld [tilespmem:$0xC20]  }
0xfb: {  	v6 =	vld [tilespmem:$0x830]  }
0xfc: {  	v7 =	vld [tilespmem:$0xC30]  }
0xfd: {  	v8 =	vld [tilespmem:$0x840]  }
0xfe: {  	v9 =	vld [tilespmem:$0xC40]  }
0xff: {  	v10 =	vld [tilespmem:$0x850]  }
0x100: {  	v11 =	vld [tilespmem:$0xC50]  }
0x101: {  	v12 =	vld [tilespmem:$0x860]  }
0x102: {  	v13 =	vld [tilespmem:$0xC60]  }
0x103: {  	s21 =	simm.s32 $0x7;
	v14 =	vld [tilespmem:$0x870]  }
0x104: {  	v15 =	vld [tilespmem:$0xC70];
	_ =	swait.ge [sflag:s21], $0x80  }
0x105: {  	[sflag:s21] =	ssyncset.done $0x0  }
0x106: {  	[sflag:s21] =	ssyncadd.s32 $0xFFFFFF80  }
0x107: {  	v16 =	vld [tilespmem:$0x880]  }
0x108: {  	v17 =	vld [tilespmem:$0xC80]  }
0x109: {  	v18 =	vld [tilespmem:$0x890]  }
0x10a: {  	v19 =	vld [tilespmem:$0xC90]  }
0x10b: {  	v20 =	vld [tilespmem:$0x8A0]  }
0x10c: {  	v21 =	vld [tilespmem:$0xCA0]  }
0x10d: {  	v22 =	vld [tilespmem:$0x8B0]  }
0x10e: {  	v23 =	vld [tilespmem:$0xCB0]  }
0x10f: {  	v24 =	vld [tilespmem:$0x8C0]  }
0x110: {  	v25 =	vld [tilespmem:$0xCC0]  }
0x111: {  	v26 =	vld [tilespmem:$0x8D0]  }
0x112: {  	v27 =	vld [tilespmem:$0xCD0]  }
0x113: {  	v28 =	vld [tilespmem:$0x8E0]  }
0x114: {  	v29 =	vld [tilespmem:$0xCE0]  }
0x115: {  	s22 =	simm.s32 $0x8;
	v30 =	vld [tilespmem:$0x8F0]  }
0x116: {  	v31 =	vld [tilespmem:$0xCF0];
	_ =	swait.ge [sflag:s22], $0x80  }
0x117: {  	[sflag:s22] =	ssyncset.done $0x0  }
0x118: {  	[sflag:s22] =	ssyncadd.s32 $0xFFFFFF80  }
0x119: {  	v32 =	vld [tilespmem:$0x900]  }
0x11a: {  	v33 =	vld [tilespmem:$0xD00]  }
0x11b: {  	v34 =	vld [tilespmem:$0x910]  }
0x11c: {  	v35 =	vld [tilespmem:$0xD10]  }
0x11d: {  	v36 =	vld [tilespmem:$0x920]  }
0x11e: {  	v37 =	vld [tilespmem:$0xD20]  }
0x11f: {  	v38 =	vld [tilespmem:$0x930]  }
0x120: {  	v39 =	vld [tilespmem:$0xD30]  }
0x121: {  	v40 =	vld [tilespmem:$0x940]  }
0x122: {  	v41 =	vld [tilespmem:$0xD40]  }
0x123: {  	v42 =	vld [tilespmem:$0x950]  }
0x124: {  	v43 =	vld [tilespmem:$0xD50]  }
0x125: {  	v44 =	vld [tilespmem:$0x960]  }
0x126: {  	v45 =	vld [tilespmem:$0xD60]  }
0x127: {  	s23 =	simm.s32 $0x9;
	v46 =	vld [tilespmem:$0x970]  }
0x128: {  	v47 =	vld [tilespmem:$0xD70];
	_ =	swait.ge [sflag:s23], $0x80  }
0x129: {  	[sflag:s23] =	ssyncset.done $0x0  }
0x12a: {  	[sflag:s23] =	ssyncadd.s32 $0xFFFFFF80  }
0x12b: {  	v48 =	vld [tilespmem:$0x980]  }
0x12c: {  	v49 =	vld [tilespmem:$0xD80]  }
0x12d: {  	v50 =	vld [tilespmem:$0x990]  }
0x12e: {  	v51 =	vld [tilespmem:$0xD90]  }
0x12f: {  	v63 =	vld [tilespmem:$0x9E0]  }
0x130: {  	v52 =	vld [tilespmem:$0x9A0]  }
0x131: {  	v56 =	vld [tilespmem:$0x9D0]  }
0x132: {  	v61 =	vld [tilespmem:$0xDE0]  }
0x133: {  	v62 =	vld [tilespmem:$0x9F0]  }
0x134: {  	[tilespmem:$0x1FF30] =	vst v63;
	v63 =	vld [tilespmem:$0xDF0]  }
0x135: {  	v53 =	vld [tilespmem:$0xDA0]  }
0x136: {  	v54 =	vld [tilespmem:$0x9B0];
	[tilespmem:$0x1FF20] =	vst v56  }
0x137: {  	v55 =	vld [tilespmem:$0xDB0];
	[tilespmem:$0x1FF40] =	vst v61  }
0x138: {  	v60 =	vld [tilespmem:$0x9C0];
	[tilespmem:$0x1FF50] =	vst v62  }
0x139: {  	s24 =	simm.s32 $0xA;
	v57 =	vld [tilespmem:$0xDC0];
	[tilespmem:$0x1FF60] =	vst v63  }
0x13a: {  	v59 =	vld [tilespmem:$0xDD0];
	_ =	swait.ge [sflag:s24], $0x80  }
0x13b: {  	[sflag:s24] =	ssyncset.done $0x0  }
0x13c: {  	[sflag:s24] =	ssyncadd.s32 $0xFFFFFF80  }
0x13d: {  	v62 =	vld [tilespmem:$0xA20];
	_ =	sdelay $0x4  }
0x13e: {  	[tilespmem:$0x1FF70] =	vst v62;
	v62 =	vld [tilespmem:$0xE20];
	_ =	sdelay $0x4  }
0x13f: {  	[tilespmem:$0x1FF80] =	vst v62;
	v62 =	vld [tilespmem:$0xA30];
	_ =	sdelay $0x4  }
0x140: {  	[tilespmem:$0x1FF90] =	vst v62;
	v62 =	vld [tilespmem:$0xE30];
	_ =	sdelay $0x4  }
0x141: {  	[tilespmem:$0x1FFA0] =	vst v62;
	v62 =	vld [tilespmem:$0xA40];
	_ =	sdelay $0x4  }
0x142: {  	[tilespmem:$0x1FFB0] =	vst v62;
	v62 =	vld [tilespmem:$0xE40];
	_ =	sdelay $0x4  }
0x143: {  	[tilespmem:$0x1FFC0] =	vst v62;
	v62 =	vld [tilespmem:$0xA50];
	_ =	sdelay $0x4  }
0x144: {  	[tilespmem:$0x1FFD0] =	vst v62;
	v62 =	vld [tilespmem:$0xE50];
	_ =	sdelay $0x3  }
0x145: {  	v58 =	vld [tilespmem:$0xA00]  }
0x146: {  	[tilespmem:$0x1FFE0] =	vst v62;
	v62 =	vld [tilespmem:$0xA60]  }
0x147: {  	v56 =	vld [tilespmem:$0xE00]  }
0x148: {  	v63 =	vld [tilespmem:$0xA10]  }
0x149: {  	v61 =	vld [tilespmem:$0xE10]  }
0x14a: {  	v0 =	vmul.f32 v1, v0;
	v1 =	vld [tilespmem:$0xA70]  }
0x14b: {  	s25 =	simm.s32 $0xB;
	v2 =	vmul.f32 v3, v2;
	v3 =	vld [tilespmem:$0xE70];
	[tilespmem:$0x1FFF0] =	vst v62  }
0x14c: {  	v62 =	vld [tilespmem:$0xE60];
	_ =	swait.ge [sflag:s25], $0x80  }
0x14d: {  	[sflag:s25] =	ssyncset.done $0x0  }
0x14e: {  	v4 =	vmul.f32 v5, v4;
	v0 =	vadd.f32 $0.0e+00, v0;
	[sflag:s25] =	ssyncadd.s32 $0xFFFFFF80  }
0x14f: {  	v5 =	vmul.f32 v7, v6;
	v6 =	vld [tilespmem:$0xA80]  }
0x150: {  	v9 =	vmul.f32 v9, v8;
	v2 =	vadd.f32 $0.0e+00, v2;
	v0 =	vadd.f32 v4, v0;
	v7 =	vld [tilespmem:$0xE80]  }
0x151: {  	v8 =	vld [tilespmem:$0xA90]  }
0x152: {  	v11 =	vmul.f32 v11, v10;
	v2 =	vadd.f32 v5, v2;
	v0 =	vadd.f32 v9, v0;
	v9 =	vld [tilespmem:$0xE90]  }
0x153: {  	v10 =	vld [tilespmem:$0xAA0]  }
0x154: {  	v13 =	vmul.f32 v13, v12;
	v15 =	vmul.f32 v15, v14;
	v2 =	vadd.f32 v11, v2;
	v11 =	vld [tilespmem:$0xEA0]  }
0x155: {  	v17 =	vmul.f32 v17, v16;
	v12 =	vld [tilespmem:$0xAB0]  }
0x156: {  	v19 =	vmul.f32 v19, v18;
	v0 =	vadd.f32 v13, v0;
	v2 =	vadd.f32 v15, v2;
	v13 =	vld [tilespmem:$0xEB0]  }
0x157: {  	v21 =	vmul.f32 v21, v20;
	v14 =	vld [tilespmem:$0xAC0]  }
0x158: {  	v23 =	vmul.f32 v23, v22;
	v0 =	vadd.f32 v17, v0;
	v2 =	vadd.f32 v19, v2;
	v15 =	vld [tilespmem:$0xEC0]  }
0x159: {  	v25 =	vmul.f32 v25, v24;
	v16 =	vld [tilespmem:$0xAD0]  }
0x15a: {  	v27 =	vmul.f32 v27, v26;
	v0 =	vadd.f32 v21, v0;
	v2 =	vadd.f32 v23, v2;
	v17 =	vld [tilespmem:$0xED0]  }
0x15b: {  	v29 =	vmul.f32 v29, v28;
	v18 =	vld [tilespmem:$0xAE0]  }
0x15c: {  	v31 =	vmul.f32 v31, v30;
	v0 =	vadd.f32 v25, v0;
	v2 =	vadd.f32 v27, v2;
	v19 =	vld [tilespmem:$0xEE0]  }
0x15d: {  	s26 =	simm.s32 $0xC;
	v33 =	vmul.f32 v33, v32;
	v20 =	vld [tilespmem:$0xAF0]  }
0x15e: {  	v35 =	vmul.f32 v35, v34;
	v0 =	vadd.f32 v29, v0;
	v2 =	vadd.f32 v31, v2;
	v21 =	vld [tilespmem:$0xEF0];
	_ =	swait.ge [sflag:s26], $0x80  }
0x15f: {  	v34 =	vld [tilespmem:$0x1FF20]  }
0x160: {  	v37 =	vmul.f32 v37, v36;
	v0 =	vadd.f32 v33, v0;
	v2 =	vadd.f32 v35, v2;
	v35 =	vld [tilespmem:$0x1FF30]  }
0x161: {  	v36 =	vld [tilespmem:$0x1FF40]  }
0x162: {  	v0 =	vadd.f32 v37, v0;
	v37 =	vld [tilespmem:$0x1FF50]  }
0x163: {  	v24 =	vmul.f32 v39, v38;
	v38 =	vld [tilespmem:$0x1FF60]  }
0x164: {  	v25 =	vmul.f32 v41, v40;
	v41 =	vld [tilespmem:$0x1FF70]  }
0x165: {  	v26 =	vmul.f32 v43, v42;
	v42 =	vld [tilespmem:$0x1FF80]  }
0x166: {  	v43 =	vld [tilespmem:$0x1FF90]  }
0x167: {  	v27 =	vmul.f32 v45, v44;
	v44 =	vld [tilespmem:$0x1FFA0]  }
0x168: {  	v45 =	vld [tilespmem:$0x1FFB0]  }
0x169: {  	v28 =	vmul.f32 v47, v46;
	v2 =	vadd.f32 v24, v2;
	v46 =	vld [tilespmem:$0x1FFC0]  }
0x16a: {  	v0 =	vadd.f32 v25, v0;
	v47 =	vld [tilespmem:$0x1FFD0]  }
0x16b: {  	v29 =	vmul.f32 v49, v48;
	v2 =	vadd.f32 v26, v2;
	[sflag:s26] =	ssyncset.done $0x0;
	v48 =	vld [tilespmem:$0x1FFE0]  }
0x16c: {  	v30 =	vmul.f32 v51, v50;
	v0 =	vadd.f32 v27, v0;
	v50 =	vld [tilespmem:$0x1FFF0];
	[sflag:s26] =	ssyncadd.s32 $0xFFFFFF80  }
0x16d: {  	v2 =	vadd.f32 v28, v2;
	v22 =	vld [tilespmem:$0xB00]  }
0x16e: {  	v31 =	vmul.f32 v53, v52;
	v0 =	vadd.f32 v29, v0;
	v23 =	vld [tilespmem:$0xF00]  }
0x16f: {  	v32 =	vmul.f32 v55, v54;
	v2 =	vadd.f32 v30, v2;
	v24 =	vld [tilespmem:$0xB10]  }
0x170: {  	v33 =	vmul.f32 v57, v60;
	v0 =	vadd.f32 v31, v0;
	v25 =	vld [tilespmem:$0xF10]  }
0x171: {  	v2 =	vadd.f32 v32, v2;
	v26 =	vld [tilespmem:$0xB20];
	v5 =	vmul.f32 v59, v34  }
0x172: {  	v0 =	vadd.f32 v33, v0;
	v27 =	vld [tilespmem:$0xF20];
	v4 =	vmul.f32 v36, v35  }
0x173: {  	v28 =	vld [tilespmem:$0xB30];
	v2 =	vadd.f32 v5, v2;
	v5 =	vmul.f32 v38, v37  }
0x174: {  	v39 =	vmul.f32 v56, v58;
	v29 =	vld [tilespmem:$0xF30];
	v0 =	vadd.f32 v4, v0  }
0x175: {  	v40 =	vmul.f32 v61, v63;
	v30 =	vld [tilespmem:$0xB40];
	v2 =	vadd.f32 v5, v2  }
0x176: {  	v31 =	vld [tilespmem:$0xF40];
	v4 =	vmul.f32 v42, v41;
	v0 =	vadd.f32 v39, v0  }
0x177: {  	v32 =	vld [tilespmem:$0xB50];
	v5 =	vmul.f32 v44, v43;
	v2 =	vadd.f32 v40, v2  }
0x178: {  	v33 =	vld [tilespmem:$0xF50];
	v0 =	vadd.f32 v4, v0  }
0x179: {  	v49 =	vld [tilespmem:$0xF60];
	v4 =	vmul.f32 v46, v45;
	v2 =	vadd.f32 v5, v2;
	v5 =	vmul.f32 v48, v47  }
0x17a: {  	v1 =	vmul.f32 v3, v1;
	v51 =	vld [tilespmem:$0xB70]  }
0x17b: {  	s28 =	simm.s32 $0xD;
	v52 =	vld [tilespmem:$0xF70];
	v0 =	vadd.f32 v4, v0;
	v4 =	vmul.f32 v62, v50;
	v2 =	vadd.f32 v5, v2  }
0x17c: {  	v53 =	vmul.f32 v7, v6;
	v34 =	vld [tilespmem:$0xB60];
	_ =	swait.ge [sflag:s28], $0x80  }
0x17d: {  	v54 =	vmul.f32 v9, v8;
	[sflag:s28] =	ssyncset.done $0x0;
	v0 =	vadd.f32 v4, v0;
	v1 =	vadd.f32 v1, v2  }
0x17e: {  	v55 =	vmul.f32 v11, v10;
	[sflag:s28] =	ssyncadd.s32 $0xFFFFFF80  }
0x17f: {  	v56 =	vmul.f32 v13, v12;
	v57 =	vld [tilespmem:$0xB80];
	v0 =	vadd.f32 v53, v0;
	v1 =	vadd.f32 v54, v1  }
0x180: {  	v58 =	vmul.f32 v15, v14;
	v59 =	vld [tilespmem:$0xF80]  }
0x181: {  	v60 =	vmul.f32 v17, v16;
	v61 =	vld [tilespmem:$0xB90];
	v0 =	vadd.f32 v55, v0;
	v1 =	vadd.f32 v56, v1  }
0x182: {  	v20 =	vmul.f32 v21, v20;
	v63 =	vld [tilespmem:$0xF90]  }
0x183: {  	v21 =	vld [tilespmem:$0xBA0];
	v62 =	vmul.f32 v19, v18;
	v0 =	vadd.f32 v58, v0;
	v1 =	vadd.f32 v60, v1  }
0x184: {  	v37 =	vmul.f32 v23, v22;
	v38 =	vld [tilespmem:$0xFA0]  }
0x185: {  	v42 =	vld [tilespmem:$0xFB0];
	v39 =	vmul.f32 v25, v24;
	v0 =	vadd.f32 v62, v0;
	v1 =	vadd.f32 v20, v1  }
0x186: {  	v41 =	vmul.f32 v27, v26;
	v51 =	vmul.f32 v52, v51;
	v52 =	vld [tilespmem:$0xBE0]  }
0x187: {  	v43 =	vmul.f32 v29, v28;
	v44 =	vld [tilespmem:$0xBC0];
	v0 =	vadd.f32 v37, v0;
	v1 =	vadd.f32 v39, v1  }
0x188: {  	v40 =	vld [tilespmem:$0xBB0];
	v45 =	vmul.f32 v31, v30  }
0x189: {  	v46 =	vld [tilespmem:$0xFC0];
	v47 =	vmul.f32 v33, v32;
	v0 =	vadd.f32 v41, v0;
	v1 =	vadd.f32 v43, v1  }
0x18a: {  	v48 =	vld [tilespmem:$0xBD0]  }
0x18b: {  	v49 =	vmul.f32 v49, v34;
	v50 =	vld [tilespmem:$0xFD0];
	v0 =	vadd.f32 v45, v0;
	v1 =	vadd.f32 v47, v1  }
0x18c: {  	v53 =	vmul.f32 v59, v57;
	v54 =	vld [tilespmem:$0xFE0]  }
0x18d: {  	v55 =	vmul.f32 v63, v61;
	v56 =	vld [tilespmem:$0xBF0];
	v0 =	vadd.f32 v49, v0;
	v1 =	vadd.f32 v51, v1  }
0x18e: {  	v57 =	vmul.f32 v38, v21;
	v58 =	vld [tilespmem:$0xFF0]  }
0x18f: {  	v59 =	vmul.f32 v42, v40;
	v0 =	vadd.f32 v53, v0;
	v1 =	vadd.f32 v55, v1  }
0x190: {  	v61 =	vmul.f32 v50, v48  }
0x191: {  	v60 =	vmul.f32 v46, v44;
	v0 =	vadd.f32 v57, v0;
	v1 =	vadd.f32 v59, v1  }
0x192: {  	v62 =	vmul.f32 v54, v52  }
0x193: {  	v63 =	vmul.f32 v58, v56;
	v0 =	vadd.f32 v60, v0;
	v1 =	vadd.f32 v61, v1;
	_ =	sdelay $0x1  }
0x194: {  	v0 =	vadd.f32 v62, v0;
	v1 =	vadd.f32 v63, v1;
	_ =	sdelay $0x1  }
0x195: {  	v0 =	vadd.f32 v1, v0;
	_ =	sdelay $0x1  }
0x196: {  	s29 =	simm.s32 $0x5;
	[tilespmem:$0x1000] =	vst v0  }
0x197: {  	_ =	swait.ge [sflag:s29], $0x1  }
0x198: {  	[sflag:s29] =	ssyncset.done $0x0  }
0x199: {  	[sflag:s29] =	ssyncadd.s32 $0xFFFFFFFF  }
0x19a: {  	s30 =	simm.s32 $0x1000;
	s31 =	simm.s32 $0xE;
	[bflag:$0x0] =	sbarrier.arrive $0xFFFF  }
0x19b: {  	[spmem:s2] =	stream.indirect.scatter.add.f32 [tilespmem:s30], [sflag:$0xE], $0x10, s6, s5, $0xb8;
	[tilespmem:$0x1318] =	vst v63  }
0x19c: {  	_ =	swait.ge [sflag:s31], $0x10  }
0x19d: {  	[sflag:s31] =	ssyncset.done $0x0  }
0x19e: {  	[sflag:s31] =	ssyncadd.s32 $0xFFFFFFF0  }
0x19f: {  	[bflag:$0x0] =	sbarrier.arrive $0xFFFF  }
0x1a0: {  	_ =	sfence.sel @p0 $0x180000  }
0x1a1: {  	[bflag:$0x0] =	sbarrier.arrive @p0 $0xFFFF  }
0x1a2: {  	_ =	strace @p0 $0x90000047  }
0x1a3: {  	s5 =	simm.s32 @!p0 $0x1218;
	[bflag:$0x2] =	sbarrier.arrive @p0 $0xFFFF  }
0x1a4: {  	[tilespmem:s5], [sflag:$0xE] =	stream.linear.gather @!p0 [spmem:s2], $0x80, $0x38;
	[tilespmem:$0x1318] =	vst v63  }
0x1a5: {  	_ =	swait.ge @!p0 [sflag:s3], $0x80  }
0x1a6: {  	[sflag:s3] =	ssyncset.done @!p0 $0x0  }
0x1a7: {  	[sflag:s3] =	ssyncadd.s32 @!p0 $0xFFFFFF80  }
0x1a8: {  	v0 =	vld @!p0 [tilespmem:$0x1218];
	_ =	sdelay $0x4  }
0x1a9: {  	[tilespmem:$0x12A8] =	vst @!p0 v0  }
0x1aa: {  	[tilespmem:$0x1298] =	vst @!p0 v0  }
0x1ab: {  	v1 =	vld @!p0 [tilespmem:$0x12A0];
	_ =	sdelay $0x4  }
0x1ac: {  	v0 =	vadd.f32 @!p0 v1, v0;
	_ =	sdelay $0x1  }
0x1ad: {  	[tilespmem:$0x1298] =	vst @!p0 v0  }
0x1ae: {  	v1 =	vld @!p0 [tilespmem:$0x129C];
	_ =	sdelay $0x4  }
0x1af: {  	v0 =	vadd.f32 @!p0 v1, v0;
	_ =	sdelay $0x1  }
0x1b0: {  	[tilespmem:$0x1298] =	vst @!p0 v0  }
0x1b1: {  	v1 =	vld @!p0 [tilespmem:$0x129A];
	_ =	sdelay $0x4  }
0x1b2: {  	v0 =	vadd.f32 @!p0 v1, v0;
	_ =	sdelay $0x1  }
0x1b3: {  	[tilespmem:$0x1298] =	vst @!p0 v0  }
0x1b4: {  	v1 =	vld @!p0 [tilespmem:$0x1299];
	_ =	sdelay $0x4  }
0x1b5: {  	v0 =	vadd.f32 @!p0 v1, v0;
	_ =	sdelay $0x1  }
0x1b6: {  	v0 =	vmul.f32 @!p0 $-6.103515630e-05, v0;
	_ =	sdelay $0x1  }
0x1b7: {  	s2 =	simm.s32 @!p0 $0x0;
	[tilespmem:$0x1080] =	vst @!p0 v0  }
0x1b8: {  	[hbm4b:s1+s2] =	stream.linear.scatter @!p0 [tilespmem:s4], [sflag:$0xE], $0x1, $0x38;
	[tilespmem:$0x1318] =	vst v63  }
0x1b9: {  	_ =	swait.ge @!p0 [sflag:s3], $0x1  }
0x1ba: {  	[sflag:s3] =	ssyncset.done @!p0 $0x0  }
0x1bb: {  	[sflag:s3] =	ssyncadd.s32 @!p0 $0xFFFFFFFF  }
0x1bc: {  	_ =	sfence.sel @!p0 $0x180000  }
0x1bd: {  	[bflag:$0x0] =	sbarrier.arrive @!p0 $0xFFFF  }
0x1be: {  	_ =	strace @!p0 $0x90000047  }
0x1bf: {  	s0 =	sadd.s32 @!p0 $0x100000, s0;
	[bflag:$0x2] =	sbarrier.arrive @!p0 $0xFFFF  }
0x1c0: {  	[sflag:s0] =	ssyncadd.tile.s32 @!p0 $0x1;
	_ =	shalt  }
.Lfunc_end2:
_tile_overlayer_lowered:
.L_overlay_start_2:
0x1c1: {  	(tag) =	ssettag $0x2  }
0x1c2: {  	s0 =	rddreg [dreg:$0x0];
	s2 =	stileid.u32  }
0x1c3: {  	s1 =	rddreg [dreg:$0x1];
	p0 =	sne.s32 s2, $0x0  }
0x1c4: {  	s3 =	rddreg [dreg:$0x2];
	[bflag:$0x3] =	sbarrier.arrive $0xFFFF;
	s2 =	simm.s32 @!p0 $0x1C0E  }
0x1c5: {  	[timem:s3], [sflag:s2] =	dma.local @!p0 [hbm:s0], s1  }
0x1c6: {  	s0 =	simm.s32 @!p0 $0xE  }
0x1c7: {  	_ =	swait.ge @!p0 [sflag:s0], s1  }
0x1c8: {  	s1 =	ssub.s32 @!p0 $0x0, s1;
	[sflag:s0] =	ssyncset.done @!p0 $0x0  }
0x1c9: {  	[sflag:s0] =	ssyncadd.s32 @!p0 s1  }
0x1ca: {  	[bflag:$0x3] =	sbarrier.arrive $0xFFFF  }
0x1cb: {  	_ =	shalt  }

</sc_bundles>
